<compile_context>
chip_gen: v7x
topology: tpu7x:2x2x1
jax: 0.10.2.dev20260603
libtpu: 0.0.44.dev20260713+nightly
codegen_flags: <defaults>
</compile_context>

<pallas_src>
import functools

import jax
import jax.numpy as jnp
from jax import lax
from jax.experimental import pallas as pl
from jax.experimental.pallas import tpu as pltpu
from jax.experimental.pallas import tpu_sc as plsc

N = 10000
EDGES = 320000
D = 128
NC, NS = 2, 16
NW = NC * NS
EPT = EDGES // NW
CHUNK = 64
NCHUNK = 160
EPT_P = NCHUNK * CHUNK
EDGES_P = NW * EPT_P
RING = 4
PDIST = 3
NP = N + 8
ROWS_PT = 624
TAIL_ROWS = N - NS * ROWS_PT

_MESH = plsc.VectorSubcoreMesh(
    core_axis_name="c", subcore_axis_name="s", num_cores=NC, num_subcores=NS)



@functools.partial(
    pl.kernel,
    out_type=jax.ShapeDtypeStruct((NW, N), jnp.float32),
    mesh=_MESH,
    scratch_types=[
        pltpu.VMEM((EPT,), jnp.int32),
        pltpu.VMEM((N,), jnp.float32),
    ],
    compiler_params=pltpu.CompilerParams(needs_layout_passes=False),
)
def _deg_kernel(dst_hbm, out_hbm, dbuf, acc):
    cid = lax.axis_index("c")
    sid = lax.axis_index("s")
    wid = cid * NS + sid
    pltpu.sync_copy(dst_hbm.at[wid], dbuf)
    zeros16 = jnp.zeros((16,), jnp.float32)

    @pl.loop(0, N // 16)
    def _zero(i):
        acc[pl.ds(i * 16, 16)] = zeros16

    ones16 = jnp.ones((16,), jnp.float32)

    @pl.loop(0, EPT // 16)
    def _hist(g):
        idx = dbuf[pl.ds(g * 16, 16)]
        plsc.addupdate_scatter(acc, [idx], ones16)

    pltpu.sync_copy(acc, out_hbm.at[wid])


@functools.partial(
    pl.kernel,
    out_type=jax.ShapeDtypeStruct((NC, N, D), jnp.float32),
    mesh=_MESH,
    scratch_types=[
        pltpu.VMEM_SHARED((N, D), jnp.float32),
        pltpu.VMEM((EPT_P,), jnp.int32),
        pltpu.VMEM((RING, CHUNK), jnp.int32),
        pltpu.VMEM((RING, CHUNK, D), jnp.float32),
        pltpu.SemaphoreType.DMA((RING,)),
        pltpu.SemaphoreType.DMA((RING,)),
        pltpu.SemaphoreType.DMA((RING,)),
    ],
)
def _hop_kernel(y_hbm, zero_hbm, src_hbm, dst_hbm, out_hbm,
                acc, sidx, didx, rows, gsem, isem, ssem):
    cid = lax.axis_index("c")
    sid = lax.axis_index("s")
    wid = cid * NS + sid
    row0 = pl.multiple_of(sid * ROWS_PT, 8)
    ebase = pl.multiple_of(wid * EPT_P, 64)

    def start_chunk(jj, b):
        eoff = pl.multiple_of(ebase + jj * CHUNK, 64)
        pltpu.async_copy(dst_hbm.at[pl.ds(eoff, CHUNK)], didx.at[b],
                         isem.at[b])
        loff = pl.multiple_of(jj * CHUNK, 64)
        pltpu.async_copy(y_hbm.at[sidx.at[pl.ds(loff, CHUNK)]], rows.at[b],
                         gsem.at[b])

    def wait_chunk(jj, b):
        eoff = pl.multiple_of(ebase + jj * CHUNK, 64)
        pltpu.make_async_copy(dst_hbm.at[pl.ds(eoff, CHUNK)], didx.at[b],
                              isem.at[b]).wait()
        loff = pl.multiple_of(jj * CHUNK, 64)
        pltpu.make_async_copy(y_hbm.at[sidx.at[pl.ds(loff, CHUNK)]],
                              rows.at[b], gsem.at[b]).wait()

    pltpu.sync_copy(src_hbm.at[pl.ds(ebase, EPT_P)], sidx)
    for b in range(PDIST):
        start_chunk(b, b)

    @pl.when(cid == 0)
    def _():
        pltpu.sync_copy(y_hbm.at[pl.ds(row0, ROWS_PT)],
                        acc.at[pl.ds(row0, ROWS_PT)])

        @pl.when(sid == NS - 1)
        def _():
            pltpu.sync_copy(y_hbm.at[pl.ds(NS * ROWS_PT, TAIL_ROWS)],
                            acc.at[pl.ds(NS * ROWS_PT, TAIL_ROWS)])

    @pl.when(cid != 0)
    def _():
        pltpu.sync_copy(zero_hbm.at[pl.ds(row0, ROWS_PT)],
                        acc.at[pl.ds(row0, ROWS_PT)])

        @pl.when(sid == NS - 1)
        def _():
            pltpu.sync_copy(zero_hbm.at[pl.ds(NS * ROWS_PT, TAIL_ROWS)],
                            acc.at[pl.ds(NS * ROWS_PT, TAIL_ROWS)])

    plsc.subcore_barrier()

    @pl.loop(0, NCHUNK, step=RING)
    def _main(j):
        for b in range(RING):
            k = j + b
            q = (b + PDIST) % RING
            kp = k + PDIST

            @pl.when(kp < NCHUNK)
            def _():
                @pl.when(k >= RING - PDIST)
                def _():
                    pltpu.make_async_copy(
                        rows.at[q], acc.at[didx.at[q]], ssem.at[q]).wait()

                start_chunk(kp, q)

            wait_chunk(k, b)
            pltpu.async_copy(rows.at[b], acc.at[didx.at[b]], ssem.at[b],
                             add=True)

    for b in range(RING):
        pltpu.make_async_copy(
            rows.at[b], acc.at[didx.at[b]], ssem.at[b]).wait()

    plsc.subcore_barrier()
    pltpu.sync_copy(acc.at[pl.ds(row0, ROWS_PT)],
                    out_hbm.at[cid, pl.ds(row0, ROWS_PT)])

    @pl.when(sid == NS - 1)
    def _():
        pltpu.sync_copy(acc.at[pl.ds(NS * ROWS_PT, TAIL_ROWS)],
                        out_hbm.at[cid, pl.ds(NS * ROWS_PT, TAIL_ROWS)])



def _deg_from(dp):
    return jnp.sum(dp, axis=0) + 1.0


def _prep_body(x_ref, w_ref, dp_ref, y0_ref):
    dinv = lax.rsqrt(_deg_from(dp_ref[...]))
    xw = lax.dot_general(x_ref[...], w_ref[...], (((1,), (1,)), ((), ())),
                         preferred_element_type=jnp.float32)
    y0_ref[pl.ds(0, N)] = dinv[:, None] * xw
    y0_ref[pl.ds(N, NP - N)] = jnp.zeros((NP - N, D), jnp.float32)


def _comb1_body(p_ref, dp_ref, y1_ref):
    deg = _deg_from(dp_ref[...])
    y1_ref[pl.ds(0, N)] = (p_ref[0] + p_ref[1]) / deg[:, None]
    y1_ref[pl.ds(N, NP - N)] = jnp.zeros((NP - N, D), jnp.float32)


def _comb2_body(p_ref, dp_ref, b_ref, o_ref):
    dinv = lax.rsqrt(_deg_from(dp_ref[...]))
    o_ref[...] = dinv[:, None] * (p_ref[0] + p_ref[1]) + b_ref[...]


_prep = pl.pallas_call(
    _prep_body, out_shape=jax.ShapeDtypeStruct((NP, D), jnp.float32))
_comb1 = pl.pallas_call(
    _comb1_body, out_shape=jax.ShapeDtypeStruct((NP, D), jnp.float32))
_comb2 = pl.pallas_call(
    _comb2_body, out_shape=jax.ShapeDtypeStruct((N, D), jnp.float32))



def kernel(V, E, X, W, b):
    del V
    src = E[0].astype(jnp.int32)
    dst = E[1].astype(jnp.int32)
    npad = EDGES_P - EDGES
    ppt = npad // NW
    pad_ar = jnp.arange(npad, dtype=jnp.int32)
    src_p = jnp.concatenate(
        [src.reshape(NW, EPT), (N + (pad_ar % 8)).reshape(NW, ppt)],
        axis=1).reshape(-1)
    dst_p = jnp.concatenate(
        [dst.reshape(NW, EPT), (pad_ar % N).reshape(NW, ppt)],
        axis=1).reshape(-1)
    dstf = dst.reshape(NW, EPT)
    zeros = jnp.zeros((N, D), jnp.float32)

    dp = _deg_kernel(dstf)
    y0 = _prep(X, W, dp)
    p = _hop_kernel(y0, zeros, src_p, dst_p)
    y1 = _comb1(p, dp)
    q = _hop_kernel(y1, zeros, src_p, dst_p)
    return _comb2(q, dp, b.reshape(1, D))

# --- scband reference (transcript-rebuilt; emitter-appended) ---
"""Pipeline reference for scband-py-g-sgc-29635274342814 (READ-ONLY COPY).

The authoritative reference and input builder live on the scoring server;
editing this copy changes nothing except your own understanding.
"""

import jax, jax.numpy as jnp
import numpy as np

N_NODES = 10000
N_EDGES = 320000
D_IN = 128
D_OUT = 128
K_HOPS = 2


def setup_inputs(seed: int = 0) -> dict:
    key = jax.random.key(seed)
    k1, k2, k3, k4 = jax.random.split(key, 4)
    V = N_NODES
    E = jax.random.randint(k1, (2, N_EDGES), 0, N_NODES, dtype=jnp.int64) if jax.config.read('jax_enable_x64') else jax.random.randint(k1, (2, N_EDGES), 0, N_NODES, dtype=jnp.int32)
    X = jax.random.normal(k2, (N_NODES, D_IN), dtype=jnp.float32)
    # Linear layer params (PyG SGConv lin: Linear(in, out, bias=True))
    lim = 1.0 / np.sqrt(D_IN)
    W = jax.random.uniform(k3, (D_OUT, D_IN), dtype=jnp.float32, minval=-lim, maxval=lim)
    b = jax.random.uniform(k4, (D_OUT,), dtype=jnp.float32, minval=-lim, maxval=lim)
    return {"V": V, "E": E, "X": X, "W": W, "b": b}


def _sgc(X, W, b, E, N, V):
    src = E[0]
    dst = E[1]
    # add self loops
    zero_off = (jnp.asarray(V) - N).astype(src.dtype)
    loop = jnp.arange(N, dtype=src.dtype) + zero_off
    src = jnp.concatenate([src, loop])
    dst = jnp.concatenate([dst, loop])
    ew = jnp.ones(src.shape[0], dtype=X.dtype)
    # GCN normalization: deg computed on dst (col), norm = d^{-1/2}[src] * d^{-1/2}[dst]
    deg = jax.ops.segment_sum(ew, dst, num_segments=N)
    dinv = jnp.where(deg > 0, 1.0 / jnp.sqrt(deg), 0.0)
    norm = dinv[src] * ew * dinv[dst]
    h = X
    for _ in range(K_HOPS):
        msgs = norm[:, None] * jnp.take(h, src, axis=0)
        h = jax.ops.segment_sum(msgs, dst, num_segments=N)
    return h @ W.T + b


def reference(V, E, X, W, b):
    return _sgc(X, W, b, E, X.shape[0], V)

if __name__ == "__main__":
    import jax
    _d = setup_inputs()
    print(jax.jit(kernel)(*tuple(_d.values())))

</pallas_src>

<mosaic_0001>
#map = affine_map<(d0, d1) -> (0, 0)>
module attributes {stable_mosaic.version = 14 : i64} {
  func.func @_deg_kernel(%arg0: i32, %arg1: i32, %arg2: memref<32x10000xi32, #tpu.memory_space<hbm>>, %arg3: memref<32x10000xf32, #tpu.memory_space<hbm>>, %arg4: memref<10000xi32, #tpu.memory_space<vmem>>, %arg5: memref<10000xf32, #tpu.memory_space<vmem>>) attributes {dimension_semantics = [#tpu.dimension_semantics<core_parallel>, #tpu.dimension_semantics<subcore_parallel>], iteration_bounds = array<i64: 2, 16>, scalar_prefetch = 0 : i64, scratch_operands = 2 : i64, tpu.core_type = #tpu.core_type<sc_vector_subcore>, window_params = [{transform_indices = #map}, {transform_indices = #map}]} {
    %mul3A = arith.constant 16 : i32
    %mul3A_0 = arith.muli %arg0, %mul3A : i32
    %add3A = arith.addi %mul3A_0, %arg1 : i32
    "tpu.region"() ({
      %run_scoped3A = tpu.sem_alloc : memref<!tpu.dma_semaphore, #tpu.memory_space<semaphore_mem>>
      %dma_start3A = arith.constant 0 : i32
      %dma_start3A_13 = tpu.memref_slice %arg2[%add3A, %dma_start3A] : memref<32x10000xi32, #tpu.memory_space<hbm>> -> memref<1x10000xi32, #tpu.memory_space<hbm>>
      %dma_start3A_14 = tpu.memref_squeeze %dma_start3A_13 : memref<1x10000xi32, #tpu.memory_space<hbm>> -> memref<10000xi32, #tpu.memory_space<hbm>>
      %dma_start3A_15 = arith.constant 0 : i32
      %dma_start3A_16 = tpu.memref_slice %arg2[%add3A, %dma_start3A_15] : memref<32x10000xi32, #tpu.memory_space<hbm>> -> memref<1x10000xi32, #tpu.memory_space<hbm>>
      %dma_start3A_17 = tpu.memref_squeeze %dma_start3A_16 : memref<1x10000xi32, #tpu.memory_space<hbm>> -> memref<10000xi32, #tpu.memory_space<hbm>>
      tpu.enqueue_dma source(%dma_start3A_17 : memref<10000xi32, #tpu.memory_space<hbm>>) target(%arg4 : memref<10000xi32, #tpu.memory_space<vmem>>) target_semaphore(%run_scoped3A : memref<!tpu.dma_semaphore, #tpu.memory_space<semaphore_mem>>)
      %dma_wait3A = arith.constant 0 : i32
      %dma_wait3A_18 = tpu.memref_slice %arg2[%add3A, %dma_wait3A] : memref<32x10000xi32, #tpu.memory_space<hbm>> -> memref<1x10000xi32, #tpu.memory_space<hbm>>
      %dma_wait3A_19 = tpu.memref_squeeze %dma_wait3A_18 : memref<1x10000xi32, #tpu.memory_space<hbm>> -> memref<10000xi32, #tpu.memory_space<hbm>>
      %dma_wait3A_20 = arith.constant 0 : i32
      %dma_wait3A_21 = tpu.memref_slice %arg2[%add3A, %dma_wait3A_20] : memref<32x10000xi32, #tpu.memory_space<hbm>> -> memref<1x10000xi32, #tpu.memory_space<hbm>>
      %dma_wait3A_22 = tpu.memref_squeeze %dma_wait3A_21 : memref<1x10000xi32, #tpu.memory_space<hbm>> -> memref<10000xi32, #tpu.memory_space<hbm>>
      tpu.wait_dma2 semaphore(%run_scoped3A : memref<!tpu.dma_semaphore, #tpu.memory_space<semaphore_mem>>) src(%dma_wait3A_22 : memref<10000xi32, #tpu.memory_space<hbm>>) dst(%arg4 : memref<10000xi32, #tpu.memory_space<vmem>>)
      tpu.yield
    }) : () -> ()
    %broadcast_in_dim3A = arith.constant 0.000000e+00 : f32
    %broadcast_in_dim3A_1 = vector.broadcast %broadcast_in_dim3A : f32 to vector<16xf32>
    %scan3A = arith.constant 0 : i32
    %scan3A_2 = arith.constant 625 : i32
    %scan3A_3 = arith.addi %scan3A, %scan3A_2 : i32
    %scan3A_4 = arith.constant 1 : i32
    scf.for %scan3A_13 = %scan3A to %scan3A_3 step %scan3A_4  : i32 {
      %mul3A_14 = arith.constant 1 : i32
      %mul3A_15 = arith.muli %scan3A_13, %mul3A_14 : i32
      %add3A_16 = arith.constant 0 : i32
      %add3A_17 = arith.addi %add3A_16, %mul3A_15 : i32
      %mul3A_18 = arith.constant 16 : i32
      %mul3A_19 = arith.muli %add3A_17, %mul3A_18 : i32
      %swap3A = arith.index_cast %mul3A_19 : i32 to index
      %swap3A_20 = tpu.vector_load %arg5[%swap3A] {strides = array<i32>} : memref<10000xf32, #tpu.memory_space<vmem>>, vector<16xf32>,
      tpu.vector_store %arg5[%swap3A], %broadcast_in_dim3A_1 {strides = array<i32>} : memref<10000xf32, #tpu.memory_space<vmem>>, vector<16xf32>,
    }
    %scan3A_5 = arith.constant 625 : i32
    %broadcast_in_dim3A_6 = arith.constant 1.000000e+00 : f32
    %broadcast_in_dim3A_7 = vector.broadcast %broadcast_in_dim3A_6 : f32 to vector<16xf32>
    %scan3A_8 = arith.constant 0 : i32
    %scan3A_9 = arith.constant 625 : i32
    %scan3A_10 = arith.addi %scan3A_8, %scan3A_9 : i32
    %scan3A_11 = arith.constant 1 : i32
    scf.for %scan3A_13 = %scan3A_8 to %scan3A_10 step %scan3A_11  : i32 {
      %mul3A_14 = arith.constant 1 : i32
      %mul3A_15 = arith.muli %scan3A_13, %mul3A_14 : i32
      %add3A_16 = arith.constant 0 : i32
      %add3A_17 = arith.addi %add3A_16, %mul3A_15 : i32
      %mul3A_18 = arith.constant 16 : i32
      %mul3A_19 = arith.muli %add3A_17, %mul3A_18 : i32
      %get3A = arith.index_cast %mul3A_19 : i32 to index
      %get3A_20 = tpu.vector_load %arg4[%get3A] {strides = array<i32>} : memref<10000xi32, #tpu.memory_space<vmem>>, vector<16xi32>,
      tpu.vector_store_idx %arg5[%get3A_20], %broadcast_in_dim3A_7 {add = true} : memref<10000xf32, #tpu.memory_space<vmem>>[vector<16xi32>], vector<16xf32>,
    }
    %scan3A_12 = arith.constant 625 : i32
    "tpu.region"() ({
      %run_scoped3A = tpu.sem_alloc : memref<!tpu.dma_semaphore, #tpu.memory_space<semaphore_mem>>
      %dma_start3A = arith.constant 0 : i32
      %dma_start3A_13 = tpu.memref_slice %arg3[%add3A, %dma_start3A] : memref<32x10000xf32, #tpu.memory_space<hbm>> -> memref<1x10000xf32, #tpu.memory_space<hbm>>
      %dma_start3A_14 = tpu.memref_squeeze %dma_start3A_13 : memref<1x10000xf32, #tpu.memory_space<hbm>> -> memref<10000xf32, #tpu.memory_space<hbm>>
      %dma_start3A_15 = arith.constant 0 : i32
      %dma_start3A_16 = tpu.memref_slice %arg3[%add3A, %dma_start3A_15] : memref<32x10000xf32, #tpu.memory_space<hbm>> -> memref<1x10000xf32, #tpu.memory_space<hbm>>
      %dma_start3A_17 = tpu.memref_squeeze %dma_start3A_16 : memref<1x10000xf32, #tpu.memory_space<hbm>> -> memref<10000xf32, #tpu.memory_space<hbm>>
      tpu.enqueue_dma source(%arg5 : memref<10000xf32, #tpu.memory_space<vmem>>) target(%dma_start3A_17 : memref<10000xf32, #tpu.memory_space<hbm>>) target_semaphore(%run_scoped3A : memref<!tpu.dma_semaphore, #tpu.memory_space<semaphore_mem>>)
      %dma_wait3A = arith.constant 0 : i32
      %dma_wait3A_18 = tpu.memref_slice %arg3[%add3A, %dma_wait3A] : memref<32x10000xf32, #tpu.memory_space<hbm>> -> memref<1x10000xf32, #tpu.memory_space<hbm>>
      %dma_wait3A_19 = tpu.memref_squeeze %dma_wait3A_18 : memref<1x10000xf32, #tpu.memory_space<hbm>> -> memref<10000xf32, #tpu.memory_space<hbm>>
      %dma_wait3A_20 = arith.constant 0 : i32
      %dma_wait3A_21 = tpu.memref_slice %arg3[%add3A, %dma_wait3A_20] : memref<32x10000xf32, #tpu.memory_space<hbm>> -> memref<1x10000xf32, #tpu.memory_space<hbm>>
      %dma_wait3A_22 = tpu.memref_squeeze %dma_wait3A_21 : memref<1x10000xf32, #tpu.memory_space<hbm>> -> memref<10000xf32, #tpu.memory_space<hbm>>
      tpu.wait_dma2 semaphore(%run_scoped3A : memref<!tpu.dma_semaphore, #tpu.memory_space<semaphore_mem>>) src(%arg5 : memref<10000xf32, #tpu.memory_space<vmem>>) dst(%dma_wait3A_22 : memref<10000xf32, #tpu.memory_space<hbm>>)
      tpu.yield
    }) : () -> ()
    return
  }
}

#map = affine_map<(d0, d1) -> (0, 0)>
#map1 = affine_map<(d0, d1) -> (0)>
#map2 = affine_map<(d0, d1) -> (0, 0, 0)>
module attributes {stable_mosaic.version = 14 : i64} {
  func.func @_hop_kernel(%arg0: i32, %arg1: i32, %arg2: memref<10008x128xf32, #tpu.memory_space<hbm>>, %arg3: memref<10000x128xf32, #tpu.memory_space<hbm>>, %arg4: memref<327680xi32, #tpu.memory_space<hbm>>, %arg5: memref<327680xi32, #tpu.memory_space<hbm>>, %arg6: memref<2x10000x128xf32, #tpu.memory_space<hbm>>, %arg7: memref<10000x128xf32, #tpu.memory_space<vmem_shared>>, %arg8: memref<10240xi32, #tpu.memory_space<vmem>>, %arg9: memref<4x64xi32, #tpu.memory_space<vmem>>, %arg10: memref<4x64x128xf32, #tpu.memory_space<vmem>>, %arg11: memref<4x!tpu.dma_semaphore, #tpu.memory_space<semaphore_mem>>, %arg12: memref<4x!tpu.dma_semaphore, #tpu.memory_space<semaphore_mem>>, %arg13: memref<4x!tpu.dma_semaphore, #tpu.memory_space<semaphore_mem>>) attributes {dimension_semantics = [#tpu.dimension_semantics<core_parallel>, #tpu.dimension_semantics<subcore_parallel>], iteration_bounds = array<i64: 2, 16>, scalar_prefetch = 0 : i64, scratch_operands = 7 : i64, tpu.core_type = #tpu.core_type<sc_vector_subcore>, window_params = [{transform_indices = #map}, {transform_indices = #map}, {transform_indices = #map1}, {transform_indices = #map1}, {transform_indices = #map2}]} {
    %mul3A = arith.constant 16 : i32
    %mul3A_0 = arith.muli %arg0, %mul3A : i32
    %add3A = arith.addi %mul3A_0, %arg1 : i32
    %mul3A_1 = arith.constant 624 : i32
    %mul3A_2 = arith.muli %arg1, %mul3A_1 : i32
    %multiple_of3A = tpu.assume_multiple %mul3A_2, 8 : i32
    %mul3A_3 = arith.constant 10240 : i32
    %mul3A_4 = arith.muli %add3A, %mul3A_3 : i32
    %multiple_of3A_5 = tpu.assume_multiple %mul3A_4, 64 : i32
    "tpu.region"() ({
      %run_scoped3A = tpu.sem_alloc : memref<!tpu.dma_semaphore, #tpu.memory_space<semaphore_mem>>
      %dma_start3A_167 = tpu.memref_slice %arg4[%multiple_of3A_5] : memref<327680xi32, #tpu.memory_space<hbm>> -> memref<10240xi32, #tpu.memory_space<hbm>>
      %dma_start3A_168 = tpu.memref_slice %arg4[%multiple_of3A_5] : memref<327680xi32, #tpu.memory_space<hbm>> -> memref<10240xi32, #tpu.memory_space<hbm>>
      tpu.enqueue_dma source(%dma_start3A_168 : memref<10240xi32, #tpu.memory_space<hbm>>) target(%arg8 : memref<10240xi32, #tpu.memory_space<vmem>>) target_semaphore(%run_scoped3A : memref<!tpu.dma_semaphore, #tpu.memory_space<semaphore_mem>>)
      %dma_wait3A_169 = tpu.memref_slice %arg4[%multiple_of3A_5] : memref<327680xi32, #tpu.memory_space<hbm>> -> memref<10240xi32, #tpu.memory_space<hbm>>
      %dma_wait3A_170 = tpu.memref_slice %arg4[%multiple_of3A_5] : memref<327680xi32, #tpu.memory_space<hbm>> -> memref<10240xi32, #tpu.memory_space<hbm>>
      tpu.wait_dma2 semaphore(%run_scoped3A : memref<!tpu.dma_semaphore, #tpu.memory_space<semaphore_mem>>) src(%dma_wait3A_170 : memref<10240xi32, #tpu.memory_space<hbm>>) dst(%arg8 : memref<10240xi32, #tpu.memory_space<vmem>>)
      tpu.yield
    }) : () -> ()
    %add3A_6 = arith.constant 0 : i32
    %add3A_7 = arith.addi %multiple_of3A_5, %add3A_6 : i32
    %multiple_of3A_8 = tpu.assume_multiple %add3A_7, 64 : i32
    %dma_start3A = arith.constant 0 : i32
    %dma_start3A_9 = arith.constant 0 : i32
    %dma_start3A_10 = arith.constant 0 : i32
    %dma_start3A_11 = tpu.memref_slice %arg9[%dma_start3A, %dma_start3A_10] : memref<4x64xi32, #tpu.memory_space<vmem>> -> memref<1x64xi32, #tpu.memory_space<vmem>>
    %dma_start3A_12 = tpu.memref_squeeze %dma_start3A_11 : memref<1x64xi32, #tpu.memory_space<vmem>> -> memref<64xi32, #tpu.memory_space<vmem>>
    %dma_start3A_13 = tpu.memref_slice %arg5[%multiple_of3A_8] : memref<327680xi32, #tpu.memory_space<hbm>> -> memref<64xi32, #tpu.memory_space<hbm>>
    %dma_start3A_14 = tpu.memref_slice %arg12[%dma_start3A_9] : memref<4x!tpu.dma_semaphore, #tpu.memory_space<semaphore_mem>> -> memref<1x!tpu.dma_semaphore, #tpu.memory_space<semaphore_mem>>
    %dma_start3A_15 = tpu.memref_squeeze %dma_start3A_14 : memref<1x!tpu.dma_semaphore, #tpu.memory_space<semaphore_mem>> -> memref<!tpu.dma_semaphore, #tpu.memory_space<semaphore_mem>>
    %dma_start3A_16 = arith.constant 0 : i32
    %dma_start3A_17 = tpu.memref_slice %arg9[%dma_start3A, %dma_start3A_16] : memref<4x64xi32, #tpu.memory_space<vmem>> -> memref<1x64xi32, #tpu.memory_space<vmem>>
    %dma_start3A_18 = tpu.memref_squeeze %dma_start3A_17 : memref<1x64xi32, #tpu.memory_space<vmem>> -> memref<64xi32, #tpu.memory_space<vmem>>
    %dma_start3A_19 = tpu.memref_slice %arg5[%multiple_of3A_8] : memref<327680xi32, #tpu.memory_space<hbm>> -> memref<64xi32, #tpu.memory_space<hbm>>
    tpu.enqueue_dma source(%dma_start3A_19 : memref<64xi32, #tpu.memory_space<hbm>>) target(%dma_start3A_18 : memref<64xi32, #tpu.memory_space<vmem>>) target_semaphore(%dma_start3A_15 : memref<!tpu.dma_semaphore, #tpu.memory_space<semaphore_mem>>)
    %multiple_of3A_20 = arith.constant 0 : i32
    %multiple_of3A_21 = tpu.assume_multiple %multiple_of3A_20, 64 : i32
    %dma_start3A_22 = arith.constant 0 : i32
    %dma_start3A_23 = arith.constant 0 : i32
    %dma_start3A_24 = arith.constant 0 : i32
    %dma_start3A_25 = arith.constant 0 : i32
    %dma_start3A_26 = tpu.memref_slice %arg10[%dma_start3A_22, %dma_start3A_24, %dma_start3A_25] : memref<4x64x128xf32, #tpu.memory_space<vmem>> -> memref<1x64x128xf32, #tpu.memory_space<vmem>>
    %dma_start3A_27 = tpu.memref_squeeze %dma_start3A_26 : memref<1x64x128xf32, #tpu.memory_space<vmem>> -> memref<64x128xf32, #tpu.memory_space<vmem>>
    %dma_start3A_28 = tpu.memref_slice %arg8[%multiple_of3A_21] : memref<10240xi32, #tpu.memory_space<vmem>> -> memref<64xi32, #tpu.memory_space<vmem>>
    %dma_start3A_29 = arith.constant 0 : i32
    %dma_start3A_30 = arith.constant 0 : i32
    %dma_start3A_31 = tpu.memref_slice %arg2[%dma_start3A_29, %dma_start3A_30] : memref<10008x128xf32, #tpu.memory_space<hbm>> -> memref<10008x128xf32, #tpu.memory_space<hbm>>
    %dma_start3A_32 = tpu.memref_slice %arg11[%dma_start3A_23] : memref<4x!tpu.dma_semaphore, #tpu.memory_space<semaphore_mem>> -> memref<1x!tpu.dma_semaphore, #tpu.memory_space<semaphore_mem>>
    %dma_start3A_33 = tpu.memref_squeeze %dma_start3A_32 : memref<1x!tpu.dma_semaphore, #tpu.memory_space<semaphore_mem>> -> memref<!tpu.dma_semaphore, #tpu.memory_space<semaphore_mem>>
    tpu.enqueue_indirect_dma source(%dma_start3A_31 : memref<10008x128xf32, #tpu.memory_space<hbm>>) target(%dma_start3A_27 : memref<64x128xf32, #tpu.memory_space<vmem>>) offsets(%dma_start3A_28 : memref<64xi32, #tpu.memory_space<vmem>>) semaphore(%dma_start3A_33 : memref<!tpu.dma_semaphore, #tpu.memory_space<semaphore_mem>>)
    %add3A_34 = arith.constant 64 : i32
    %add3A_35 = arith.addi %multiple_of3A_5, %add3A_34 : i32
    %multiple_of3A_36 = tpu.assume_multiple %add3A_35, 64 : i32
    %dma_start3A_37 = arith.constant 1 : i32
    %dma_start3A_38 = arith.constant 1 : i32
    %dma_start3A_39 = arith.constant 0 : i32
    %dma_start3A_40 = tpu.memref_slice %arg9[%dma_start3A_37, %dma_start3A_39] : memref<4x64xi32, #tpu.memory_space<vmem>> -> memref<1x64xi32, #tpu.memory_space<vmem>>
    %dma_start3A_41 = tpu.memref_squeeze %dma_start3A_40 : memref<1x64xi32, #tpu.memory_space<vmem>> -> memref<64xi32, #tpu.memory_space<vmem>>
    %dma_start3A_42 = tpu.memref_slice %arg5[%multiple_of3A_36] : memref<327680xi32, #tpu.memory_space<hbm>> -> memref<64xi32, #tpu.memory_space<hbm>>
    %dma_start3A_43 = tpu.memref_slice %arg12[%dma_start3A_38] : memref<4x!tpu.dma_semaphore, #tpu.memory_space<semaphore_mem>> -> memref<1x!tpu.dma_semaphore, #tpu.memory_space<semaphore_mem>>
    %dma_start3A_44 = tpu.memref_squeeze %dma_start3A_43 : memref<1x!tpu.dma_semaphore, #tpu.memory_space<semaphore_mem>> -> memref<!tpu.dma_semaphore, #tpu.memory_space<semaphore_mem>>
    %dma_start3A_45 = arith.constant 0 : i32
    %dma_start3A_46 = tpu.memref_slice %arg9[%dma_start3A_37, %dma_start3A_45] : memref<4x64xi32, #tpu.memory_space<vmem>> -> memref<1x64xi32, #tpu.memory_space<vmem>>
    %dma_start3A_47 = tpu.memref_squeeze %dma_start3A_46 : memref<1x64xi32, #tpu.memory_space<vmem>> -> memref<64xi32, #tpu.memory_space<vmem>>
    %dma_start3A_48 = tpu.memref_slice %arg5[%multiple_of3A_36] : memref<327680xi32, #tpu.memory_space<hbm>> -> memref<64xi32, #tpu.memory_space<hbm>>
    tpu.enqueue_dma source(%dma_start3A_48 : memref<64xi32, #tpu.memory_space<hbm>>) target(%dma_start3A_47 : memref<64xi32, #tpu.memory_space<vmem>>) target_semaphore(%dma_start3A_44 : memref<!tpu.dma_semaphore, #tpu.memory_space<semaphore_mem>>)
    %multiple_of3A_49 = arith.constant 64 : i32
    %multiple_of3A_50 = tpu.assume_multiple %multiple_of3A_49, 64 : i32
    %dma_start3A_51 = arith.constant 1 : i32
    %dma_start3A_52 = arith.constant 1 : i32
    %dma_start3A_53 = arith.constant 0 : i32
    %dma_start3A_54 = arith.constant 0 : i32
    %dma_start3A_55 = tpu.memref_slice %arg10[%dma_start3A_51, %dma_start3A_53, %dma_start3A_54] : memref<4x64x128xf32, #tpu.memory_space<vmem>> -> memref<1x64x128xf32, #tpu.memory_space<vmem>>
    %dma_start3A_56 = tpu.memref_squeeze %dma_start3A_55 : memref<1x64x128xf32, #tpu.memory_space<vmem>> -> memref<64x128xf32, #tpu.memory_space<vmem>>
    %dma_start3A_57 = tpu.memref_slice %arg8[%multiple_of3A_50] : memref<10240xi32, #tpu.memory_space<vmem>> -> memref<64xi32, #tpu.memory_space<vmem>>
    %dma_start3A_58 = arith.constant 0 : i32
    %dma_start3A_59 = arith.constant 0 : i32
    %dma_start3A_60 = tpu.memref_slice %arg2[%dma_start3A_58, %dma_start3A_59] : memref<10008x128xf32, #tpu.memory_space<hbm>> -> memref<10008x128xf32, #tpu.memory_space<hbm>>
    %dma_start3A_61 = tpu.memref_slice %arg11[%dma_start3A_52] : memref<4x!tpu.dma_semaphore, #tpu.memory_space<semaphore_mem>> -> memref<1x!tpu.dma_semaphore, #tpu.memory_space<semaphore_mem>>
    %dma_start3A_62 = tpu.memref_squeeze %dma_start3A_61 : memref<1x!tpu.dma_semaphore, #tpu.memory_space<semaphore_mem>> -> memref<!tpu.dma_semaphore, #tpu.memory_space<semaphore_mem>>
    tpu.enqueue_indirect_dma source(%dma_start3A_60 : memref<10008x128xf32, #tpu.memory_space<hbm>>) target(%dma_start3A_56 : memref<64x128xf32, #tpu.memory_space<vmem>>) offsets(%dma_start3A_57 : memref<64xi32, #tpu.memory_space<vmem>>) semaphore(%dma_start3A_62 : memref<!tpu.dma_semaphore, #tpu.memory_space<semaphore_mem>>)
    %add3A_63 = arith.constant 128 : i32
    %add3A_64 = arith.addi %multiple_of3A_5, %add3A_63 : i32
    %multiple_of3A_65 = tpu.assume_multiple %add3A_64, 64 : i32
    %dma_start3A_66 = arith.constant 2 : i32
    %dma_start3A_67 = arith.constant 2 : i32
    %dma_start3A_68 = arith.constant 0 : i32
    %dma_start3A_69 = tpu.memref_slice %arg9[%dma_start3A_66, %dma_start3A_68] : memref<4x64xi32, #tpu.memory_space<vmem>> -> memref<1x64xi32, #tpu.memory_space<vmem>>
    %dma_start3A_70 = tpu.memref_squeeze %dma_start3A_69 : memref<1x64xi32, #tpu.memory_space<vmem>> -> memref<64xi32, #tpu.memory_space<vmem>>
    %dma_start3A_71 = tpu.memref_slice %arg5[%multiple_of3A_65] : memref<327680xi32, #tpu.memory_space<hbm>> -> memref<64xi32, #tpu.memory_space<hbm>>
    %dma_start3A_72 = tpu.memref_slice %arg12[%dma_start3A_67] : memref<4x!tpu.dma_semaphore, #tpu.memory_space<semaphore_mem>> -> memref<1x!tpu.dma_semaphore, #tpu.memory_space<semaphore_mem>>
    %dma_start3A_73 = tpu.memref_squeeze %dma_start3A_72 : memref<1x!tpu.dma_semaphore, #tpu.memory_space<semaphore_mem>> -> memref<!tpu.dma_semaphore, #tpu.memory_space<semaphore_mem>>
    %dma_start3A_74 = arith.constant 0 : i32
    %dma_start3A_75 = tpu.memref_slice %arg9[%dma_start3A_66, %dma_start3A_74] : memref<4x64xi32, #tpu.memory_space<vmem>> -> memref<1x64xi32, #tpu.memory_space<vmem>>
    %dma_start3A_76 = tpu.memref_squeeze %dma_start3A_75 : memref<1x64xi32, #tpu.memory_space<vmem>> -> memref<64xi32, #tpu.memory_space<vmem>>
    %dma_start3A_77 = tpu.memref_slice %arg5[%multiple_of3A_65] : memref<327680xi32, #tpu.memory_space<hbm>> -> memref<64xi32, #tpu.memory_space<hbm>>
    tpu.enqueue_dma source(%dma_start3A_77 : memref<64xi32, #tpu.memory_space<hbm>>) target(%dma_start3A_76 : memref<64xi32, #tpu.memory_space<vmem>>) target_semaphore(%dma_start3A_73 : memref<!tpu.dma_semaphore, #tpu.memory_space<semaphore_mem>>)
    %multiple_of3A_78 = arith.constant 128 : i32
    %multiple_of3A_79 = tpu.assume_multiple %multiple_of3A_78, 64 : i32
    %dma_start3A_80 = arith.constant 2 : i32
    %dma_start3A_81 = arith.constant 2 : i32
    %dma_start3A_82 = arith.constant 0 : i32
    %dma_start3A_83 = arith.constant 0 : i32
    %dma_start3A_84 = tpu.memref_slice %arg10[%dma_start3A_80, %dma_start3A_82, %dma_start3A_83] : memref<4x64x128xf32, #tpu.memory_space<vmem>> -> memref<1x64x128xf32, #tpu.memory_space<vmem>>
    %dma_start3A_85 = tpu.memref_squeeze %dma_start3A_84 : memref<1x64x128xf32, #tpu.memory_space<vmem>> -> memref<64x128xf32, #tpu.memory_space<vmem>>
    %dma_start3A_86 = tpu.memref_slice %arg8[%multiple_of3A_79] : memref<10240xi32, #tpu.memory_space<vmem>> -> memref<64xi32, #tpu.memory_space<vmem>>
    %dma_start3A_87 = arith.constant 0 : i32
    %dma_start3A_88 = arith.constant 0 : i32
    %dma_start3A_89 = tpu.memref_slice %arg2[%dma_start3A_87, %dma_start3A_88] : memref<10008x128xf32, #tpu.memory_space<hbm>> -> memref<10008x128xf32, #tpu.memory_space<hbm>>
    %dma_start3A_90 = tpu.memref_slice %arg11[%dma_start3A_81] : memref<4x!tpu.dma_semaphore, #tpu.memory_space<semaphore_mem>> -> memref<1x!tpu.dma_semaphore, #tpu.memory_space<semaphore_mem>>
    %dma_start3A_91 = tpu.memref_squeeze %dma_start3A_90 : memref<1x!tpu.dma_semaphore, #tpu.memory_space<semaphore_mem>> -> memref<!tpu.dma_semaphore, #tpu.memory_space<semaphore_mem>>
    tpu.enqueue_indirect_dma source(%dma_start3A_89 : memref<10008x128xf32, #tpu.memory_space<hbm>>) target(%dma_start3A_85 : memref<64x128xf32, #tpu.memory_space<vmem>>) offsets(%dma_start3A_86 : memref<64xi32, #tpu.memory_space<vmem>>) semaphore(%dma_start3A_91 : memref<!tpu.dma_semaphore, #tpu.memory_space<semaphore_mem>>)
    %eq3A = arith.constant 0 : i32
    %eq3A_92 = arith.cmpi eq, %arg0, %eq3A : i32
    %convert_element_type3A = arith.extui %eq3A_92 : i1 to i32
    %cond3A = arith.constant 0 : i32
    %cond3A_93 = arith.cmpi ne, %convert_element_type3A, %cond3A : i32
    scf.if %cond3A_93 {
      "tpu.region"() ({
        %run_scoped3A = tpu.sem_alloc : memref<!tpu.dma_semaphore, #tpu.memory_space<semaphore_mem>>
        %dma_start3A_172 = arith.constant 0 : i32
        %dma_start3A_173 = tpu.memref_slice %arg7[%multiple_of3A, %dma_start3A_172] : memref<10000x128xf32, #tpu.memory_space<vmem_shared>> -> memref<624x128xf32, #tpu.memory_space<vmem_shared>>
        %dma_start3A_174 = arith.constant 0 : i32
        %dma_start3A_175 = tpu.memref_slice %arg2[%multiple_of3A, %dma_start3A_174] : memref<10008x128xf32, #tpu.memory_space<hbm>> -> memref<624x128xf32, #tpu.memory_space<hbm>>
        tpu.enqueue_dma source(%dma_start3A_175 : memref<624x128xf32, #tpu.memory_space<hbm>>) target(%dma_start3A_173 : memref<624x128xf32, #tpu.memory_space<vmem_shared>>) target_semaphore(%run_scoped3A : memref<!tpu.dma_semaphore, #tpu.memory_space<semaphore_mem>>)
        %dma_wait3A_176 = arith.constant 0 : i32
        %dma_wait3A_177 = tpu.memref_slice %arg7[%multiple_of3A, %dma_wait3A_176] : memref<10000x128xf32, #tpu.memory_space<vmem_shared>> -> memref<624x128xf32, #tpu.memory_space<vmem_shared>>
        %dma_wait3A_178 = arith.constant 0 : i32
        %dma_wait3A_179 = tpu.memref_slice %arg2[%multiple_of3A, %dma_wait3A_178] : memref<10008x128xf32, #tpu.memory_space<hbm>> -> memref<624x128xf32, #tpu.memory_space<hbm>>
        tpu.wait_dma2 semaphore(%run_scoped3A : memref<!tpu.dma_semaphore, #tpu.memory_space<semaphore_mem>>) src(%dma_wait3A_179 : memref<624x128xf32, #tpu.memory_space<hbm>>) dst(%dma_wait3A_177 : memref<624x128xf32, #tpu.memory_space<vmem_shared>>)
        tpu.yield
      }) : () -> ()
      %eq3A_167 = arith.constant 15 : i32
      %eq3A_168 = arith.cmpi eq, %arg1, %eq3A_167 : i32
      %convert_element_type3A_169 = arith.extui %eq3A_168 : i1 to i32
      %cond3A_170 = arith.constant 0 : i32
      %cond3A_171 = arith.cmpi ne, %convert_element_type3A_169, %cond3A_170 : i32
      scf.if %cond3A_171 {
        "tpu.region"() ({
          %run_scoped3A = tpu.sem_alloc : memref<!tpu.dma_semaphore, #tpu.memory_space<semaphore_mem>>
          %dma_start3A_172 = arith.constant 9984 : i32
          %dma_start3A_173 = arith.constant 0 : i32
          %dma_start3A_174 = tpu.memref_slice %arg7[%dma_start3A_172, %dma_start3A_173] : memref<10000x128xf32, #tpu.memory_space<vmem_shared>> -> memref<16x128xf32, #tpu.memory_space<vmem_shared>>
          %dma_start3A_175 = arith.constant 9984 : i32
          %dma_start3A_176 = arith.constant 0 : i32
          %dma_start3A_177 = tpu.memref_slice %arg2[%dma_start3A_175, %dma_start3A_176] : memref<10008x128xf32, #tpu.memory_space<hbm>> -> memref<16x128xf32, #tpu.memory_space<hbm>>
          tpu.enqueue_dma source(%dma_start3A_177 : memref<16x128xf32, #tpu.memory_space<hbm>>) target(%dma_start3A_174 : memref<16x128xf32, #tpu.memory_space<vmem_shared>>) target_semaphore(%run_scoped3A : memref<!tpu.dma_semaphore, #tpu.memory_space<semaphore_mem>>)
          %dma_wait3A_178 = arith.constant 9984 : i32
          %dma_wait3A_179 = arith.constant 0 : i32
          %dma_wait3A_180 = tpu.memref_slice %arg7[%dma_wait3A_178, %dma_wait3A_179] : memref<10000x128xf32, #tpu.memory_space<vmem_shared>> -> memref<16x128xf32, #tpu.memory_space<vmem_shared>>
          %dma_wait3A_181 = arith.constant 9984 : i32
          %dma_wait3A_182 = arith.constant 0 : i32
          %dma_wait3A_183 = tpu.memref_slice %arg2[%dma_wait3A_181, %dma_wait3A_182] : memref<10008x128xf32, #tpu.memory_space<hbm>> -> memref<16x128xf32, #tpu.memory_space<hbm>>
          tpu.wait_dma2 semaphore(%run_scoped3A : memref<!tpu.dma_semaphore, #tpu.memory_space<semaphore_mem>>) src(%dma_wait3A_183 : memref<16x128xf32, #tpu.memory_space<hbm>>) dst(%dma_wait3A_180 : memref<16x128xf32, #tpu.memory_space<vmem_shared>>)
          tpu.yield
        }) : () -> ()
      } else {
      }
    } else {
    }
    %ne3A = arith.constant 0 : i32
    %ne3A_94 = arith.cmpi ne, %arg0, %ne3A : i32
    %convert_element_type3A_95 = arith.extui %ne3A_94 : i1 to i32
    %cond3A_96 = arith.constant 0 : i32
    %cond3A_97 = arith.cmpi ne, %convert_element_type3A_95, %cond3A_96 : i32
    scf.if %cond3A_97 {
      "tpu.region"() ({
        %run_scoped3A = tpu.sem_alloc : memref<!tpu.dma_semaphore, #tpu.memory_space<semaphore_mem>>
        %dma_start3A_172 = arith.constant 0 : i32
        %dma_start3A_173 = tpu.memref_slice %arg7[%multiple_of3A, %dma_start3A_172] : memref<10000x128xf32, #tpu.memory_space<vmem_shared>> -> memref<624x128xf32, #tpu.memory_space<vmem_shared>>
        %dma_start3A_174 = arith.constant 0 : i32
        %dma_start3A_175 = tpu.memref_slice %arg3[%multiple_of3A, %dma_start3A_174] : memref<10000x128xf32, #tpu.memory_space<hbm>> -> memref<624x128xf32, #tpu.memory_space<hbm>>
        tpu.enqueue_dma source(%dma_start3A_175 : memref<624x128xf32, #tpu.memory_space<hbm>>) target(%dma_start3A_173 : memref<624x128xf32, #tpu.memory_space<vmem_shared>>) target_semaphore(%run_scoped3A : memref<!tpu.dma_semaphore, #tpu.memory_space<semaphore_mem>>)
        %dma_wait3A_176 = arith.constant 0 : i32
        %dma_wait3A_177 = tpu.memref_slice %arg7[%multiple_of3A, %dma_wait3A_176] : memref<10000x128xf32, #tpu.memory_space<vmem_shared>> -> memref<624x128xf32, #tpu.memory_space<vmem_shared>>
        %dma_wait3A_178 = arith.constant 0 : i32
        %dma_wait3A_179 = tpu.memref_slice %arg3[%multiple_of3A, %dma_wait3A_178] : memref<10000x128xf32, #tpu.memory_space<hbm>> -> memref<624x128xf32, #tpu.memory_space<hbm>>
        tpu.wait_dma2 semaphore(%run_scoped3A : memref<!tpu.dma_semaphore, #tpu.memory_space<semaphore_mem>>) src(%dma_wait3A_179 : memref<624x128xf32, #tpu.memory_space<hbm>>) dst(%dma_wait3A_177 : memref<624x128xf32, #tpu.memory_space<vmem_shared>>)
        tpu.yield
      }) : () -> ()
      %eq3A_167 = arith.constant 15 : i32
      %eq3A_168 = arith.cmpi eq, %arg1, %eq3A_167 : i32
      %convert_element_type3A_169 = arith.extui %eq3A_168 : i1 to i32
      %cond3A_170 = arith.constant 0 : i32
      %cond3A_171 = arith.cmpi ne, %convert_element_type3A_169, %cond3A_170 : i32
      scf.if %cond3A_171 {
        "tpu.region"() ({
          %run_scoped3A = tpu.sem_alloc : memref<!tpu.dma_semaphore, #tpu.memory_space<semaphore_mem>>
          %dma_start3A_172 = arith.constant 9984 : i32
          %dma_start3A_173 = arith.constant 0 : i32
          %dma_start3A_174 = tpu.memref_slice %arg7[%dma_start3A_172, %dma_start3A_173] : memref<10000x128xf32, #tpu.memory_space<vmem_shared>> -> memref<16x128xf32, #tpu.memory_space<vmem_shared>>
          %dma_start3A_175 = arith.constant 9984 : i32
          %dma_start3A_176 = arith.constant 0 : i32
          %dma_start3A_177 = tpu.memref_slice %arg3[%dma_start3A_175, %dma_start3A_176] : memref<10000x128xf32, #tpu.memory_space<hbm>> -> memref<16x128xf32, #tpu.memory_space<hbm>>
          tpu.enqueue_dma source(%dma_start3A_177 : memref<16x128xf32, #tpu.memory_space<hbm>>) target(%dma_start3A_174 : memref<16x128xf32, #tpu.memory_space<vmem_shared>>) target_semaphore(%run_scoped3A : memref<!tpu.dma_semaphore, #tpu.memory_space<semaphore_mem>>)
          %dma_wait3A_178 = arith.constant 9984 : i32
          %dma_wait3A_179 = arith.constant 0 : i32
          %dma_wait3A_180 = tpu.memref_slice %arg7[%dma_wait3A_178, %dma_wait3A_179] : memref<10000x128xf32, #tpu.memory_space<vmem_shared>> -> memref<16x128xf32, #tpu.memory_space<vmem_shared>>
          %dma_wait3A_181 = arith.constant 9984 : i32
          %dma_wait3A_182 = arith.constant 0 : i32
          %dma_wait3A_183 = tpu.memref_slice %arg3[%dma_wait3A_181, %dma_wait3A_182] : memref<10000x128xf32, #tpu.memory_space<hbm>> -> memref<16x128xf32, #tpu.memory_space<hbm>>
          tpu.wait_dma2 semaphore(%run_scoped3A : memref<!tpu.dma_semaphore, #tpu.memory_space<semaphore_mem>>) src(%dma_wait3A_183 : memref<16x128xf32, #tpu.memory_space<hbm>>) dst(%dma_wait3A_180 : memref<16x128xf32, #tpu.memory_space<vmem_shared>>)
          tpu.yield
        }) : () -> ()
      } else {
      }
    } else {
    }
    %barrier3A = arith.constant 0 : index
    tpu.barrier barrier_id(%barrier3A)
    %scan3A = arith.constant 0 : i32
    %scan3A_98 = arith.constant 40 : i32
    %scan3A_99 = arith.addi %scan3A, %scan3A_98 : i32
    %scan3A_100 = arith.constant 1 : i32
    scf.for %scan3A_167 = %scan3A to %scan3A_99 step %scan3A_100  : i32 {
      %mul3A_168 = arith.constant 4 : i32
      %mul3A_169 = arith.muli %scan3A_167, %mul3A_168 : i32
      %add3A_170 = arith.constant 0 : i32
      %add3A_171 = arith.addi %add3A_170, %mul3A_169 : i32
      %add3A_172 = arith.constant 0 : i32
      %add3A_173 = arith.addi %add3A_171, %add3A_172 : i32
      %add3A_174 = arith.constant 3 : i32
      %add3A_175 = arith.addi %add3A_173, %add3A_174 : i32
      %lt3A = arith.constant 160 : i32
      %lt3A_176 = arith.cmpi slt, %add3A_175, %lt3A : i32
      %convert_element_type3A_177 = arith.extui %lt3A_176 : i1 to i32
      %cond3A_178 = arith.constant 0 : i32
      %cond3A_179 = arith.cmpi ne, %convert_element_type3A_177, %cond3A_178 : i32
      scf.if %cond3A_179 {
        %ge3A = arith.constant 1 : i32
        %ge3A_391 = arith.cmpi sge, %add3A_173, %ge3A : i32
        %convert_element_type3A_392 = arith.extui %ge3A_391 : i1 to i32
        %cond3A_393 = arith.constant 0 : i32
        %cond3A_394 = arith.cmpi ne, %convert_element_type3A_392, %cond3A_393 : i32
        scf.if %cond3A_394 {
          %dma_wait3A_426 = arith.constant 3 : i32
          %dma_wait3A_427 = arith.constant 3 : i32
          %dma_wait3A_428 = arith.constant 3 : i32
          %dma_wait3A_429 = arith.constant 0 : i32
          %dma_wait3A_430 = arith.constant 0 : i32
          %dma_wait3A_431 = tpu.memref_slice %arg10[%dma_wait3A_426, %dma_wait3A_429, %dma_wait3A_430] : memref<4x64x128xf32, #tpu.memory_space<vmem>> -> memref<1x64x128xf32, #tpu.memory_space<vmem>>
          %dma_wait3A_432 = tpu.memref_squeeze %dma_wait3A_431 : memref<1x64x128xf32, #tpu.memory_space<vmem>> -> memref<64x128xf32, #tpu.memory_space<vmem>>
          %dma_wait3A_433 = arith.constant 0 : i32
          %dma_wait3A_434 = tpu.memref_slice %arg9[%dma_wait3A_427, %dma_wait3A_433] : memref<4x64xi32, #tpu.memory_space<vmem>> -> memref<1x64xi32, #tpu.memory_space<vmem>>
          %dma_wait3A_435 = tpu.memref_squeeze %dma_wait3A_434 : memref<1x64xi32, #tpu.memory_space<vmem>> -> memref<64xi32, #tpu.memory_space<vmem>>
          %dma_wait3A_436 = arith.constant 0 : i32
          %dma_wait3A_437 = arith.constant 0 : i32
          %dma_wait3A_438 = tpu.memref_slice %arg7[%dma_wait3A_436, %dma_wait3A_437] : memref<10000x128xf32, #tpu.memory_space<vmem_shared>> -> memref<10000x128xf32, #tpu.memory_space<vmem_shared>>
          %dma_wait3A_439 = tpu.memref_slice %arg13[%dma_wait3A_428] : memref<4x!tpu.dma_semaphore, #tpu.memory_space<semaphore_mem>> -> memref<1x!tpu.dma_semaphore, #tpu.memory_space<semaphore_mem>>
          %dma_wait3A_440 = tpu.memref_squeeze %dma_wait3A_439 : memref<1x!tpu.dma_semaphore, #tpu.memory_space<semaphore_mem>> -> memref<!tpu.dma_semaphore, #tpu.memory_space<semaphore_mem>>
          tpu.wait_indirect_dma semaphore(%dma_wait3A_440 : memref<!tpu.dma_semaphore, #tpu.memory_space<semaphore_mem>>) src(%dma_wait3A_432 : memref<64x128xf32, #tpu.memory_space<vmem>>) dst(%dma_wait3A_438 : memref<10000x128xf32, #tpu.memory_space<vmem_shared>>)
        } else {
        }
        %mul3A_395 = arith.constant 64 : i32
        %mul3A_396 = arith.muli %add3A_175, %mul3A_395 : i32
        %add3A_397 = arith.addi %multiple_of3A_5, %mul3A_396 : i32
        %multiple_of3A_398 = tpu.assume_multiple %add3A_397, 64 : i32
        %dma_start3A_399 = arith.constant 3 : i32
        %dma_start3A_400 = arith.constant 3 : i32
        %dma_start3A_401 = arith.constant 0 : i32
        %dma_start3A_402 = tpu.memref_slice %arg9[%dma_start3A_399, %dma_start3A_401] : memref<4x64xi32, #tpu.memory_space<vmem>> -> memref<1x64xi32, #tpu.memory_space<vmem>>
        %dma_start3A_403 = tpu.memref_squeeze %dma_start3A_402 : memref<1x64xi32, #tpu.memory_space<vmem>> -> memref<64xi32, #tpu.memory_space<vmem>>
        %dma_start3A_404 = tpu.memref_slice %arg5[%multiple_of3A_398] : memref<327680xi32, #tpu.memory_space<hbm>> -> memref<64xi32, #tpu.memory_space<hbm>>
        %dma_start3A_405 = tpu.memref_slice %arg12[%dma_start3A_400] : memref<4x!tpu.dma_semaphore, #tpu.memory_space<semaphore_mem>> -> memref<1x!tpu.dma_semaphore, #tpu.memory_space<semaphore_mem>>
        %dma_start3A_406 = tpu.memref_squeeze %dma_start3A_405 : memref<1x!tpu.dma_semaphore, #tpu.memory_space<semaphore_mem>> -> memref<!tpu.dma_semaphore, #tpu.memory_space<semaphore_mem>>
        %dma_start3A_407 = arith.constant 0 : i32
        %dma_start3A_408 = tpu.memref_slice %arg9[%dma_start3A_399, %dma_start3A_407] : memref<4x64xi32, #tpu.memory_space<vmem>> -> memref<1x64xi32, #tpu.memory_space<vmem>>
        %dma_start3A_409 = tpu.memref_squeeze %dma_start3A_408 : memref<1x64xi32, #tpu.memory_space<vmem>> -> memref<64xi32, #tpu.memory_space<vmem>>
        %dma_start3A_410 = tpu.memref_slice %arg5[%multiple_of3A_398] : memref<327680xi32, #tpu.memory_space<hbm>> -> memref<64xi32, #tpu.memory_space<hbm>>
        tpu.enqueue_dma source(%dma_start3A_410 : memref<64xi32, #tpu.memory_space<hbm>>) target(%dma_start3A_409 : memref<64xi32, #tpu.memory_space<vmem>>) target_semaphore(%dma_start3A_406 : memref<!tpu.dma_semaphore, #tpu.memory_space<semaphore_mem>>)
        %mul3A_411 = arith.constant 64 : i32
        %mul3A_412 = arith.muli %add3A_175, %mul3A_411 : i32
        %multiple_of3A_413 = tpu.assume_multiple %mul3A_412, 64 : i32
        %dma_start3A_414 = arith.constant 3 : i32
        %dma_start3A_415 = arith.constant 3 : i32
        %dma_start3A_416 = arith.constant 0 : i32
        %dma_start3A_417 = arith.constant 0 : i32
        %dma_start3A_418 = tpu.memref_slice %arg10[%dma_start3A_414, %dma_start3A_416, %dma_start3A_417] : memref<4x64x128xf32, #tpu.memory_space<vmem>> -> memref<1x64x128xf32, #tpu.memory_space<vmem>>
        %dma_start3A_419 = tpu.memref_squeeze %dma_start3A_418 : memref<1x64x128xf32, #tpu.memory_space<vmem>> -> memref<64x128xf32, #tpu.memory_space<vmem>>
        %dma_start3A_420 = tpu.memref_slice %arg8[%multiple_of3A_413] : memref<10240xi32, #tpu.memory_space<vmem>> -> memref<64xi32, #tpu.memory_space<vmem>>
        %dma_start3A_421 = arith.constant 0 : i32
        %dma_start3A_422 = arith.constant 0 : i32
        %dma_start3A_423 = tpu.memref_slice %arg2[%dma_start3A_421, %dma_start3A_422] : memref<10008x128xf32, #tpu.memory_space<hbm>> -> memref<10008x128xf32, #tpu.memory_space<hbm>>
        %dma_start3A_424 = tpu.memref_slice %arg11[%dma_start3A_415] : memref<4x!tpu.dma_semaphore, #tpu.memory_space<semaphore_mem>> -> memref<1x!tpu.dma_semaphore, #tpu.memory_space<semaphore_mem>>
        %dma_start3A_425 = tpu.memref_squeeze %dma_start3A_424 : memref<1x!tpu.dma_semaphore, #tpu.memory_space<semaphore_mem>> -> memref<!tpu.dma_semaphore, #tpu.memory_space<semaphore_mem>>
        tpu.enqueue_indirect_dma source(%dma_start3A_423 : memref<10008x128xf32, #tpu.memory_space<hbm>>) target(%dma_start3A_419 : memref<64x128xf32, #tpu.memory_space<vmem>>) offsets(%dma_start3A_420 : memref<64xi32, #tpu.memory_space<vmem>>) semaphore(%dma_start3A_425 : memref<!tpu.dma_semaphore, #tpu.memory_space<semaphore_mem>>)
      } else {
      }
      %mul3A_180 = arith.constant 64 : i32
      %mul3A_181 = arith.muli %add3A_173, %mul3A_180 : i32
      %add3A_182 = arith.addi %multiple_of3A_5, %mul3A_181 : i32
      %multiple_of3A_183 = tpu.assume_multiple %add3A_182, 64 : i32
      %dma_wait3A_184 = arith.constant 0 : i32
      %dma_wait3A_185 = arith.constant 0 : i32
      %dma_wait3A_186 = arith.constant 0 : i32
      %dma_wait3A_187 = tpu.memref_slice %arg9[%dma_wait3A_184, %dma_wait3A_186] : memref<4x64xi32, #tpu.memory_space<vmem>> -> memref<1x64xi32, #tpu.memory_space<vmem>>
      %dma_wait3A_188 = tpu.memref_squeeze %dma_wait3A_187 : memref<1x64xi32, #tpu.memory_space<vmem>> -> memref<64xi32, #tpu.memory_space<vmem>>
      %dma_wait3A_189 = tpu.memref_slice %arg5[%multiple_of3A_183] : memref<327680xi32, #tpu.memory_space<hbm>> -> memref<64xi32, #tpu.memory_space<hbm>>
      %dma_wait3A_190 = tpu.memref_slice %arg12[%dma_wait3A_185] : memref<4x!tpu.dma_semaphore, #tpu.memory_space<semaphore_mem>> -> memref<1x!tpu.dma_semaphore, #tpu.memory_space<semaphore_mem>>
      %dma_wait3A_191 = tpu.memref_squeeze %dma_wait3A_190 : memref<1x!tpu.dma_semaphore, #tpu.memory_space<semaphore_mem>> -> memref<!tpu.dma_semaphore, #tpu.memory_space<semaphore_mem>>
      %dma_wait3A_192 = arith.constant 0 : i32
      %dma_wait3A_193 = tpu.memref_slice %arg9[%dma_wait3A_184, %dma_wait3A_192] : memref<4x64xi32, #tpu.memory_space<vmem>> -> memref<1x64xi32, #tpu.memory_space<vmem>>
      %dma_wait3A_194 = tpu.memref_squeeze %dma_wait3A_193 : memref<1x64xi32, #tpu.memory_space<vmem>> -> memref<64xi32, #tpu.memory_space<vmem>>
      %dma_wait3A_195 = tpu.memref_slice %arg5[%multiple_of3A_183] : memref<327680xi32, #tpu.memory_space<hbm>> -> memref<64xi32, #tpu.memory_space<hbm>>
      tpu.wait_dma2 semaphore(%dma_wait3A_191 : memref<!tpu.dma_semaphore, #tpu.memory_space<semaphore_mem>>) src(%dma_wait3A_195 : memref<64xi32, #tpu.memory_space<hbm>>) dst(%dma_wait3A_194 : memref<64xi32, #tpu.memory_space<vmem>>)
      %mul3A_196 = arith.constant 64 : i32
      %mul3A_197 = arith.muli %add3A_173, %mul3A_196 : i32
      %multiple_of3A_198 = tpu.assume_multiple %mul3A_197, 64 : i32
      %dma_wait3A_199 = arith.constant 0 : i32
      %dma_wait3A_200 = arith.constant 0 : i32
      %dma_wait3A_201 = arith.constant 0 : i32
      %dma_wait3A_202 = arith.constant 0 : i32
      %dma_wait3A_203 = tpu.memref_slice %arg10[%dma_wait3A_199, %dma_wait3A_201, %dma_wait3A_202] : memref<4x64x128xf32, #tpu.memory_space<vmem>> -> memref<1x64x128xf32, #tpu.memory_space<vmem>>
      %dma_wait3A_204 = tpu.memref_squeeze %dma_wait3A_203 : memref<1x64x128xf32, #tpu.memory_space<vmem>> -> memref<64x128xf32, #tpu.memory_space<vmem>>
      %dma_wait3A_205 = tpu.memref_slice %arg8[%multiple_of3A_198] : memref<10240xi32, #tpu.memory_space<vmem>> -> memref<64xi32, #tpu.memory_space<vmem>>
      %dma_wait3A_206 = arith.constant 0 : i32
      %dma_wait3A_207 = arith.constant 0 : i32
      %dma_wait3A_208 = tpu.memref_slice %arg2[%dma_wait3A_206, %dma_wait3A_207] : memref<10008x128xf32, #tpu.memory_space<hbm>> -> memref<10008x128xf32, #tpu.memory_space<hbm>>
      %dma_wait3A_209 = tpu.memref_slice %arg11[%dma_wait3A_200] : memref<4x!tpu.dma_semaphore, #tpu.memory_space<semaphore_mem>> -> memref<1x!tpu.dma_semaphore, #tpu.memory_space<semaphore_mem>>
      %dma_wait3A_210 = tpu.memref_squeeze %dma_wait3A_209 : memref<1x!tpu.dma_semaphore, #tpu.memory_space<semaphore_mem>> -> memref<!tpu.dma_semaphore, #tpu.memory_space<semaphore_mem>>
      tpu.wait_indirect_dma semaphore(%dma_wait3A_210 : memref<!tpu.dma_semaphore, #tpu.memory_space<semaphore_mem>>) src(%dma_wait3A_208 : memref<10008x128xf32, #tpu.memory_space<hbm>>) dst(%dma_wait3A_204 : memref<64x128xf32, #tpu.memory_space<vmem>>)
      %dma_start3A_211 = arith.constant 0 : i32
      %dma_start3A_212 = arith.constant 0 : i32
      %dma_start3A_213 = arith.constant 0 : i32
      %dma_start3A_214 = arith.constant 0 : i32
      %dma_start3A_215 = arith.constant 0 : i32
      %dma_start3A_216 = tpu.memref_slice %arg10[%dma_start3A_211, %dma_start3A_214, %dma_start3A_215] : memref<4x64x128xf32, #tpu.memory_space<vmem>> -> memref<1x64x128xf32, #tpu.memory_space<vmem>>
      %dma_start3A_217 = tpu.memref_squeeze %dma_start3A_216 : memref<1x64x128xf32, #tpu.memory_space<vmem>> -> memref<64x128xf32, #tpu.memory_space<vmem>>
      %dma_start3A_218 = arith.constant 0 : i32
      %dma_start3A_219 = tpu.memref_slice %arg9[%dma_start3A_212, %dma_start3A_218] : memref<4x64xi32, #tpu.memory_space<vmem>> -> memref<1x64xi32, #tpu.memory_space<vmem>>
      %dma_start3A_220 = tpu.memref_squeeze %dma_start3A_219 : memref<1x64xi32, #tpu.memory_space<vmem>> -> memref<64xi32, #tpu.memory_space<vmem>>
      %dma_start3A_221 = arith.constant 0 : i32
      %dma_start3A_222 = arith.constant 0 : i32
      %dma_start3A_223 = tpu.memref_slice %arg7[%dma_start3A_221, %dma_start3A_222] : memref<10000x128xf32, #tpu.memory_space<vmem_shared>> -> memref<10000x128xf32, #tpu.memory_space<vmem_shared>>
      %dma_start3A_224 = tpu.memref_slice %arg13[%dma_start3A_213] : memref<4x!tpu.dma_semaphore, #tpu.memory_space<semaphore_mem>> -> memref<1x!tpu.dma_semaphore, #tpu.memory_space<semaphore_mem>>
      %dma_start3A_225 = tpu.memref_squeeze %dma_start3A_224 : memref<1x!tpu.dma_semaphore, #tpu.memory_space<semaphore_mem>> -> memref<!tpu.dma_semaphore, #tpu.memory_space<semaphore_mem>>
      tpu.enqueue_indirect_dma source(%dma_start3A_217 : memref<64x128xf32, #tpu.memory_space<vmem>>) target(%dma_start3A_223 : memref<10000x128xf32, #tpu.memory_space<vmem_shared>>) offsets(%dma_start3A_220 : memref<64xi32, #tpu.memory_space<vmem>>) semaphore(%dma_start3A_225 : memref<!tpu.dma_semaphore, #tpu.memory_space<semaphore_mem>>) {add = true}
      %add3A_226 = arith.constant 1 : i32
      %add3A_227 = arith.addi %add3A_171, %add3A_226 : i32
      %add3A_228 = arith.constant 3 : i32
      %add3A_229 = arith.addi %add3A_227, %add3A_228 : i32
      %lt3A_230 = arith.constant 160 : i32
      %lt3A_231 = arith.cmpi slt, %add3A_229, %lt3A_230 : i32
      %convert_element_type3A_232 = arith.extui %lt3A_231 : i1 to i32
      %cond3A_233 = arith.constant 0 : i32
      %cond3A_234 = arith.cmpi ne, %convert_element_type3A_232, %cond3A_233 : i32
      scf.if %cond3A_234 {
        %ge3A = arith.constant 1 : i32
        %ge3A_391 = arith.cmpi sge, %add3A_227, %ge3A : i32
        %convert_element_type3A_392 = arith.extui %ge3A_391 : i1 to i32
        %cond3A_393 = arith.constant 0 : i32
        %cond3A_394 = arith.cmpi ne, %convert_element_type3A_392, %cond3A_393 : i32
        scf.if %cond3A_394 {
          %dma_wait3A_426 = arith.constant 0 : i32
          %dma_wait3A_427 = arith.constant 0 : i32
          %dma_wait3A_428 = arith.constant 0 : i32
          %dma_wait3A_429 = arith.constant 0 : i32
          %dma_wait3A_430 = arith.constant 0 : i32
          %dma_wait3A_431 = tpu.memref_slice %arg10[%dma_wait3A_426, %dma_wait3A_429, %dma_wait3A_430] : memref<4x64x128xf32, #tpu.memory_space<vmem>> -> memref<1x64x128xf32, #tpu.memory_space<vmem>>
          %dma_wait3A_432 = tpu.memref_squeeze %dma_wait3A_431 : memref<1x64x128xf32, #tpu.memory_space<vmem>> -> memref<64x128xf32, #tpu.memory_space<vmem>>
          %dma_wait3A_433 = arith.constant 0 : i32
          %dma_wait3A_434 = tpu.memref_slice %arg9[%dma_wait3A_427, %dma_wait3A_433] : memref<4x64xi32, #tpu.memory_space<vmem>> -> memref<1x64xi32, #tpu.memory_space<vmem>>
          %dma_wait3A_435 = tpu.memref_squeeze %dma_wait3A_434 : memref<1x64xi32, #tpu.memory_space<vmem>> -> memref<64xi32, #tpu.memory_space<vmem>>
          %dma_wait3A_436 = arith.constant 0 : i32
          %dma_wait3A_437 = arith.constant 0 : i32
          %dma_wait3A_438 = tpu.memref_slice %arg7[%dma_wait3A_436, %dma_wait3A_437] : memref<10000x128xf32, #tpu.memory_space<vmem_shared>> -> memref<10000x128xf32, #tpu.memory_space<vmem_shared>>
          %dma_wait3A_439 = tpu.memref_slice %arg13[%dma_wait3A_428] : memref<4x!tpu.dma_semaphore, #tpu.memory_space<semaphore_mem>> -> memref<1x!tpu.dma_semaphore, #tpu.memory_space<semaphore_mem>>
          %dma_wait3A_440 = tpu.memref_squeeze %dma_wait3A_439 : memref<1x!tpu.dma_semaphore, #tpu.memory_space<semaphore_mem>> -> memref<!tpu.dma_semaphore, #tpu.memory_space<semaphore_mem>>
          tpu.wait_indirect_dma semaphore(%dma_wait3A_440 : memref<!tpu.dma_semaphore, #tpu.memory_space<semaphore_mem>>) src(%dma_wait3A_432 : memref<64x128xf32, #tpu.memory_space<vmem>>) dst(%dma_wait3A_438 : memref<10000x128xf32, #tpu.memory_space<vmem_shared>>)
        } else {
        }
        %mul3A_395 = arith.constant 64 : i32
        %mul3A_396 = arith.muli %add3A_229, %mul3A_395 : i32
        %add3A_397 = arith.addi %multiple_of3A_5, %mul3A_396 : i32
        %multiple_of3A_398 = tpu.assume_multiple %add3A_397, 64 : i32
        %dma_start3A_399 = arith.constant 0 : i32
        %dma_start3A_400 = arith.constant 0 : i32
        %dma_start3A_401 = arith.constant 0 : i32
        %dma_start3A_402 = tpu.memref_slice %arg9[%dma_start3A_399, %dma_start3A_401] : memref<4x64xi32, #tpu.memory_space<vmem>> -> memref<1x64xi32, #tpu.memory_space<vmem>>
        %dma_start3A_403 = tpu.memref_squeeze %dma_start3A_402 : memref<1x64xi32, #tpu.memory_space<vmem>> -> memref<64xi32, #tpu.memory_space<vmem>>
        %dma_start3A_404 = tpu.memref_slice %arg5[%multiple_of3A_398] : memref<327680xi32, #tpu.memory_space<hbm>> -> memref<64xi32, #tpu.memory_space<hbm>>
        %dma_start3A_405 = tpu.memref_slice %arg12[%dma_start3A_400] : memref<4x!tpu.dma_semaphore, #tpu.memory_space<semaphore_mem>> -> memref<1x!tpu.dma_semaphore, #tpu.memory_space<semaphore_mem>>
        %dma_start3A_406 = tpu.memref_squeeze %dma_start3A_405 : memref<1x!tpu.dma_semaphore, #tpu.memory_space<semaphore_mem>> -> memref<!tpu.dma_semaphore, #tpu.memory_space<semaphore_mem>>
        %dma_start3A_407 = arith.constant 0 : i32
        %dma_start3A_408 = tpu.memref_slice %arg9[%dma_start3A_399, %dma_start3A_407] : memref<4x64xi32, #tpu.memory_space<vmem>> -> memref<1x64xi32, #tpu.memory_space<vmem>>
        %dma_start3A_409 = tpu.memref_squeeze %dma_start3A_408 : memref<1x64xi32, #tpu.memory_space<vmem>> -> memref<64xi32, #tpu.memory_space<vmem>>
        %dma_start3A_410 = tpu.memref_slice %arg5[%multiple_of3A_398] : memref<327680xi32, #tpu.memory_space<hbm>> -> memref<64xi32, #tpu.memory_space<hbm>>
        tpu.enqueue_dma source(%dma_start3A_410 : memref<64xi32, #tpu.memory_space<hbm>>) target(%dma_start3A_409 : memref<64xi32, #tpu.memory_space<vmem>>) target_semaphore(%dma_start3A_406 : memref<!tpu.dma_semaphore, #tpu.memory_space<semaphore_mem>>)
        %mul3A_411 = arith.constant 64 : i32
        %mul3A_412 = arith.muli %add3A_229, %mul3A_411 : i32
        %multiple_of3A_413 = tpu.assume_multiple %mul3A_412, 64 : i32
        %dma_start3A_414 = arith.constant 0 : i32
        %dma_start3A_415 = arith.constant 0 : i32
        %dma_start3A_416 = arith.constant 0 : i32
        %dma_start3A_417 = arith.constant 0 : i32
        %dma_start3A_418 = tpu.memref_slice %arg10[%dma_start3A_414, %dma_start3A_416, %dma_start3A_417] : memref<4x64x128xf32, #tpu.memory_space<vmem>> -> memref<1x64x128xf32, #tpu.memory_space<vmem>>
        %dma_start3A_419 = tpu.memref_squeeze %dma_start3A_418 : memref<1x64x128xf32, #tpu.memory_space<vmem>> -> memref<64x128xf32, #tpu.memory_space<vmem>>
        %dma_start3A_420 = tpu.memref_slice %arg8[%multiple_of3A_413] : memref<10240xi32, #tpu.memory_space<vmem>> -> memref<64xi32, #tpu.memory_space<vmem>>
        %dma_start3A_421 = arith.constant 0 : i32
        %dma_start3A_422 = arith.constant 0 : i32
        %dma_start3A_423 = tpu.memref_slice %arg2[%dma_start3A_421, %dma_start3A_422] : memref<10008x128xf32, #tpu.memory_space<hbm>> -> memref<10008x128xf32, #tpu.memory_space<hbm>>
        %dma_start3A_424 = tpu.memref_slice %arg11[%dma_start3A_415] : memref<4x!tpu.dma_semaphore, #tpu.memory_space<semaphore_mem>> -> memref<1x!tpu.dma_semaphore, #tpu.memory_space<semaphore_mem>>
        %dma_start3A_425 = tpu.memref_squeeze %dma_start3A_424 : memref<1x!tpu.dma_semaphore, #tpu.memory_space<semaphore_mem>> -> memref<!tpu.dma_semaphore, #tpu.memory_space<semaphore_mem>>
        tpu.enqueue_indirect_dma source(%dma_start3A_423 : memref<10008x128xf32, #tpu.memory_space<hbm>>) target(%dma_start3A_419 : memref<64x128xf32, #tpu.memory_space<vmem>>) offsets(%dma_start3A_420 : memref<64xi32, #tpu.memory_space<vmem>>) semaphore(%dma_start3A_425 : memref<!tpu.dma_semaphore, #tpu.memory_space<semaphore_mem>>)
      } else {
      }
      %mul3A_235 = arith.constant 64 : i32
      %mul3A_236 = arith.muli %add3A_227, %mul3A_235 : i32
      %add3A_237 = arith.addi %multiple_of3A_5, %mul3A_236 : i32
      %multiple_of3A_238 = tpu.assume_multiple %add3A_237, 64 : i32
      %dma_wait3A_239 = arith.constant 1 : i32
      %dma_wait3A_240 = arith.constant 1 : i32
      %dma_wait3A_241 = arith.constant 0 : i32
      %dma_wait3A_242 = tpu.memref_slice %arg9[%dma_wait3A_239, %dma_wait3A_241] : memref<4x64xi32, #tpu.memory_space<vmem>> -> memref<1x64xi32, #tpu.memory_space<vmem>>
      %dma_wait3A_243 = tpu.memref_squeeze %dma_wait3A_242 : memref<1x64xi32, #tpu.memory_space<vmem>> -> memref<64xi32, #tpu.memory_space<vmem>>
      %dma_wait3A_244 = tpu.memref_slice %arg5[%multiple_of3A_238] : memref<327680xi32, #tpu.memory_space<hbm>> -> memref<64xi32, #tpu.memory_space<hbm>>
      %dma_wait3A_245 = tpu.memref_slice %arg12[%dma_wait3A_240] : memref<4x!tpu.dma_semaphore, #tpu.memory_space<semaphore_mem>> -> memref<1x!tpu.dma_semaphore, #tpu.memory_space<semaphore_mem>>
      %dma_wait3A_246 = tpu.memref_squeeze %dma_wait3A_245 : memref<1x!tpu.dma_semaphore, #tpu.memory_space<semaphore_mem>> -> memref<!tpu.dma_semaphore, #tpu.memory_space<semaphore_mem>>
      %dma_wait3A_247 = arith.constant 0 : i32
      %dma_wait3A_248 = tpu.memref_slice %arg9[%dma_wait3A_239, %dma_wait3A_247] : memref<4x64xi32, #tpu.memory_space<vmem>> -> memref<1x64xi32, #tpu.memory_space<vmem>>
      %dma_wait3A_249 = tpu.memref_squeeze %dma_wait3A_248 : memref<1x64xi32, #tpu.memory_space<vmem>> -> memref<64xi32, #tpu.memory_space<vmem>>
      %dma_wait3A_250 = tpu.memref_slice %arg5[%multiple_of3A_238] : memref<327680xi32, #tpu.memory_space<hbm>> -> memref<64xi32, #tpu.memory_space<hbm>>
      tpu.wait_dma2 semaphore(%dma_wait3A_246 : memref<!tpu.dma_semaphore, #tpu.memory_space<semaphore_mem>>) src(%dma_wait3A_250 : memref<64xi32, #tpu.memory_space<hbm>>) dst(%dma_wait3A_249 : memref<64xi32, #tpu.memory_space<vmem>>)
      %mul3A_251 = arith.constant 64 : i32
      %mul3A_252 = arith.muli %add3A_227, %mul3A_251 : i32
      %multiple_of3A_253 = tpu.assume_multiple %mul3A_252, 64 : i32
      %dma_wait3A_254 = arith.constant 1 : i32
      %dma_wait3A_255 = arith.constant 1 : i32
      %dma_wait3A_256 = arith.constant 0 : i32
      %dma_wait3A_257 = arith.constant 0 : i32
      %dma_wait3A_258 = tpu.memref_slice %arg10[%dma_wait3A_254, %dma_wait3A_256, %dma_wait3A_257] : memref<4x64x128xf32, #tpu.memory_space<vmem>> -> memref<1x64x128xf32, #tpu.memory_space<vmem>>
      %dma_wait3A_259 = tpu.memref_squeeze %dma_wait3A_258 : memref<1x64x128xf32, #tpu.memory_space<vmem>> -> memref<64x128xf32, #tpu.memory_space<vmem>>
      %dma_wait3A_260 = tpu.memref_slice %arg8[%multiple_of3A_253] : memref<10240xi32, #tpu.memory_space<vmem>> -> memref<64xi32, #tpu.memory_space<vmem>>
      %dma_wait3A_261 = arith.constant 0 : i32
      %dma_wait3A_262 = arith.constant 0 : i32
      %dma_wait3A_263 = tpu.memref_slice %arg2[%dma_wait3A_261, %dma_wait3A_262] : memref<10008x128xf32, #tpu.memory_space<hbm>> -> memref<10008x128xf32, #tpu.memory_space<hbm>>
      %dma_wait3A_264 = tpu.memref_slice %arg11[%dma_wait3A_255] : memref<4x!tpu.dma_semaphore, #tpu.memory_space<semaphore_mem>> -> memref<1x!tpu.dma_semaphore, #tpu.memory_space<semaphore_mem>>
      %dma_wait3A_265 = tpu.memref_squeeze %dma_wait3A_264 : memref<1x!tpu.dma_semaphore, #tpu.memory_space<semaphore_mem>> -> memref<!tpu.dma_semaphore, #tpu.memory_space<semaphore_mem>>
      tpu.wait_indirect_dma semaphore(%dma_wait3A_265 : memref<!tpu.dma_semaphore, #tpu.memory_space<semaphore_mem>>) src(%dma_wait3A_263 : memref<10008x128xf32, #tpu.memory_space<hbm>>) dst(%dma_wait3A_259 : memref<64x128xf32, #tpu.memory_space<vmem>>)
      %dma_start3A_266 = arith.constant 1 : i32
      %dma_start3A_267 = arith.constant 1 : i32
      %dma_start3A_268 = arith.constant 1 : i32
      %dma_start3A_269 = arith.constant 0 : i32
      %dma_start3A_270 = arith.constant 0 : i32
      %dma_start3A_271 = tpu.memref_slice %arg10[%dma_start3A_266, %dma_start3A_269, %dma_start3A_270] : memref<4x64x128xf32, #tpu.memory_space<vmem>> -> memref<1x64x128xf32, #tpu.memory_space<vmem>>
      %dma_start3A_272 = tpu.memref_squeeze %dma_start3A_271 : memref<1x64x128xf32, #tpu.memory_space<vmem>> -> memref<64x128xf32, #tpu.memory_space<vmem>>
      %dma_start3A_273 = arith.constant 0 : i32
      %dma_start3A_274 = tpu.memref_slice %arg9[%dma_start3A_267, %dma_start3A_273] : memref<4x64xi32, #tpu.memory_space<vmem>> -> memref<1x64xi32, #tpu.memory_space<vmem>>
      %dma_start3A_275 = tpu.memref_squeeze %dma_start3A_274 : memref<1x64xi32, #tpu.memory_space<vmem>> -> memref<64xi32, #tpu.memory_space<vmem>>
      %dma_start3A_276 = arith.constant 0 : i32
      %dma_start3A_277 = arith.constant 0 : i32
      %dma_start3A_278 = tpu.memref_slice %arg7[%dma_start3A_276, %dma_start3A_277] : memref<10000x128xf32, #tpu.memory_space<vmem_shared>> -> memref<10000x128xf32, #tpu.memory_space<vmem_shared>>
      %dma_start3A_279 = tpu.memref_slice %arg13[%dma_start3A_268] : memref<4x!tpu.dma_semaphore, #tpu.memory_space<semaphore_mem>> -> memref<1x!tpu.dma_semaphore, #tpu.memory_space<semaphore_mem>>
      %dma_start3A_280 = tpu.memref_squeeze %dma_start3A_279 : memref<1x!tpu.dma_semaphore, #tpu.memory_space<semaphore_mem>> -> memref<!tpu.dma_semaphore, #tpu.memory_space<semaphore_mem>>
      tpu.enqueue_indirect_dma source(%dma_start3A_272 : memref<64x128xf32, #tpu.memory_space<vmem>>) target(%dma_start3A_278 : memref<10000x128xf32, #tpu.memory_space<vmem_shared>>) offsets(%dma_start3A_275 : memref<64xi32, #tpu.memory_space<vmem>>) semaphore(%dma_start3A_280 : memref<!tpu.dma_semaphore, #tpu.memory_space<semaphore_mem>>) {add = true}
      %add3A_281 = arith.constant 2 : i32
      %add3A_282 = arith.addi %add3A_171, %add3A_281 : i32
      %add3A_283 = arith.constant 3 : i32
      %add3A_284 = arith.addi %add3A_282, %add3A_283 : i32
      %lt3A_285 = arith.constant 160 : i32
      %lt3A_286 = arith.cmpi slt, %add3A_284, %lt3A_285 : i32
      %convert_element_type3A_287 = arith.extui %lt3A_286 : i1 to i32
      %cond3A_288 = arith.constant 0 : i32
      %cond3A_289 = arith.cmpi ne, %convert_element_type3A_287, %cond3A_288 : i32
      scf.if %cond3A_289 {
        %ge3A = arith.constant 1 : i32
        %ge3A_391 = arith.cmpi sge, %add3A_282, %ge3A : i32
        %convert_element_type3A_392 = arith.extui %ge3A_391 : i1 to i32
        %cond3A_393 = arith.constant 0 : i32
        %cond3A_394 = arith.cmpi ne, %convert_element_type3A_392, %cond3A_393 : i32
        scf.if %cond3A_394 {
          %dma_wait3A_426 = arith.constant 1 : i32
          %dma_wait3A_427 = arith.constant 1 : i32
          %dma_wait3A_428 = arith.constant 1 : i32
          %dma_wait3A_429 = arith.constant 0 : i32
          %dma_wait3A_430 = arith.constant 0 : i32
          %dma_wait3A_431 = tpu.memref_slice %arg10[%dma_wait3A_426, %dma_wait3A_429, %dma_wait3A_430] : memref<4x64x128xf32, #tpu.memory_space<vmem>> -> memref<1x64x128xf32, #tpu.memory_space<vmem>>
          %dma_wait3A_432 = tpu.memref_squeeze %dma_wait3A_431 : memref<1x64x128xf32, #tpu.memory_space<vmem>> -> memref<64x128xf32, #tpu.memory_space<vmem>>
          %dma_wait3A_433 = arith.constant 0 : i32
          %dma_wait3A_434 = tpu.memref_slice %arg9[%dma_wait3A_427, %dma_wait3A_433] : memref<4x64xi32, #tpu.memory_space<vmem>> -> memref<1x64xi32, #tpu.memory_space<vmem>>
          %dma_wait3A_435 = tpu.memref_squeeze %dma_wait3A_434 : memref<1x64xi32, #tpu.memory_space<vmem>> -> memref<64xi32, #tpu.memory_space<vmem>>
          %dma_wait3A_436 = arith.constant 0 : i32
          %dma_wait3A_437 = arith.constant 0 : i32
          %dma_wait3A_438 = tpu.memref_slice %arg7[%dma_wait3A_436, %dma_wait3A_437] : memref<10000x128xf32, #tpu.memory_space<vmem_shared>> -> memref<10000x128xf32, #tpu.memory_space<vmem_shared>>
          %dma_wait3A_439 = tpu.memref_slice %arg13[%dma_wait3A_428] : memref<4x!tpu.dma_semaphore, #tpu.memory_space<semaphore_mem>> -> memref<1x!tpu.dma_semaphore, #tpu.memory_space<semaphore_mem>>
          %dma_wait3A_440 = tpu.memref_squeeze %dma_wait3A_439 : memref<1x!tpu.dma_semaphore, #tpu.memory_space<semaphore_mem>> -> memref<!tpu.dma_semaphore, #tpu.memory_space<semaphore_mem>>
          tpu.wait_indirect_dma semaphore(%dma_wait3A_440 : memref<!tpu.dma_semaphore, #tpu.memory_space<semaphore_mem>>) src(%dma_wait3A_432 : memref<64x128xf32, #tpu.memory_space<vmem>>) dst(%dma_wait3A_438 : memref<10000x128xf32, #tpu.memory_space<vmem_shared>>)
        } else {
        }
        %mul3A_395 = arith.constant 64 : i32
        %mul3A_396 = arith.muli %add3A_284, %mul3A_395 : i32
        %add3A_397 = arith.addi %multiple_of3A_5, %mul3A_396 : i32
        %multiple_of3A_398 = tpu.assume_multiple %add3A_397, 64 : i32
        %dma_start3A_399 = arith.constant 1 : i32
        %dma_start3A_400 = arith.constant 1 : i32
        %dma_start3A_401 = arith.constant 0 : i32
        %dma_start3A_402 = tpu.memref_slice %arg9[%dma_start3A_399, %dma_start3A_401] : memref<4x64xi32, #tpu.memory_space<vmem>> -> memref<1x64xi32, #tpu.memory_space<vmem>>
        %dma_start3A_403 = tpu.memref_squeeze %dma_start3A_402 : memref<1x64xi32, #tpu.memory_space<vmem>> -> memref<64xi32, #tpu.memory_space<vmem>>
        %dma_start3A_404 = tpu.memref_slice %arg5[%multiple_of3A_398] : memref<327680xi32, #tpu.memory_space<hbm>> -> memref<64xi32, #tpu.memory_space<hbm>>
        %dma_start3A_405 = tpu.memref_slice %arg12[%dma_start3A_400] : memref<4x!tpu.dma_semaphore, #tpu.memory_space<semaphore_mem>> -> memref<1x!tpu.dma_semaphore, #tpu.memory_space<semaphore_mem>>
        %dma_start3A_406 = tpu.memref_squeeze %dma_start3A_405 : memref<1x!tpu.dma_semaphore, #tpu.memory_space<semaphore_mem>> -> memref<!tpu.dma_semaphore, #tpu.memory_space<semaphore_mem>>
        %dma_start3A_407 = arith.constant 0 : i32
        %dma_start3A_408 = tpu.memref_slice %arg9[%dma_start3A_399, %dma_start3A_407] : memref<4x64xi32, #tpu.memory_space<vmem>> -> memref<1x64xi32, #tpu.memory_space<vmem>>
        %dma_start3A_409 = tpu.memref_squeeze %dma_start3A_408 : memref<1x64xi32, #tpu.memory_space<vmem>> -> memref<64xi32, #tpu.memory_space<vmem>>
        %dma_start3A_410 = tpu.memref_slice %arg5[%multiple_of3A_398] : memref<327680xi32, #tpu.memory_space<hbm>> -> memref<64xi32, #tpu.memory_space<hbm>>
        tpu.enqueue_dma source(%dma_start3A_410 : memref<64xi32, #tpu.memory_space<hbm>>) target(%dma_start3A_409 : memref<64xi32, #tpu.memory_space<vmem>>) target_semaphore(%dma_start3A_406 : memref<!tpu.dma_semaphore, #tpu.memory_space<semaphore_mem>>)
        %mul3A_411 = arith.constant 64 : i32
        %mul3A_412 = arith.muli %add3A_284, %mul3A_411 : i32
        %multiple_of3A_413 = tpu.assume_multiple %mul3A_412, 64 : i32
        %dma_start3A_414 = arith.constant 1 : i32
        %dma_start3A_415 = arith.constant 1 : i32
        %dma_start3A_416 = arith.constant 0 : i32
        %dma_start3A_417 = arith.constant 0 : i32
        %dma_start3A_418 = tpu.memref_slice %arg10[%dma_start3A_414, %dma_start3A_416, %dma_start3A_417] : memref<4x64x128xf32, #tpu.memory_space<vmem>> -> memref<1x64x128xf32, #tpu.memory_space<vmem>>
        %dma_start3A_419 = tpu.memref_squeeze %dma_start3A_418 : memref<1x64x128xf32, #tpu.memory_space<vmem>> -> memref<64x128xf32, #tpu.memory_space<vmem>>
        %dma_start3A_420 = tpu.memref_slice %arg8[%multiple_of3A_413] : memref<10240xi32, #tpu.memory_space<vmem>> -> memref<64xi32, #tpu.memory_space<vmem>>
        %dma_start3A_421 = arith.constant 0 : i32
        %dma_start3A_422 = arith.constant 0 : i32
        %dma_start3A_423 = tpu.memref_slice %arg2[%dma_start3A_421, %dma_start3A_422] : memref<10008x128xf32, #tpu.memory_space<hbm>> -> memref<10008x128xf32, #tpu.memory_space<hbm>>
        %dma_start3A_424 = tpu.memref_slice %arg11[%dma_start3A_415] : memref<4x!tpu.dma_semaphore, #tpu.memory_space<semaphore_mem>> -> memref<1x!tpu.dma_semaphore, #tpu.memory_space<semaphore_mem>>
        %dma_start3A_425 = tpu.memref_squeeze %dma_start3A_424 : memref<1x!tpu.dma_semaphore, #tpu.memory_space<semaphore_mem>> -> memref<!tpu.dma_semaphore, #tpu.memory_space<semaphore_mem>>
        tpu.enqueue_indirect_dma source(%dma_start3A_423 : memref<10008x128xf32, #tpu.memory_space<hbm>>) target(%dma_start3A_419 : memref<64x128xf32, #tpu.memory_space<vmem>>) offsets(%dma_start3A_420 : memref<64xi32, #tpu.memory_space<vmem>>) semaphore(%dma_start3A_425 : memref<!tpu.dma_semaphore, #tpu.memory_space<semaphore_mem>>)
      } else {
      }
      %mul3A_290 = arith.constant 64 : i32
      %mul3A_291 = arith.muli %add3A_282, %mul3A_290 : i32
      %add3A_292 = arith.addi %multiple_of3A_5, %mul3A_291 : i32
      %multiple_of3A_293 = tpu.assume_multiple %add3A_292, 64 : i32
      %dma_wait3A_294 = arith.constant 2 : i32
      %dma_wait3A_295 = arith.constant 2 : i32
      %dma_wait3A_296 = arith.constant 0 : i32
      %dma_wait3A_297 = tpu.memref_slice %arg9[%dma_wait3A_294, %dma_wait3A_296] : memref<4x64xi32, #tpu.memory_space<vmem>> -> memref<1x64xi32, #tpu.memory_space<vmem>>
      %dma_wait3A_298 = tpu.memref_squeeze %dma_wait3A_297 : memref<1x64xi32, #tpu.memory_space<vmem>> -> memref<64xi32, #tpu.memory_space<vmem>>
      %dma_wait3A_299 = tpu.memref_slice %arg5[%multiple_of3A_293] : memref<327680xi32, #tpu.memory_space<hbm>> -> memref<64xi32, #tpu.memory_space<hbm>>
      %dma_wait3A_300 = tpu.memref_slice %arg12[%dma_wait3A_295] : memref<4x!tpu.dma_semaphore, #tpu.memory_space<semaphore_mem>> -> memref<1x!tpu.dma_semaphore, #tpu.memory_space<semaphore_mem>>
      %dma_wait3A_301 = tpu.memref_squeeze %dma_wait3A_300 : memref<1x!tpu.dma_semaphore, #tpu.memory_space<semaphore_mem>> -> memref<!tpu.dma_semaphore, #tpu.memory_space<semaphore_mem>>
      %dma_wait3A_302 = arith.constant 0 : i32
      %dma_wait3A_303 = tpu.memref_slice %arg9[%dma_wait3A_294, %dma_wait3A_302] : memref<4x64xi32, #tpu.memory_space<vmem>> -> memref<1x64xi32, #tpu.memory_space<vmem>>
      %dma_wait3A_304 = tpu.memref_squeeze %dma_wait3A_303 : memref<1x64xi32, #tpu.memory_space<vmem>> -> memref<64xi32, #tpu.memory_space<vmem>>
      %dma_wait3A_305 = tpu.memref_slice %arg5[%multiple_of3A_293] : memref<327680xi32, #tpu.memory_space<hbm>> -> memref<64xi32, #tpu.memory_space<hbm>>
      tpu.wait_dma2 semaphore(%dma_wait3A_301 : memref<!tpu.dma_semaphore, #tpu.memory_space<semaphore_mem>>) src(%dma_wait3A_305 : memref<64xi32, #tpu.memory_space<hbm>>) dst(%dma_wait3A_304 : memref<64xi32, #tpu.memory_space<vmem>>)
      %mul3A_306 = arith.constant 64 : i32
      %mul3A_307 = arith.muli %add3A_282, %mul3A_306 : i32
      %multiple_of3A_308 = tpu.assume_multiple %mul3A_307, 64 : i32
      %dma_wait3A_309 = arith.constant 2 : i32
      %dma_wait3A_310 = arith.constant 2 : i32
      %dma_wait3A_311 = arith.constant 0 : i32
      %dma_wait3A_312 = arith.constant 0 : i32
      %dma_wait3A_313 = tpu.memref_slice %arg10[%dma_wait3A_309, %dma_wait3A_311, %dma_wait3A_312] : memref<4x64x128xf32, #tpu.memory_space<vmem>> -> memref<1x64x128xf32, #tpu.memory_space<vmem>>
      %dma_wait3A_314 = tpu.memref_squeeze %dma_wait3A_313 : memref<1x64x128xf32, #tpu.memory_space<vmem>> -> memref<64x128xf32, #tpu.memory_space<vmem>>
      %dma_wait3A_315 = tpu.memref_slice %arg8[%multiple_of3A_308] : memref<10240xi32, #tpu.memory_space<vmem>> -> memref<64xi32, #tpu.memory_space<vmem>>
      %dma_wait3A_316 = arith.constant 0 : i32
      %dma_wait3A_317 = arith.constant 0 : i32
      %dma_wait3A_318 = tpu.memref_slice %arg2[%dma_wait3A_316, %dma_wait3A_317] : memref<10008x128xf32, #tpu.memory_space<hbm>> -> memref<10008x128xf32, #tpu.memory_space<hbm>>
      %dma_wait3A_319 = tpu.memref_slice %arg11[%dma_wait3A_310] : memref<4x!tpu.dma_semaphore, #tpu.memory_space<semaphore_mem>> -> memref<1x!tpu.dma_semaphore, #tpu.memory_space<semaphore_mem>>
      %dma_wait3A_320 = tpu.memref_squeeze %dma_wait3A_319 : memref<1x!tpu.dma_semaphore, #tpu.memory_space<semaphore_mem>> -> memref<!tpu.dma_semaphore, #tpu.memory_space<semaphore_mem>>
      tpu.wait_indirect_dma semaphore(%dma_wait3A_320 : memref<!tpu.dma_semaphore, #tpu.memory_space<semaphore_mem>>) src(%dma_wait3A_318 : memref<10008x128xf32, #tpu.memory_space<hbm>>) dst(%dma_wait3A_314 : memref<64x128xf32, #tpu.memory_space<vmem>>)
      %dma_start3A_321 = arith.constant 2 : i32
      %dma_start3A_322 = arith.constant 2 : i32
      %dma_start3A_323 = arith.constant 2 : i32
      %dma_start3A_324 = arith.constant 0 : i32
      %dma_start3A_325 = arith.constant 0 : i32
      %dma_start3A_326 = tpu.memref_slice %arg10[%dma_start3A_321, %dma_start3A_324, %dma_start3A_325] : memref<4x64x128xf32, #tpu.memory_space<vmem>> -> memref<1x64x128xf32, #tpu.memory_space<vmem>>
      %dma_start3A_327 = tpu.memref_squeeze %dma_start3A_326 : memref<1x64x128xf32, #tpu.memory_space<vmem>> -> memref<64x128xf32, #tpu.memory_space<vmem>>
      %dma_start3A_328 = arith.constant 0 : i32
      %dma_start3A_329 = tpu.memref_slice %arg9[%dma_start3A_322, %dma_start3A_328] : memref<4x64xi32, #tpu.memory_space<vmem>> -> memref<1x64xi32, #tpu.memory_space<vmem>>
      %dma_start3A_330 = tpu.memref_squeeze %dma_start3A_329 : memref<1x64xi32, #tpu.memory_space<vmem>> -> memref<64xi32, #tpu.memory_space<vmem>>
      %dma_start3A_331 = arith.constant 0 : i32
      %dma_start3A_332 = arith.constant 0 : i32
      %dma_start3A_333 = tpu.memref_slice %arg7[%dma_start3A_331, %dma_start3A_332] : memref<10000x128xf32, #tpu.memory_space<vmem_shared>> -> memref<10000x128xf32, #tpu.memory_space<vmem_shared>>
      %dma_start3A_334 = tpu.memref_slice %arg13[%dma_start3A_323] : memref<4x!tpu.dma_semaphore, #tpu.memory_space<semaphore_mem>> -> memref<1x!tpu.dma_semaphore, #tpu.memory_space<semaphore_mem>>
      %dma_start3A_335 = tpu.memref_squeeze %dma_start3A_334 : memref<1x!tpu.dma_semaphore, #tpu.memory_space<semaphore_mem>> -> memref<!tpu.dma_semaphore, #tpu.memory_space<semaphore_mem>>
      tpu.enqueue_indirect_dma source(%dma_start3A_327 : memref<64x128xf32, #tpu.memory_space<vmem>>) target(%dma_start3A_333 : memref<10000x128xf32, #tpu.memory_space<vmem_shared>>) offsets(%dma_start3A_330 : memref<64xi32, #tpu.memory_space<vmem>>) semaphore(%dma_start3A_335 : memref<!tpu.dma_semaphore, #tpu.memory_space<semaphore_mem>>) {add = true}
      %add3A_336 = arith.constant 3 : i32
      %add3A_337 = arith.addi %add3A_171, %add3A_336 : i32
      %add3A_338 = arith.constant 3 : i32
      %add3A_339 = arith.addi %add3A_337, %add3A_338 : i32
      %lt3A_340 = arith.constant 160 : i32
      %lt3A_341 = arith.cmpi slt, %add3A_339, %lt3A_340 : i32
      %convert_element_type3A_342 = arith.extui %lt3A_341 : i1 to i32
      %cond3A_343 = arith.constant 0 : i32
      %cond3A_344 = arith.cmpi ne, %convert_element_type3A_342, %cond3A_343 : i32
      scf.if %cond3A_344 {
        %ge3A = arith.constant 1 : i32
        %ge3A_391 = arith.cmpi sge, %add3A_337, %ge3A : i32
        %convert_element_type3A_392 = arith.extui %ge3A_391 : i1 to i32
        %cond3A_393 = arith.constant 0 : i32
        %cond3A_394 = arith.cmpi ne, %convert_element_type3A_392, %cond3A_393 : i32
        scf.if %cond3A_394 {
          %dma_wait3A_426 = arith.constant 2 : i32
          %dma_wait3A_427 = arith.constant 2 : i32
          %dma_wait3A_428 = arith.constant 2 : i32
          %dma_wait3A_429 = arith.constant 0 : i32
          %dma_wait3A_430 = arith.constant 0 : i32
          %dma_wait3A_431 = tpu.memref_slice %arg10[%dma_wait3A_426, %dma_wait3A_429, %dma_wait3A_430] : memref<4x64x128xf32, #tpu.memory_space<vmem>> -> memref<1x64x128xf32, #tpu.memory_space<vmem>>
          %dma_wait3A_432 = tpu.memref_squeeze %dma_wait3A_431 : memref<1x64x128xf32, #tpu.memory_space<vmem>> -> memref<64x128xf32, #tpu.memory_space<vmem>>
          %dma_wait3A_433 = arith.constant 0 : i32
          %dma_wait3A_434 = tpu.memref_slice %arg9[%dma_wait3A_427, %dma_wait3A_433] : memref<4x64xi32, #tpu.memory_space<vmem>> -> memref<1x64xi32, #tpu.memory_space<vmem>>
          %dma_wait3A_435 = tpu.memref_squeeze %dma_wait3A_434 : memref<1x64xi32, #tpu.memory_space<vmem>> -> memref<64xi32, #tpu.memory_space<vmem>>
          %dma_wait3A_436 = arith.constant 0 : i32
          %dma_wait3A_437 = arith.constant 0 : i32
          %dma_wait3A_438 = tpu.memref_slice %arg7[%dma_wait3A_436, %dma_wait3A_437] : memref<10000x128xf32, #tpu.memory_space<vmem_shared>> -> memref<10000x128xf32, #tpu.memory_space<vmem_shared>>
          %dma_wait3A_439 = tpu.memref_slice %arg13[%dma_wait3A_428] : memref<4x!tpu.dma_semaphore, #tpu.memory_space<semaphore_mem>> -> memref<1x!tpu.dma_semaphore, #tpu.memory_space<semaphore_mem>>
          %dma_wait3A_440 = tpu.memref_squeeze %dma_wait3A_439 : memref<1x!tpu.dma_semaphore, #tpu.memory_space<semaphore_mem>> -> memref<!tpu.dma_semaphore, #tpu.memory_space<semaphore_mem>>
          tpu.wait_indirect_dma semaphore(%dma_wait3A_440 : memref<!tpu.dma_semaphore, #tpu.memory_space<semaphore_mem>>) src(%dma_wait3A_432 : memref<64x128xf32, #tpu.memory_space<vmem>>) dst(%dma_wait3A_438 : memref<10000x128xf32, #tpu.memory_space<vmem_shared>>)
        } else {
        }
        %mul3A_395 = arith.constant 64 : i32
        %mul3A_396 = arith.muli %add3A_339, %mul3A_395 : i32
        %add3A_397 = arith.addi %multiple_of3A_5, %mul3A_396 : i32
        %multiple_of3A_398 = tpu.assume_multiple %add3A_397, 64 : i32
        %dma_start3A_399 = arith.constant 2 : i32
        %dma_start3A_400 = arith.constant 2 : i32
        %dma_start3A_401 = arith.constant 0 : i32
        %dma_start3A_402 = tpu.memref_slice %arg9[%dma_start3A_399, %dma_start3A_401] : memref<4x64xi32, #tpu.memory_space<vmem>> -> memref<1x64xi32, #tpu.memory_space<vmem>>
        %dma_start3A_403 = tpu.memref_squeeze %dma_start3A_402 : memref<1x64xi32, #tpu.memory_space<vmem>> -> memref<64xi32, #tpu.memory_space<vmem>>
        %dma_start3A_404 = tpu.memref_slice %arg5[%multiple_of3A_398] : memref<327680xi32, #tpu.memory_space<hbm>> -> memref<64xi32, #tpu.memory_space<hbm>>
        %dma_start3A_405 = tpu.memref_slice %arg12[%dma_start3A_400] : memref<4x!tpu.dma_semaphore, #tpu.memory_space<semaphore_mem>> -> memref<1x!tpu.dma_semaphore, #tpu.memory_space<semaphore_mem>>
        %dma_start3A_406 = tpu.memref_squeeze %dma_start3A_405 : memref<1x!tpu.dma_semaphore, #tpu.memory_space<semaphore_mem>> -> memref<!tpu.dma_semaphore, #tpu.memory_space<semaphore_mem>>
        %dma_start3A_407 = arith.constant 0 : i32
        %dma_start3A_408 = tpu.memref_slice %arg9[%dma_start3A_399, %dma_start3A_407] : memref<4x64xi32, #tpu.memory_space<vmem>> -> memref<1x64xi32, #tpu.memory_space<vmem>>
        %dma_start3A_409 = tpu.memref_squeeze %dma_start3A_408 : memref<1x64xi32, #tpu.memory_space<vmem>> -> memref<64xi32, #tpu.memory_space<vmem>>
        %dma_start3A_410 = tpu.memref_slice %arg5[%multiple_of3A_398] : memref<327680xi32, #tpu.memory_space<hbm>> -> memref<64xi32, #tpu.memory_space<hbm>>
        tpu.enqueue_dma source(%dma_start3A_410 : memref<64xi32, #tpu.memory_space<hbm>>) target(%dma_start3A_409 : memref<64xi32, #tpu.memory_space<vmem>>) target_semaphore(%dma_start3A_406 : memref<!tpu.dma_semaphore, #tpu.memory_space<semaphore_mem>>)
        %mul3A_411 = arith.constant 64 : i32
        %mul3A_412 = arith.muli %add3A_339, %mul3A_411 : i32
        %multiple_of3A_413 = tpu.assume_multiple %mul3A_412, 64 : i32
        %dma_start3A_414 = arith.constant 2 : i32
        %dma_start3A_415 = arith.constant 2 : i32
        %dma_start3A_416 = arith.constant 0 : i32
        %dma_start3A_417 = arith.constant 0 : i32
        %dma_start3A_418 = tpu.memref_slice %arg10[%dma_start3A_414, %dma_start3A_416, %dma_start3A_417] : memref<4x64x128xf32, #tpu.memory_space<vmem>> -> memref<1x64x128xf32, #tpu.memory_space<vmem>>
        %dma_start3A_419 = tpu.memref_squeeze %dma_start3A_418 : memref<1x64x128xf32, #tpu.memory_space<vmem>> -> memref<64x128xf32, #tpu.memory_space<vmem>>
        %dma_start3A_420 = tpu.memref_slice %arg8[%multiple_of3A_413] : memref<10240xi32, #tpu.memory_space<vmem>> -> memref<64xi32, #tpu.memory_space<vmem>>
        %dma_start3A_421 = arith.constant 0 : i32
        %dma_start3A_422 = arith.constant 0 : i32
        %dma_start3A_423 = tpu.memref_slice %arg2[%dma_start3A_421, %dma_start3A_422] : memref<10008x128xf32, #tpu.memory_space<hbm>> -> memref<10008x128xf32, #tpu.memory_space<hbm>>
        %dma_start3A_424 = tpu.memref_slice %arg11[%dma_start3A_415] : memref<4x!tpu.dma_semaphore, #tpu.memory_space<semaphore_mem>> -> memref<1x!tpu.dma_semaphore, #tpu.memory_space<semaphore_mem>>
        %dma_start3A_425 = tpu.memref_squeeze %dma_start3A_424 : memref<1x!tpu.dma_semaphore, #tpu.memory_space<semaphore_mem>> -> memref<!tpu.dma_semaphore, #tpu.memory_space<semaphore_mem>>
        tpu.enqueue_indirect_dma source(%dma_start3A_423 : memref<10008x128xf32, #tpu.memory_space<hbm>>) target(%dma_start3A_419 : memref<64x128xf32, #tpu.memory_space<vmem>>) offsets(%dma_start3A_420 : memref<64xi32, #tpu.memory_space<vmem>>) semaphore(%dma_start3A_425 : memref<!tpu.dma_semaphore, #tpu.memory_space<semaphore_mem>>)
      } else {
      }
      %mul3A_345 = arith.constant 64 : i32
      %mul3A_346 = arith.muli %add3A_337, %mul3A_345 : i32
      %add3A_347 = arith.addi %multiple_of3A_5, %mul3A_346 : i32
      %multiple_of3A_348 = tpu.assume_multiple %add3A_347, 64 : i32
      %dma_wait3A_349 = arith.constant 3 : i32
      %dma_wait3A_350 = arith.constant 3 : i32
      %dma_wait3A_351 = arith.constant 0 : i32
      %dma_wait3A_352 = tpu.memref_slice %arg9[%dma_wait3A_349, %dma_wait3A_351] : memref<4x64xi32, #tpu.memory_space<vmem>> -> memref<1x64xi32, #tpu.memory_space<vmem>>
      %dma_wait3A_353 = tpu.memref_squeeze %dma_wait3A_352 : memref<1x64xi32, #tpu.memory_space<vmem>> -> memref<64xi32, #tpu.memory_space<vmem>>
      %dma_wait3A_354 = tpu.memref_slice %arg5[%multiple_of3A_348] : memref<327680xi32, #tpu.memory_space<hbm>> -> memref<64xi32, #tpu.memory_space<hbm>>
      %dma_wait3A_355 = tpu.memref_slice %arg12[%dma_wait3A_350] : memref<4x!tpu.dma_semaphore, #tpu.memory_space<semaphore_mem>> -> memref<1x!tpu.dma_semaphore, #tpu.memory_space<semaphore_mem>>
      %dma_wait3A_356 = tpu.memref_squeeze %dma_wait3A_355 : memref<1x!tpu.dma_semaphore, #tpu.memory_space<semaphore_mem>> -> memref<!tpu.dma_semaphore, #tpu.memory_space<semaphore_mem>>
      %dma_wait3A_357 = arith.constant 0 : i32
      %dma_wait3A_358 = tpu.memref_slice %arg9[%dma_wait3A_349, %dma_wait3A_357] : memref<4x64xi32, #tpu.memory_space<vmem>> -> memref<1x64xi32, #tpu.memory_space<vmem>>
      %dma_wait3A_359 = tpu.memref_squeeze %dma_wait3A_358 : memref<1x64xi32, #tpu.memory_space<vmem>> -> memref<64xi32, #tpu.memory_space<vmem>>
      %dma_wait3A_360 = tpu.memref_slice %arg5[%multiple_of3A_348] : memref<327680xi32, #tpu.memory_space<hbm>> -> memref<64xi32, #tpu.memory_space<hbm>>
      tpu.wait_dma2 semaphore(%dma_wait3A_356 : memref<!tpu.dma_semaphore, #tpu.memory_space<semaphore_mem>>) src(%dma_wait3A_360 : memref<64xi32, #tpu.memory_space<hbm>>) dst(%dma_wait3A_359 : memref<64xi32, #tpu.memory_space<vmem>>)
      %mul3A_361 = arith.constant 64 : i32
      %mul3A_362 = arith.muli %add3A_337, %mul3A_361 : i32
      %multiple_of3A_363 = tpu.assume_multiple %mul3A_362, 64 : i32
      %dma_wait3A_364 = arith.constant 3 : i32
      %dma_wait3A_365 = arith.constant 3 : i32
      %dma_wait3A_366 = arith.constant 0 : i32
      %dma_wait3A_367 = arith.constant 0 : i32
      %dma_wait3A_368 = tpu.memref_slice %arg10[%dma_wait3A_364, %dma_wait3A_366, %dma_wait3A_367] : memref<4x64x128xf32, #tpu.memory_space<vmem>> -> memref<1x64x128xf32, #tpu.memory_space<vmem>>
      %dma_wait3A_369 = tpu.memref_squeeze %dma_wait3A_368 : memref<1x64x128xf32, #tpu.memory_space<vmem>> -> memref<64x128xf32, #tpu.memory_space<vmem>>
      %dma_wait3A_370 = tpu.memref_slice %arg8[%multiple_of3A_363] : memref<10240xi32, #tpu.memory_space<vmem>> -> memref<64xi32, #tpu.memory_space<vmem>>
      %dma_wait3A_371 = arith.constant 0 : i32
      %dma_wait3A_372 = arith.constant 0 : i32
      %dma_wait3A_373 = tpu.memref_slice %arg2[%dma_wait3A_371, %dma_wait3A_372] : memref<10008x128xf32, #tpu.memory_space<hbm>> -> memref<10008x128xf32, #tpu.memory_space<hbm>>
      %dma_wait3A_374 = tpu.memref_slice %arg11[%dma_wait3A_365] : memref<4x!tpu.dma_semaphore, #tpu.memory_space<semaphore_mem>> -> memref<1x!tpu.dma_semaphore, #tpu.memory_space<semaphore_mem>>
      %dma_wait3A_375 = tpu.memref_squeeze %dma_wait3A_374 : memref<1x!tpu.dma_semaphore, #tpu.memory_space<semaphore_mem>> -> memref<!tpu.dma_semaphore, #tpu.memory_space<semaphore_mem>>
      tpu.wait_indirect_dma semaphore(%dma_wait3A_375 : memref<!tpu.dma_semaphore, #tpu.memory_space<semaphore_mem>>) src(%dma_wait3A_373 : memref<10008x128xf32, #tpu.memory_space<hbm>>) dst(%dma_wait3A_369 : memref<64x128xf32, #tpu.memory_space<vmem>>)
      %dma_start3A_376 = arith.constant 3 : i32
      %dma_start3A_377 = arith.constant 3 : i32
      %dma_start3A_378 = arith.constant 3 : i32
      %dma_start3A_379 = arith.constant 0 : i32
      %dma_start3A_380 = arith.constant 0 : i32
      %dma_start3A_381 = tpu.memref_slice %arg10[%dma_start3A_376, %dma_start3A_379, %dma_start3A_380] : memref<4x64x128xf32, #tpu.memory_space<vmem>> -> memref<1x64x128xf32, #tpu.memory_space<vmem>>
      %dma_start3A_382 = tpu.memref_squeeze %dma_start3A_381 : memref<1x64x128xf32, #tpu.memory_space<vmem>> -> memref<64x128xf32, #tpu.memory_space<vmem>>
      %dma_start3A_383 = arith.constant 0 : i32
      %dma_start3A_384 = tpu.memref_slice %arg9[%dma_start3A_377, %dma_start3A_383] : memref<4x64xi32, #tpu.memory_space<vmem>> -> memref<1x64xi32, #tpu.memory_space<vmem>>
      %dma_start3A_385 = tpu.memref_squeeze %dma_start3A_384 : memref<1x64xi32, #tpu.memory_space<vmem>> -> memref<64xi32, #tpu.memory_space<vmem>>
      %dma_start3A_386 = arith.constant 0 : i32
      %dma_start3A_387 = arith.constant 0 : i32
      %dma_start3A_388 = tpu.memref_slice %arg7[%dma_start3A_386, %dma_start3A_387] : memref<10000x128xf32, #tpu.memory_space<vmem_shared>> -> memref<10000x128xf32, #tpu.memory_space<vmem_shared>>
      %dma_start3A_389 = tpu.memref_slice %arg13[%dma_start3A_378] : memref<4x!tpu.dma_semaphore, #tpu.memory_space<semaphore_mem>> -> memref<1x!tpu.dma_semaphore, #tpu.memory_space<semaphore_mem>>
      %dma_start3A_390 = tpu.memref_squeeze %dma_start3A_389 : memref<1x!tpu.dma_semaphore, #tpu.memory_space<semaphore_mem>> -> memref<!tpu.dma_semaphore, #tpu.memory_space<semaphore_mem>>
      tpu.enqueue_indirect_dma source(%dma_start3A_382 : memref<64x128xf32, #tpu.memory_space<vmem>>) target(%dma_start3A_388 : memref<10000x128xf32, #tpu.memory_space<vmem_shared>>) offsets(%dma_start3A_385 : memref<64xi32, #tpu.memory_space<vmem>>) semaphore(%dma_start3A_390 : memref<!tpu.dma_semaphore, #tpu.memory_space<semaphore_mem>>) {add = true}
    }
    %scan3A_101 = arith.constant 40 : i32
    %dma_wait3A = arith.constant 0 : i32
    %dma_wait3A_102 = arith.constant 0 : i32
    %dma_wait3A_103 = arith.constant 0 : i32
    %dma_wait3A_104 = arith.constant 0 : i32
    %dma_wait3A_105 = arith.constant 0 : i32
    %dma_wait3A_106 = tpu.memref_slice %arg10[%dma_wait3A, %dma_wait3A_104, %dma_wait3A_105] : memref<4x64x128xf32, #tpu.memory_space<vmem>> -> memref<1x64x128xf32, #tpu.memory_space<vmem>>
    %dma_wait3A_107 = tpu.memref_squeeze %dma_wait3A_106 : memref<1x64x128xf32, #tpu.memory_space<vmem>> -> memref<64x128xf32, #tpu.memory_space<vmem>>
    %dma_wait3A_108 = arith.constant 0 : i32
    %dma_wait3A_109 = tpu.memref_slice %arg9[%dma_wait3A_102, %dma_wait3A_108] : memref<4x64xi32, #tpu.memory_space<vmem>> -> memref<1x64xi32, #tpu.memory_space<vmem>>
    %dma_wait3A_110 = tpu.memref_squeeze %dma_wait3A_109 : memref<1x64xi32, #tpu.memory_space<vmem>> -> memref<64xi32, #tpu.memory_space<vmem>>
    %dma_wait3A_111 = arith.constant 0 : i32
    %dma_wait3A_112 = arith.constant 0 : i32
    %dma_wait3A_113 = tpu.memref_slice %arg7[%dma_wait3A_111, %dma_wait3A_112] : memref<10000x128xf32, #tpu.memory_space<vmem_shared>> -> memref<10000x128xf32, #tpu.memory_space<vmem_shared>>
    %dma_wait3A_114 = tpu.memref_slice %arg13[%dma_wait3A_103] : memref<4x!tpu.dma_semaphore, #tpu.memory_space<semaphore_mem>> -> memref<1x!tpu.dma_semaphore, #tpu.memory_space<semaphore_mem>>
    %dma_wait3A_115 = tpu.memref_squeeze %dma_wait3A_114 : memref<1x!tpu.dma_semaphore, #tpu.memory_space<semaphore_mem>> -> memref<!tpu.dma_semaphore, #tpu.memory_space<semaphore_mem>>
    tpu.wait_indirect_dma semaphore(%dma_wait3A_115 : memref<!tpu.dma_semaphore, #tpu.memory_space<semaphore_mem>>) src(%dma_wait3A_107 : memref<64x128xf32, #tpu.memory_space<vmem>>) dst(%dma_wait3A_113 : memref<10000x128xf32, #tpu.memory_space<vmem_shared>>)
    %dma_wait3A_116 = arith.constant 1 : i32
    %dma_wait3A_117 = arith.constant 1 : i32
    %dma_wait3A_118 = arith.constant 1 : i32
    %dma_wait3A_119 = arith.constant 0 : i32
    %dma_wait3A_120 = arith.constant 0 : i32
    %dma_wait3A_121 = tpu.memref_slice %arg10[%dma_wait3A_116, %dma_wait3A_119, %dma_wait3A_120] : memref<4x64x128xf32, #tpu.memory_space<vmem>> -> memref<1x64x128xf32, #tpu.memory_space<vmem>>
    %dma_wait3A_122 = tpu.memref_squeeze %dma_wait3A_121 : memref<1x64x128xf32, #tpu.memory_space<vmem>> -> memref<64x128xf32, #tpu.memory_space<vmem>>
    %dma_wait3A_123 = arith.constant 0 : i32
    %dma_wait3A_124 = tpu.memref_slice %arg9[%dma_wait3A_117, %dma_wait3A_123] : memref<4x64xi32, #tpu.memory_space<vmem>> -> memref<1x64xi32, #tpu.memory_space<vmem>>
    %dma_wait3A_125 = tpu.memref_squeeze %dma_wait3A_124 : memref<1x64xi32, #tpu.memory_space<vmem>> -> memref<64xi32, #tpu.memory_space<vmem>>
    %dma_wait3A_126 = arith.constant 0 : i32
    %dma_wait3A_127 = arith.constant 0 : i32
    %dma_wait3A_128 = tpu.memref_slice %arg7[%dma_wait3A_126, %dma_wait3A_127] : memref<10000x128xf32, #tpu.memory_space<vmem_shared>> -> memref<10000x128xf32, #tpu.memory_space<vmem_shared>>
    %dma_wait3A_129 = tpu.memref_slice %arg13[%dma_wait3A_118] : memref<4x!tpu.dma_semaphore, #tpu.memory_space<semaphore_mem>> -> memref<1x!tpu.dma_semaphore, #tpu.memory_space<semaphore_mem>>
    %dma_wait3A_130 = tpu.memref_squeeze %dma_wait3A_129 : memref<1x!tpu.dma_semaphore, #tpu.memory_space<semaphore_mem>> -> memref<!tpu.dma_semaphore, #tpu.memory_space<semaphore_mem>>
    tpu.wait_indirect_dma semaphore(%dma_wait3A_130 : memref<!tpu.dma_semaphore, #tpu.memory_space<semaphore_mem>>) src(%dma_wait3A_122 : memref<64x128xf32, #tpu.memory_space<vmem>>) dst(%dma_wait3A_128 : memref<10000x128xf32, #tpu.memory_space<vmem_shared>>)
    %dma_wait3A_131 = arith.constant 2 : i32
    %dma_wait3A_132 = arith.constant 2 : i32
    %dma_wait3A_133 = arith.constant 2 : i32
    %dma_wait3A_134 = arith.constant 0 : i32
    %dma_wait3A_135 = arith.constant 0 : i32
    %dma_wait3A_136 = tpu.memref_slice %arg10[%dma_wait3A_131, %dma_wait3A_134, %dma_wait3A_135] : memref<4x64x128xf32, #tpu.memory_space<vmem>> -> memref<1x64x128xf32, #tpu.memory_space<vmem>>
    %dma_wait3A_137 = tpu.memref_squeeze %dma_wait3A_136 : memref<1x64x128xf32, #tpu.memory_space<vmem>> -> memref<64x128xf32, #tpu.memory_space<vmem>>
    %dma_wait3A_138 = arith.constant 0 : i32
    %dma_wait3A_139 = tpu.memref_slice %arg9[%dma_wait3A_132, %dma_wait3A_138] : memref<4x64xi32, #tpu.memory_space<vmem>> -> memref<1x64xi32, #tpu.memory_space<vmem>>
    %dma_wait3A_140 = tpu.memref_squeeze %dma_wait3A_139 : memref<1x64xi32, #tpu.memory_space<vmem>> -> memref<64xi32, #tpu.memory_space<vmem>>
    %dma_wait3A_141 = arith.constant 0 : i32
    %dma_wait3A_142 = arith.constant 0 : i32
    %dma_wait3A_143 = tpu.memref_slice %arg7[%dma_wait3A_141, %dma_wait3A_142] : memref<10000x128xf32, #tpu.memory_space<vmem_shared>> -> memref<10000x128xf32, #tpu.memory_space<vmem_shared>>
    %dma_wait3A_144 = tpu.memref_slice %arg13[%dma_wait3A_133] : memref<4x!tpu.dma_semaphore, #tpu.memory_space<semaphore_mem>> -> memref<1x!tpu.dma_semaphore, #tpu.memory_space<semaphore_mem>>
    %dma_wait3A_145 = tpu.memref_squeeze %dma_wait3A_144 : memref<1x!tpu.dma_semaphore, #tpu.memory_space<semaphore_mem>> -> memref<!tpu.dma_semaphore, #tpu.memory_space<semaphore_mem>>
    tpu.wait_indirect_dma semaphore(%dma_wait3A_145 : memref<!tpu.dma_semaphore, #tpu.memory_space<semaphore_mem>>) src(%dma_wait3A_137 : memref<64x128xf32, #tpu.memory_space<vmem>>) dst(%dma_wait3A_143 : memref<10000x128xf32, #tpu.memory_space<vmem_shared>>)
    %dma_wait3A_146 = arith.constant 3 : i32
    %dma_wait3A_147 = arith.constant 3 : i32
    %dma_wait3A_148 = arith.constant 3 : i32
    %dma_wait3A_149 = arith.constant 0 : i32
    %dma_wait3A_150 = arith.constant 0 : i32
    %dma_wait3A_151 = tpu.memref_slice %arg10[%dma_wait3A_146, %dma_wait3A_149, %dma_wait3A_150] : memref<4x64x128xf32, #tpu.memory_space<vmem>> -> memref<1x64x128xf32, #tpu.memory_space<vmem>>
    %dma_wait3A_152 = tpu.memref_squeeze %dma_wait3A_151 : memref<1x64x128xf32, #tpu.memory_space<vmem>> -> memref<64x128xf32, #tpu.memory_space<vmem>>
    %dma_wait3A_153 = arith.constant 0 : i32
    %dma_wait3A_154 = tpu.memref_slice %arg9[%dma_wait3A_147, %dma_wait3A_153] : memref<4x64xi32, #tpu.memory_space<vmem>> -> memref<1x64xi32, #tpu.memory_space<vmem>>
    %dma_wait3A_155 = tpu.memref_squeeze %dma_wait3A_154 : memref<1x64xi32, #tpu.memory_space<vmem>> -> memref<64xi32, #tpu.memory_space<vmem>>
    %dma_wait3A_156 = arith.constant 0 : i32
    %dma_wait3A_157 = arith.constant 0 : i32
    %dma_wait3A_158 = tpu.memref_slice %arg7[%dma_wait3A_156, %dma_wait3A_157] : memref<10000x128xf32, #tpu.memory_space<vmem_shared>> -> memref<10000x128xf32, #tpu.memory_space<vmem_shared>>
    %dma_wait3A_159 = tpu.memref_slice %arg13[%dma_wait3A_148] : memref<4x!tpu.dma_semaphore, #tpu.memory_space<semaphore_mem>> -> memref<1x!tpu.dma_semaphore, #tpu.memory_space<semaphore_mem>>
    %dma_wait3A_160 = tpu.memref_squeeze %dma_wait3A_159 : memref<1x!tpu.dma_semaphore, #tpu.memory_space<semaphore_mem>> -> memref<!tpu.dma_semaphore, #tpu.memory_space<semaphore_mem>>
    tpu.wait_indirect_dma semaphore(%dma_wait3A_160 : memref<!tpu.dma_semaphore, #tpu.memory_space<semaphore_mem>>) src(%dma_wait3A_152 : memref<64x128xf32, #tpu.memory_space<vmem>>) dst(%dma_wait3A_158 : memref<10000x128xf32, #tpu.memory_space<vmem_shared>>)
    %barrier3A_161 = arith.constant 0 : index
    tpu.barrier barrier_id(%barrier3A_161)
    "tpu.region"() ({
      %run_scoped3A = tpu.sem_alloc : memref<!tpu.dma_semaphore, #tpu.memory_space<semaphore_mem>>
      %dma_start3A_167 = arith.constant 0 : i32
      %dma_start3A_168 = tpu.memref_slice %arg6[%arg0, %multiple_of3A, %dma_start3A_167] : memref<2x10000x128xf32, #tpu.memory_space<hbm>> -> memref<1x624x128xf32, #tpu.memory_space<hbm>>
      %dma_start3A_169 = tpu.memref_squeeze %dma_start3A_168 : memref<1x624x128xf32, #tpu.memory_space<hbm>> -> memref<624x128xf32, #tpu.memory_space<hbm>>
      %dma_start3A_170 = arith.constant 0 : i32
      %dma_start3A_171 = tpu.memref_slice %arg7[%multiple_of3A, %dma_start3A_170] : memref<10000x128xf32, #tpu.memory_space<vmem_shared>> -> memref<624x128xf32, #tpu.memory_space<vmem_shared>>
      tpu.enqueue_dma source(%dma_start3A_171 : memref<624x128xf32, #tpu.memory_space<vmem_shared>>) target(%dma_start3A_169 : memref<624x128xf32, #tpu.memory_space<hbm>>) target_semaphore(%run_scoped3A : memref<!tpu.dma_semaphore, #tpu.memory_space<semaphore_mem>>)
      %dma_wait3A_172 = arith.constant 0 : i32
      %dma_wait3A_173 = tpu.memref_slice %arg6[%arg0, %multiple_of3A, %dma_wait3A_172] : memref<2x10000x128xf32, #tpu.memory_space<hbm>> -> memref<1x624x128xf32, #tpu.memory_space<hbm>>
      %dma_wait3A_174 = tpu.memref_squeeze %dma_wait3A_173 : memref<1x624x128xf32, #tpu.memory_space<hbm>> -> memref<624x128xf32, #tpu.memory_space<hbm>>
      %dma_wait3A_175 = arith.constant 0 : i32
      %dma_wait3A_176 = tpu.memref_slice %arg7[%multiple_of3A, %dma_wait3A_175] : memref<10000x128xf32, #tpu.memory_space<vmem_shared>> -> memref<624x128xf32, #tpu.memory_space<vmem_shared>>
      tpu.wait_dma2 semaphore(%run_scoped3A : memref<!tpu.dma_semaphore, #tpu.memory_space<semaphore_mem>>) src(%dma_wait3A_176 : memref<624x128xf32, #tpu.memory_space<vmem_shared>>) dst(%dma_wait3A_174 : memref<624x128xf32, #tpu.memory_space<hbm>>)
      tpu.yield
    }) : () -> ()
    %eq3A_162 = arith.constant 15 : i32
    %eq3A_163 = arith.cmpi eq, %arg1, %eq3A_162 : i32
    %convert_element_type3A_164 = arith.extui %eq3A_163 : i1 to i32
    %cond3A_165 = arith.constant 0 : i32
    %cond3A_166 = arith.cmpi ne, %convert_element_type3A_164, %cond3A_165 : i32
    scf.if %cond3A_166 {
      "tpu.region"() ({
        %run_scoped3A = tpu.sem_alloc : memref<!tpu.dma_semaphore, #tpu.memory_space<semaphore_mem>>
        %dma_start3A_167 = arith.constant 9984 : i32
        %dma_start3A_168 = arith.constant 0 : i32
        %dma_start3A_169 = tpu.memref_slice %arg6[%arg0, %dma_start3A_167, %dma_start3A_168] : memref<2x10000x128xf32, #tpu.memory_space<hbm>> -> memref<1x16x128xf32, #tpu.memory_space<hbm>>
        %dma_start3A_170 = tpu.memref_squeeze %dma_start3A_169 : memref<1x16x128xf32, #tpu.memory_space<hbm>> -> memref<16x128xf32, #tpu.memory_space<hbm>>
        %dma_start3A_171 = arith.constant 9984 : i32
        %dma_start3A_172 = arith.constant 0 : i32
        %dma_start3A_173 = tpu.memref_slice %arg7[%dma_start3A_171, %dma_start3A_172] : memref<10000x128xf32, #tpu.memory_space<vmem_shared>> -> memref<16x128xf32, #tpu.memory_space<vmem_shared>>
        tpu.enqueue_dma source(%dma_start3A_173 : memref<16x128xf32, #tpu.memory_space<vmem_shared>>) target(%dma_start3A_170 : memref<16x128xf32, #tpu.memory_space<hbm>>) target_semaphore(%run_scoped3A : memref<!tpu.dma_semaphore, #tpu.memory_space<semaphore_mem>>)
        %dma_wait3A_174 = arith.constant 9984 : i32
        %dma_wait3A_175 = arith.constant 0 : i32
        %dma_wait3A_176 = tpu.memref_slice %arg6[%arg0, %dma_wait3A_174, %dma_wait3A_175] : memref<2x10000x128xf32, #tpu.memory_space<hbm>> -> memref<1x16x128xf32, #tpu.memory_space<hbm>>
        %dma_wait3A_177 = tpu.memref_squeeze %dma_wait3A_176 : memref<1x16x128xf32, #tpu.memory_space<hbm>> -> memref<16x128xf32, #tpu.memory_space<hbm>>
        %dma_wait3A_178 = arith.constant 9984 : i32
        %dma_wait3A_179 = arith.constant 0 : i32
        %dma_wait3A_180 = tpu.memref_slice %arg7[%dma_wait3A_178, %dma_wait3A_179] : memref<10000x128xf32, #tpu.memory_space<vmem_shared>> -> memref<16x128xf32, #tpu.memory_space<vmem_shared>>
        tpu.wait_dma2 semaphore(%run_scoped3A : memref<!tpu.dma_semaphore, #tpu.memory_space<semaphore_mem>>) src(%dma_wait3A_180 : memref<16x128xf32, #tpu.memory_space<vmem_shared>>) dst(%dma_wait3A_177 : memref<16x128xf32, #tpu.memory_space<hbm>>)
        tpu.yield
      }) : () -> ()
    } else {
    }
    return
  }
}

#map = affine_map<(d0, d1) -> (0, 0)>
#map1 = affine_map<(d0, d1) -> (0)>
#map2 = affine_map<(d0, d1) -> (0, 0, 0)>
module attributes {stable_mosaic.version = 14 : i64} {
  func.func @_hop_kernel(%arg0: i32, %arg1: i32, %arg2: memref<10008x128xf32, #tpu.memory_space<hbm>>, %arg3: memref<10000x128xf32, #tpu.memory_space<hbm>>, %arg4: memref<327680xi32, #tpu.memory_space<hbm>>, %arg5: memref<327680xi32, #tpu.memory_space<hbm>>, %arg6: memref<2x10000x128xf32, #tpu.memory_space<hbm>>, %arg7: memref<10000x128xf32, #tpu.memory_space<vmem_shared>>, %arg8: memref<10240xi32, #tpu.memory_space<vmem>>, %arg9: memref<4x64xi32, #tpu.memory_space<vmem>>, %arg10: memref<4x64x128xf32, #tpu.memory_space<vmem>>, %arg11: memref<4x!tpu.dma_semaphore, #tpu.memory_space<semaphore_mem>>, %arg12: memref<4x!tpu.dma_semaphore, #tpu.memory_space<semaphore_mem>>, %arg13: memref<4x!tpu.dma_semaphore, #tpu.memory_space<semaphore_mem>>) attributes {dimension_semantics = [#tpu.dimension_semantics<core_parallel>, #tpu.dimension_semantics<subcore_parallel>], iteration_bounds = array<i64: 2, 16>, scalar_prefetch = 0 : i64, scratch_operands = 7 : i64, tpu.core_type = #tpu.core_type<sc_vector_subcore>, window_params = [{transform_indices = #map}, {transform_indices = #map}, {transform_indices = #map1}, {transform_indices = #map1}, {transform_indices = #map2}]} {
    %mul3A = arith.constant 16 : i32
    %mul3A_0 = arith.muli %arg0, %mul3A : i32
    %add3A = arith.addi %mul3A_0, %arg1 : i32
    %mul3A_1 = arith.constant 624 : i32
    %mul3A_2 = arith.muli %arg1, %mul3A_1 : i32
    %multiple_of3A = tpu.assume_multiple %mul3A_2, 8 : i32
    %mul3A_3 = arith.constant 10240 : i32
    %mul3A_4 = arith.muli %add3A, %mul3A_3 : i32
    %multiple_of3A_5 = tpu.assume_multiple %mul3A_4, 64 : i32
    "tpu.region"() ({
      %run_scoped3A = tpu.sem_alloc : memref<!tpu.dma_semaphore, #tpu.memory_space<semaphore_mem>>
      %dma_start3A_167 = tpu.memref_slice %arg4[%multiple_of3A_5] : memref<327680xi32, #tpu.memory_space<hbm>> -> memref<10240xi32, #tpu.memory_space<hbm>>
      %dma_start3A_168 = tpu.memref_slice %arg4[%multiple_of3A_5] : memref<327680xi32, #tpu.memory_space<hbm>> -> memref<10240xi32, #tpu.memory_space<hbm>>
      tpu.enqueue_dma source(%dma_start3A_168 : memref<10240xi32, #tpu.memory_space<hbm>>) target(%arg8 : memref<10240xi32, #tpu.memory_space<vmem>>) target_semaphore(%run_scoped3A : memref<!tpu.dma_semaphore, #tpu.memory_space<semaphore_mem>>)
      %dma_wait3A_169 = tpu.memref_slice %arg4[%multiple_of3A_5] : memref<327680xi32, #tpu.memory_space<hbm>> -> memref<10240xi32, #tpu.memory_space<hbm>>
      %dma_wait3A_170 = tpu.memref_slice %arg4[%multiple_of3A_5] : memref<327680xi32, #tpu.memory_space<hbm>> -> memref<10240xi32, #tpu.memory_space<hbm>>
      tpu.wait_dma2 semaphore(%run_scoped3A : memref<!tpu.dma_semaphore, #tpu.memory_space<semaphore_mem>>) src(%dma_wait3A_170 : memref<10240xi32, #tpu.memory_space<hbm>>) dst(%arg8 : memref<10240xi32, #tpu.memory_space<vmem>>)
      tpu.yield
    }) : () -> ()
    %add3A_6 = arith.constant 0 : i32
    %add3A_7 = arith.addi %multiple_of3A_5, %add3A_6 : i32
    %multiple_of3A_8 = tpu.assume_multiple %add3A_7, 64 : i32
    %dma_start3A = arith.constant 0 : i32
    %dma_start3A_9 = arith.constant 0 : i32
    %dma_start3A_10 = arith.constant 0 : i32
    %dma_start3A_11 = tpu.memref_slice %arg9[%dma_start3A, %dma_start3A_10] : memref<4x64xi32, #tpu.memory_space<vmem>> -> memref<1x64xi32, #tpu.memory_space<vmem>>
    %dma_start3A_12 = tpu.memref_squeeze %dma_start3A_11 : memref<1x64xi32, #tpu.memory_space<vmem>> -> memref<64xi32, #tpu.memory_space<vmem>>
    %dma_start3A_13 = tpu.memref_slice %arg5[%multiple_of3A_8] : memref<327680xi32, #tpu.memory_space<hbm>> -> memref<64xi32, #tpu.memory_space<hbm>>
    %dma_start3A_14 = tpu.memref_slice %arg12[%dma_start3A_9] : memref<4x!tpu.dma_semaphore, #tpu.memory_space<semaphore_mem>> -> memref<1x!tpu.dma_semaphore, #tpu.memory_space<semaphore_mem>>
    %dma_start3A_15 = tpu.memref_squeeze %dma_start3A_14 : memref<1x!tpu.dma_semaphore, #tpu.memory_space<semaphore_mem>> -> memref<!tpu.dma_semaphore, #tpu.memory_space<semaphore_mem>>
    %dma_start3A_16 = arith.constant 0 : i32
    %dma_start3A_17 = tpu.memref_slice %arg9[%dma_start3A, %dma_start3A_16] : memref<4x64xi32, #tpu.memory_space<vmem>> -> memref<1x64xi32, #tpu.memory_space<vmem>>
    %dma_start3A_18 = tpu.memref_squeeze %dma_start3A_17 : memref<1x64xi32, #tpu.memory_space<vmem>> -> memref<64xi32, #tpu.memory_space<vmem>>
    %dma_start3A_19 = tpu.memref_slice %arg5[%multiple_of3A_8] : memref<327680xi32, #tpu.memory_space<hbm>> -> memref<64xi32, #tpu.memory_space<hbm>>
    tpu.enqueue_dma source(%dma_start3A_19 : memref<64xi32, #tpu.memory_space<hbm>>) target(%dma_start3A_18 : memref<64xi32, #tpu.memory_space<vmem>>) target_semaphore(%dma_start3A_15 : memref<!tpu.dma_semaphore, #tpu.memory_space<semaphore_mem>>)
    %multiple_of3A_20 = arith.constant 0 : i32
    %multiple_of3A_21 = tpu.assume_multiple %multiple_of3A_20, 64 : i32
    %dma_start3A_22 = arith.constant 0 : i32
    %dma_start3A_23 = arith.constant 0 : i32
    %dma_start3A_24 = arith.constant 0 : i32
    %dma_start3A_25 = arith.constant 0 : i32
    %dma_start3A_26 = tpu.memref_slice %arg10[%dma_start3A_22, %dma_start3A_24, %dma_start3A_25] : memref<4x64x128xf32, #tpu.memory_space<vmem>> -> memref<1x64x128xf32, #tpu.memory_space<vmem>>
    %dma_start3A_27 = tpu.memref_squeeze %dma_start3A_26 : memref<1x64x128xf32, #tpu.memory_space<vmem>> -> memref<64x128xf32, #tpu.memory_space<vmem>>
    %dma_start3A_28 = tpu.memref_slice %arg8[%multiple_of3A_21] : memref<10240xi32, #tpu.memory_space<vmem>> -> memref<64xi32, #tpu.memory_space<vmem>>
    %dma_start3A_29 = arith.constant 0 : i32
    %dma_start3A_30 = arith.constant 0 : i32
    %dma_start3A_31 = tpu.memref_slice %arg2[%dma_start3A_29, %dma_start3A_30] : memref<10008x128xf32, #tpu.memory_space<hbm>> -> memref<10008x128xf32, #tpu.memory_space<hbm>>
    %dma_start3A_32 = tpu.memref_slice %arg11[%dma_start3A_23] : memref<4x!tpu.dma_semaphore, #tpu.memory_space<semaphore_mem>> -> memref<1x!tpu.dma_semaphore, #tpu.memory_space<semaphore_mem>>
    %dma_start3A_33 = tpu.memref_squeeze %dma_start3A_32 : memref<1x!tpu.dma_semaphore, #tpu.memory_space<semaphore_mem>> -> memref<!tpu.dma_semaphore, #tpu.memory_space<semaphore_mem>>
    tpu.enqueue_indirect_dma source(%dma_start3A_31 : memref<10008x128xf32, #tpu.memory_space<hbm>>) target(%dma_start3A_27 : memref<64x128xf32, #tpu.memory_space<vmem>>) offsets(%dma_start3A_28 : memref<64xi32, #tpu.memory_space<vmem>>) semaphore(%dma_start3A_33 : memref<!tpu.dma_semaphore, #tpu.memory_space<semaphore_mem>>)
    %add3A_34 = arith.constant 64 : i32
    %add3A_35 = arith.addi %multiple_of3A_5, %add3A_34 : i32
    %multiple_of3A_36 = tpu.assume_multiple %add3A_35, 64 : i32
    %dma_start3A_37 = arith.constant 1 : i32
    %dma_start3A_38 = arith.constant 1 : i32
    %dma_start3A_39 = arith.constant 0 : i32
    %dma_start3A_40 = tpu.memref_slice %arg9[%dma_start3A_37, %dma_start3A_39] : memref<4x64xi32, #tpu.memory_space<vmem>> -> memref<1x64xi32, #tpu.memory_space<vmem>>
    %dma_start3A_41 = tpu.memref_squeeze %dma_start3A_40 : memref<1x64xi32, #tpu.memory_space<vmem>> -> memref<64xi32, #tpu.memory_space<vmem>>
    %dma_start3A_42 = tpu.memref_slice %arg5[%multiple_of3A_36] : memref<327680xi32, #tpu.memory_space<hbm>> -> memref<64xi32, #tpu.memory_space<hbm>>
    %dma_start3A_43 = tpu.memref_slice %arg12[%dma_start3A_38] : memref<4x!tpu.dma_semaphore, #tpu.memory_space<semaphore_mem>> -> memref<1x!tpu.dma_semaphore, #tpu.memory_space<semaphore_mem>>
    %dma_start3A_44 = tpu.memref_squeeze %dma_start3A_43 : memref<1x!tpu.dma_semaphore, #tpu.memory_space<semaphore_mem>> -> memref<!tpu.dma_semaphore, #tpu.memory_space<semaphore_mem>>
    %dma_start3A_45 = arith.constant 0 : i32
    %dma_start3A_46 = tpu.memref_slice %arg9[%dma_start3A_37, %dma_start3A_45] : memref<4x64xi32, #tpu.memory_space<vmem>> -> memref<1x64xi32, #tpu.memory_space<vmem>>
    %dma_start3A_47 = tpu.memref_squeeze %dma_start3A_46 : memref<1x64xi32, #tpu.memory_space<vmem>> -> memref<64xi32, #tpu.memory_space<vmem>>
    %dma_start3A_48 = tpu.memref_slice %arg5[%multiple_of3A_36] : memref<327680xi32, #tpu.memory_space<hbm>> -> memref<64xi32, #tpu.memory_space<hbm>>
    tpu.enqueue_dma source(%dma_start3A_48 : memref<64xi32, #tpu.memory_space<hbm>>) target(%dma_start3A_47 : memref<64xi32, #tpu.memory_space<vmem>>) target_semaphore(%dma_start3A_44 : memref<!tpu.dma_semaphore, #tpu.memory_space<semaphore_mem>>)
    %multiple_of3A_49 = arith.constant 64 : i32
    %multiple_of3A_50 = tpu.assume_multiple %multiple_of3A_49, 64 : i32
    %dma_start3A_51 = arith.constant 1 : i32
    %dma_start3A_52 = arith.constant 1 : i32
    %dma_start3A_53 = arith.constant 0 : i32
    %dma_start3A_54 = arith.constant 0 : i32
    %dma_start3A_55 = tpu.memref_slice %arg10[%dma_start3A_51, %dma_start3A_53, %dma_start3A_54] : memref<4x64x128xf32, #tpu.memory_space<vmem>> -> memref<1x64x128xf32, #tpu.memory_space<vmem>>
    %dma_start3A_56 = tpu.memref_squeeze %dma_start3A_55 : memref<1x64x128xf32, #tpu.memory_space<vmem>> -> memref<64x128xf32, #tpu.memory_space<vmem>>
    %dma_start3A_57 = tpu.memref_slice %arg8[%multiple_of3A_50] : memref<10240xi32, #tpu.memory_space<vmem>> -> memref<64xi32, #tpu.memory_space<vmem>>
    %dma_start3A_58 = arith.constant 0 : i32
    %dma_start3A_59 = arith.constant 0 : i32
    %dma_start3A_60 = tpu.memref_slice %arg2[%dma_start3A_58, %dma_start3A_59] : memref<10008x128xf32, #tpu.memory_space<hbm>> -> memref<10008x128xf32, #tpu.memory_space<hbm>>
    %dma_start3A_61 = tpu.memref_slice %arg11[%dma_start3A_52] : memref<4x!tpu.dma_semaphore, #tpu.memory_space<semaphore_mem>> -> memref<1x!tpu.dma_semaphore, #tpu.memory_space<semaphore_mem>>
    %dma_start3A_62 = tpu.memref_squeeze %dma_start3A_61 : memref<1x!tpu.dma_semaphore, #tpu.memory_space<semaphore_mem>> -> memref<!tpu.dma_semaphore, #tpu.memory_space<semaphore_mem>>
    tpu.enqueue_indirect_dma source(%dma_start3A_60 : memref<10008x128xf32, #tpu.memory_space<hbm>>) target(%dma_start3A_56 : memref<64x128xf32, #tpu.memory_space<vmem>>) offsets(%dma_start3A_57 : memref<64xi32, #tpu.memory_space<vmem>>) semaphore(%dma_start3A_62 : memref<!tpu.dma_semaphore, #tpu.memory_space<semaphore_mem>>)
    %add3A_63 = arith.constant 128 : i32
    %add3A_64 = arith.addi %multiple_of3A_5, %add3A_63 : i32
    %multiple_of3A_65 = tpu.assume_multiple %add3A_64, 64 : i32
    %dma_start3A_66 = arith.constant 2 : i32
    %dma_start3A_67 = arith.constant 2 : i32
    %dma_start3A_68 = arith.constant 0 : i32
    %dma_start3A_69 = tpu.memref_slice %arg9[%dma_start3A_66, %dma_start3A_68] : memref<4x64xi32, #tpu.memory_space<vmem>> -> memref<1x64xi32, #tpu.memory_space<vmem>>
    %dma_start3A_70 = tpu.memref_squeeze %dma_start3A_69 : memref<1x64xi32, #tpu.memory_space<vmem>> -> memref<64xi32, #tpu.memory_space<vmem>>
    %dma_start3A_71 = tpu.memref_slice %arg5[%multiple_of3A_65] : memref<327680xi32, #tpu.memory_space<hbm>> -> memref<64xi32, #tpu.memory_space<hbm>>
    %dma_start3A_72 = tpu.memref_slice %arg12[%dma_start3A_67] : memref<4x!tpu.dma_semaphore, #tpu.memory_space<semaphore_mem>> -> memref<1x!tpu.dma_semaphore, #tpu.memory_space<semaphore_mem>>
    %dma_start3A_73 = tpu.memref_squeeze %dma_start3A_72 : memref<1x!tpu.dma_semaphore, #tpu.memory_space<semaphore_mem>> -> memref<!tpu.dma_semaphore, #tpu.memory_space<semaphore_mem>>
    %dma_start3A_74 = arith.constant 0 : i32
    %dma_start3A_75 = tpu.memref_slice %arg9[%dma_start3A_66, %dma_start3A_74] : memref<4x64xi32, #tpu.memory_space<vmem>> -> memref<1x64xi32, #tpu.memory_space<vmem>>
    %dma_start3A_76 = tpu.memref_squeeze %dma_start3A_75 : memref<1x64xi32, #tpu.memory_space<vmem>> -> memref<64xi32, #tpu.memory_space<vmem>>
    %dma_start3A_77 = tpu.memref_slice %arg5[%multiple_of3A_65] : memref<327680xi32, #tpu.memory_space<hbm>> -> memref<64xi32, #tpu.memory_space<hbm>>
    tpu.enqueue_dma source(%dma_start3A_77 : memref<64xi32, #tpu.memory_space<hbm>>) target(%dma_start3A_76 : memref<64xi32, #tpu.memory_space<vmem>>) target_semaphore(%dma_start3A_73 : memref<!tpu.dma_semaphore, #tpu.memory_space<semaphore_mem>>)
    %multiple_of3A_78 = arith.constant 128 : i32
    %multiple_of3A_79 = tpu.assume_multiple %multiple_of3A_78, 64 : i32
    %dma_start3A_80 = arith.constant 2 : i32
    %dma_start3A_81 = arith.constant 2 : i32
    %dma_start3A_82 = arith.constant 0 : i32
    %dma_start3A_83 = arith.constant 0 : i32
    %dma_start3A_84 = tpu.memref_slice %arg10[%dma_start3A_80, %dma_start3A_82, %dma_start3A_83] : memref<4x64x128xf32, #tpu.memory_space<vmem>> -> memref<1x64x128xf32, #tpu.memory_space<vmem>>
    %dma_start3A_85 = tpu.memref_squeeze %dma_start3A_84 : memref<1x64x128xf32, #tpu.memory_space<vmem>> -> memref<64x128xf32, #tpu.memory_space<vmem>>
    %dma_start3A_86 = tpu.memref_slice %arg8[%multiple_of3A_79] : memref<10240xi32, #tpu.memory_space<vmem>> -> memref<64xi32, #tpu.memory_space<vmem>>
    %dma_start3A_87 = arith.constant 0 : i32
    %dma_start3A_88 = arith.constant 0 : i32
    %dma_start3A_89 = tpu.memref_slice %arg2[%dma_start3A_87, %dma_start3A_88] : memref<10008x128xf32, #tpu.memory_space<hbm>> -> memref<10008x128xf32, #tpu.memory_space<hbm>>
    %dma_start3A_90 = tpu.memref_slice %arg11[%dma_start3A_81] : memref<4x!tpu.dma_semaphore, #tpu.memory_space<semaphore_mem>> -> memref<1x!tpu.dma_semaphore, #tpu.memory_space<semaphore_mem>>
    %dma_start3A_91 = tpu.memref_squeeze %dma_start3A_90 : memref<1x!tpu.dma_semaphore, #tpu.memory_space<semaphore_mem>> -> memref<!tpu.dma_semaphore, #tpu.memory_space<semaphore_mem>>
    tpu.enqueue_indirect_dma source(%dma_start3A_89 : memref<10008x128xf32, #tpu.memory_space<hbm>>) target(%dma_start3A_85 : memref<64x128xf32, #tpu.memory_space<vmem>>) offsets(%dma_start3A_86 : memref<64xi32, #tpu.memory_space<vmem>>) semaphore(%dma_start3A_91 : memref<!tpu.dma_semaphore, #tpu.memory_space<semaphore_mem>>)
    %eq3A = arith.constant 0 : i32
    %eq3A_92 = arith.cmpi eq, %arg0, %eq3A : i32
    %convert_element_type3A = arith.extui %eq3A_92 : i1 to i32
    %cond3A = arith.constant 0 : i32
    %cond3A_93 = arith.cmpi ne, %convert_element_type3A, %cond3A : i32
    scf.if %cond3A_93 {
      "tpu.region"() ({
        %run_scoped3A = tpu.sem_alloc : memref<!tpu.dma_semaphore, #tpu.memory_space<semaphore_mem>>
        %dma_start3A_172 = arith.constant 0 : i32
        %dma_start3A_173 = tpu.memref_slice %arg7[%multiple_of3A, %dma_start3A_172] : memref<10000x128xf32, #tpu.memory_space<vmem_shared>> -> memref<624x128xf32, #tpu.memory_space<vmem_shared>>
        %dma_start3A_174 = arith.constant 0 : i32
        %dma_start3A_175 = tpu.memref_slice %arg2[%multiple_of3A, %dma_start3A_174] : memref<10008x128xf32, #tpu.memory_space<hbm>> -> memref<624x128xf32, #tpu.memory_space<hbm>>
        tpu.enqueue_dma source(%dma_start3A_175 : memref<624x128xf32, #tpu.memory_space<hbm>>) target(%dma_start3A_173 : memref<624x128xf32, #tpu.memory_space<vmem_shared>>) target_semaphore(%run_scoped3A : memref<!tpu.dma_semaphore, #tpu.memory_space<semaphore_mem>>)
        %dma_wait3A_176 = arith.constant 0 : i32
        %dma_wait3A_177 = tpu.memref_slice %arg7[%multiple_of3A, %dma_wait3A_176] : memref<10000x128xf32, #tpu.memory_space<vmem_shared>> -> memref<624x128xf32, #tpu.memory_space<vmem_shared>>
        %dma_wait3A_178 = arith.constant 0 : i32
        %dma_wait3A_179 = tpu.memref_slice %arg2[%multiple_of3A, %dma_wait3A_178] : memref<10008x128xf32, #tpu.memory_space<hbm>> -> memref<624x128xf32, #tpu.memory_space<hbm>>
        tpu.wait_dma2 semaphore(%run_scoped3A : memref<!tpu.dma_semaphore, #tpu.memory_space<semaphore_mem>>) src(%dma_wait3A_179 : memref<624x128xf32, #tpu.memory_space<hbm>>) dst(%dma_wait3A_177 : memref<624x128xf32, #tpu.memory_space<vmem_shared>>)
        tpu.yield
      }) : () -> ()
      %eq3A_167 = arith.constant 15 : i32
      %eq3A_168 = arith.cmpi eq, %arg1, %eq3A_167 : i32
      %convert_element_type3A_169 = arith.extui %eq3A_168 : i1 to i32
      %cond3A_170 = arith.constant 0 : i32
      %cond3A_171 = arith.cmpi ne, %convert_element_type3A_169, %cond3A_170 : i32
      scf.if %cond3A_171 {
        "tpu.region"() ({
          %run_scoped3A = tpu.sem_alloc : memref<!tpu.dma_semaphore, #tpu.memory_space<semaphore_mem>>
          %dma_start3A_172 = arith.constant 9984 : i32
          %dma_start3A_173 = arith.constant 0 : i32
          %dma_start3A_174 = tpu.memref_slice %arg7[%dma_start3A_172, %dma_start3A_173] : memref<10000x128xf32, #tpu.memory_space<vmem_shared>> -> memref<16x128xf32, #tpu.memory_space<vmem_shared>>
          %dma_start3A_175 = arith.constant 9984 : i32
          %dma_start3A_176 = arith.constant 0 : i32
          %dma_start3A_177 = tpu.memref_slice %arg2[%dma_start3A_175, %dma_start3A_176] : memref<10008x128xf32, #tpu.memory_space<hbm>> -> memref<16x128xf32, #tpu.memory_space<hbm>>
          tpu.enqueue_dma source(%dma_start3A_177 : memref<16x128xf32, #tpu.memory_space<hbm>>) target(%dma_start3A_174 : memref<16x128xf32, #tpu.memory_space<vmem_shared>>) target_semaphore(%run_scoped3A : memref<!tpu.dma_semaphore, #tpu.memory_space<semaphore_mem>>)
          %dma_wait3A_178 = arith.constant 9984 : i32
          %dma_wait3A_179 = arith.constant 0 : i32
          %dma_wait3A_180 = tpu.memref_slice %arg7[%dma_wait3A_178, %dma_wait3A_179] : memref<10000x128xf32, #tpu.memory_space<vmem_shared>> -> memref<16x128xf32, #tpu.memory_space<vmem_shared>>
          %dma_wait3A_181 = arith.constant 9984 : i32
          %dma_wait3A_182 = arith.constant 0 : i32
          %dma_wait3A_183 = tpu.memref_slice %arg2[%dma_wait3A_181, %dma_wait3A_182] : memref<10008x128xf32, #tpu.memory_space<hbm>> -> memref<16x128xf32, #tpu.memory_space<hbm>>
          tpu.wait_dma2 semaphore(%run_scoped3A : memref<!tpu.dma_semaphore, #tpu.memory_space<semaphore_mem>>) src(%dma_wait3A_183 : memref<16x128xf32, #tpu.memory_space<hbm>>) dst(%dma_wait3A_180 : memref<16x128xf32, #tpu.memory_space<vmem_shared>>)
          tpu.yield
        }) : () -> ()
      } else {
      }
    } else {
    }
    %ne3A = arith.constant 0 : i32
    %ne3A_94 = arith.cmpi ne, %arg0, %ne3A : i32
    %convert_element_type3A_95 = arith.extui %ne3A_94 : i1 to i32
    %cond3A_96 = arith.constant 0 : i32
    %cond3A_97 = arith.cmpi ne, %convert_element_type3A_95, %cond3A_96 : i32
    scf.if %cond3A_97 {
      "tpu.region"() ({
        %run_scoped3A = tpu.sem_alloc : memref<!tpu.dma_semaphore, #tpu.memory_space<semaphore_mem>>
        %dma_start3A_172 = arith.constant 0 : i32
        %dma_start3A_173 = tpu.memref_slice %arg7[%multiple_of3A, %dma_start3A_172] : memref<10000x128xf32, #tpu.memory_space<vmem_shared>> -> memref<624x128xf32, #tpu.memory_space<vmem_shared>>
        %dma_start3A_174 = arith.constant 0 : i32
        %dma_start3A_175 = tpu.memref_slice %arg3[%multiple_of3A, %dma_start3A_174] : memref<10000x128xf32, #tpu.memory_space<hbm>> -> memref<624x128xf32, #tpu.memory_space<hbm>>
        tpu.enqueue_dma source(%dma_start3A_175 : memref<624x128xf32, #tpu.memory_space<hbm>>) target(%dma_start3A_173 : memref<624x128xf32, #tpu.memory_space<vmem_shared>>) target_semaphore(%run_scoped3A : memref<!tpu.dma_semaphore, #tpu.memory_space<semaphore_mem>>)
        %dma_wait3A_176 = arith.constant 0 : i32
        %dma_wait3A_177 = tpu.memref_slice %arg7[%multiple_of3A, %dma_wait3A_176] : memref<10000x128xf32, #tpu.memory_space<vmem_shared>> -> memref<624x128xf32, #tpu.memory_space<vmem_shared>>
        %dma_wait3A_178 = arith.constant 0 : i32
        %dma_wait3A_179 = tpu.memref_slice %arg3[%multiple_of3A, %dma_wait3A_178] : memref<10000x128xf32, #tpu.memory_space<hbm>> -> memref<624x128xf32, #tpu.memory_space<hbm>>
        tpu.wait_dma2 semaphore(%run_scoped3A : memref<!tpu.dma_semaphore, #tpu.memory_space<semaphore_mem>>) src(%dma_wait3A_179 : memref<624x128xf32, #tpu.memory_space<hbm>>) dst(%dma_wait3A_177 : memref<624x128xf32, #tpu.memory_space<vmem_shared>>)
        tpu.yield
      }) : () -> ()
      %eq3A_167 = arith.constant 15 : i32
      %eq3A_168 = arith.cmpi eq, %arg1, %eq3A_167 : i32
      %convert_element_type3A_169 = arith.extui %eq3A_168 : i1 to i32
      %cond3A_170 = arith.constant 0 : i32
      %cond3A_171 = arith.cmpi ne, %convert_element_type3A_169, %cond3A_170 : i32
      scf.if %cond3A_171 {
        "tpu.region"() ({
          %run_scoped3A = tpu.sem_alloc : memref<!tpu.dma_semaphore, #tpu.memory_space<semaphore_mem>>
          %dma_start3A_172 = arith.constant 9984 : i32
          %dma_start3A_173 = arith.constant 0 : i32
          %dma_start3A_174 = tpu.memref_slice %arg7[%dma_start3A_172, %dma_start3A_173] : memref<10000x128xf32, #tpu.memory_space<vmem_shared>> -> memref<16x128xf32, #tpu.memory_space<vmem_shared>>
          %dma_start3A_175 = arith.constant 9984 : i32
          %dma_start3A_176 = arith.constant 0 : i32
          %dma_start3A_177 = tpu.memref_slice %arg3[%dma_start3A_175, %dma_start3A_176] : memref<10000x128xf32, #tpu.memory_space<hbm>> -> memref<16x128xf32, #tpu.memory_space<hbm>>
          tpu.enqueue_dma source(%dma_start3A_177 : memref<16x128xf32, #tpu.memory_space<hbm>>) target(%dma_start3A_174 : memref<16x128xf32, #tpu.memory_space<vmem_shared>>) target_semaphore(%run_scoped3A : memref<!tpu.dma_semaphore, #tpu.memory_space<semaphore_mem>>)
          %dma_wait3A_178 = arith.constant 9984 : i32
          %dma_wait3A_179 = arith.constant 0 : i32
          %dma_wait3A_180 = tpu.memref_slice %arg7[%dma_wait3A_178, %dma_wait3A_179] : memref<10000x128xf32, #tpu.memory_space<vmem_shared>> -> memref<16x128xf32, #tpu.memory_space<vmem_shared>>
          %dma_wait3A_181 = arith.constant 9984 : i32
          %dma_wait3A_182 = arith.constant 0 : i32
          %dma_wait3A_183 = tpu.memref_slice %arg3[%dma_wait3A_181, %dma_wait3A_182] : memref<10000x128xf32, #tpu.memory_space<hbm>> -> memref<16x128xf32, #tpu.memory_space<hbm>>
          tpu.wait_dma2 semaphore(%run_scoped3A : memref<!tpu.dma_semaphore, #tpu.memory_space<semaphore_mem>>) src(%dma_wait3A_183 : memref<16x128xf32, #tpu.memory_space<hbm>>) dst(%dma_wait3A_180 : memref<16x128xf32, #tpu.memory_space<vmem_shared>>)
          tpu.yield
        }) : () -> ()
      } else {
      }
    } else {
    }
    %barrier3A = arith.constant 0 : index
    tpu.barrier barrier_id(%barrier3A)
    %scan3A = arith.constant 0 : i32
    %scan3A_98 = arith.constant 40 : i32
    %scan3A_99 = arith.addi %scan3A, %scan3A_98 : i32
    %scan3A_100 = arith.constant 1 : i32
    scf.for %scan3A_167 = %scan3A to %scan3A_99 step %scan3A_100  : i32 {
      %mul3A_168 = arith.constant 4 : i32
      %mul3A_169 = arith.muli %scan3A_167, %mul3A_168 : i32
      %add3A_170 = arith.constant 0 : i32
      %add3A_171 = arith.addi %add3A_170, %mul3A_169 : i32
      %add3A_172 = arith.constant 0 : i32
      %add3A_173 = arith.addi %add3A_171, %add3A_172 : i32
      %add3A_174 = arith.constant 3 : i32
      %add3A_175 = arith.addi %add3A_173, %add3A_174 : i32
      %lt3A = arith.constant 160 : i32
      %lt3A_176 = arith.cmpi slt, %add3A_175, %lt3A : i32
      %convert_element_type3A_177 = arith.extui %lt3A_176 : i1 to i32
      %cond3A_178 = arith.constant 0 : i32
      %cond3A_179 = arith.cmpi ne, %convert_element_type3A_177, %cond3A_178 : i32
      scf.if %cond3A_179 {
        %ge3A = arith.constant 1 : i32
        %ge3A_391 = arith.cmpi sge, %add3A_173, %ge3A : i32
        %convert_element_type3A_392 = arith.extui %ge3A_391 : i1 to i32
        %cond3A_393 = arith.constant 0 : i32
        %cond3A_394 = arith.cmpi ne, %convert_element_type3A_392, %cond3A_393 : i32
        scf.if %cond3A_394 {
          %dma_wait3A_426 = arith.constant 3 : i32
          %dma_wait3A_427 = arith.constant 3 : i32
          %dma_wait3A_428 = arith.constant 3 : i32
          %dma_wait3A_429 = arith.constant 0 : i32
          %dma_wait3A_430 = arith.constant 0 : i32
          %dma_wait3A_431 = tpu.memref_slice %arg10[%dma_wait3A_426, %dma_wait3A_429, %dma_wait3A_430] : memref<4x64x128xf32, #tpu.memory_space<vmem>> -> memref<1x64x128xf32, #tpu.memory_space<vmem>>
          %dma_wait3A_432 = tpu.memref_squeeze %dma_wait3A_431 : memref<1x64x128xf32, #tpu.memory_space<vmem>> -> memref<64x128xf32, #tpu.memory_space<vmem>>
          %dma_wait3A_433 = arith.constant 0 : i32
          %dma_wait3A_434 = tpu.memref_slice %arg9[%dma_wait3A_427, %dma_wait3A_433] : memref<4x64xi32, #tpu.memory_space<vmem>> -> memref<1x64xi32, #tpu.memory_space<vmem>>
          %dma_wait3A_435 = tpu.memref_squeeze %dma_wait3A_434 : memref<1x64xi32, #tpu.memory_space<vmem>> -> memref<64xi32, #tpu.memory_space<vmem>>
          %dma_wait3A_436 = arith.constant 0 : i32
          %dma_wait3A_437 = arith.constant 0 : i32
          %dma_wait3A_438 = tpu.memref_slice %arg7[%dma_wait3A_436, %dma_wait3A_437] : memref<10000x128xf32, #tpu.memory_space<vmem_shared>> -> memref<10000x128xf32, #tpu.memory_space<vmem_shared>>
          %dma_wait3A_439 = tpu.memref_slice %arg13[%dma_wait3A_428] : memref<4x!tpu.dma_semaphore, #tpu.memory_space<semaphore_mem>> -> memref<1x!tpu.dma_semaphore, #tpu.memory_space<semaphore_mem>>
          %dma_wait3A_440 = tpu.memref_squeeze %dma_wait3A_439 : memref<1x!tpu.dma_semaphore, #tpu.memory_space<semaphore_mem>> -> memref<!tpu.dma_semaphore, #tpu.memory_space<semaphore_mem>>
          tpu.wait_indirect_dma semaphore(%dma_wait3A_440 : memref<!tpu.dma_semaphore, #tpu.memory_space<semaphore_mem>>) src(%dma_wait3A_432 : memref<64x128xf32, #tpu.memory_space<vmem>>) dst(%dma_wait3A_438 : memref<10000x128xf32, #tpu.memory_space<vmem_shared>>)
        } else {
        }
        %mul3A_395 = arith.constant 64 : i32
        %mul3A_396 = arith.muli %add3A_175, %mul3A_395 : i32
        %add3A_397 = arith.addi %multiple_of3A_5, %mul3A_396 : i32
        %multiple_of3A_398 = tpu.assume_multiple %add3A_397, 64 : i32
        %dma_start3A_399 = arith.constant 3 : i32
        %dma_start3A_400 = arith.constant 3 : i32
        %dma_start3A_401 = arith.constant 0 : i32
        %dma_start3A_402 = tpu.memref_slice %arg9[%dma_start3A_399, %dma_start3A_401] : memref<4x64xi32, #tpu.memory_space<vmem>> -> memref<1x64xi32, #tpu.memory_space<vmem>>
        %dma_start3A_403 = tpu.memref_squeeze %dma_start3A_402 : memref<1x64xi32, #tpu.memory_space<vmem>> -> memref<64xi32, #tpu.memory_space<vmem>>
        %dma_start3A_404 = tpu.memref_slice %arg5[%multiple_of3A_398] : memref<327680xi32, #tpu.memory_space<hbm>> -> memref<64xi32, #tpu.memory_space<hbm>>
        %dma_start3A_405 = tpu.memref_slice %arg12[%dma_start3A_400] : memref<4x!tpu.dma_semaphore, #tpu.memory_space<semaphore_mem>> -> memref<1x!tpu.dma_semaphore, #tpu.memory_space<semaphore_mem>>
        %dma_start3A_406 = tpu.memref_squeeze %dma_start3A_405 : memref<1x!tpu.dma_semaphore, #tpu.memory_space<semaphore_mem>> -> memref<!tpu.dma_semaphore, #tpu.memory_space<semaphore_mem>>
        %dma_start3A_407 = arith.constant 0 : i32
        %dma_start3A_408 = tpu.memref_slice %arg9[%dma_start3A_399, %dma_start3A_407] : memref<4x64xi32, #tpu.memory_space<vmem>> -> memref<1x64xi32, #tpu.memory_space<vmem>>
        %dma_start3A_409 = tpu.memref_squeeze %dma_start3A_408 : memref<1x64xi32, #tpu.memory_space<vmem>> -> memref<64xi32, #tpu.memory_space<vmem>>
        %dma_start3A_410 = tpu.memref_slice %arg5[%multiple_of3A_398] : memref<327680xi32, #tpu.memory_space<hbm>> -> memref<64xi32, #tpu.memory_space<hbm>>
        tpu.enqueue_dma source(%dma_start3A_410 : memref<64xi32, #tpu.memory_space<hbm>>) target(%dma_start3A_409 : memref<64xi32, #tpu.memory_space<vmem>>) target_semaphore(%dma_start3A_406 : memref<!tpu.dma_semaphore, #tpu.memory_space<semaphore_mem>>)
        %mul3A_411 = arith.constant 64 : i32
        %mul3A_412 = arith.muli %add3A_175, %mul3A_411 : i32
        %multiple_of3A_413 = tpu.assume_multiple %mul3A_412, 64 : i32
        %dma_start3A_414 = arith.constant 3 : i32
        %dma_start3A_415 = arith.constant 3 : i32
        %dma_start3A_416 = arith.constant 0 : i32
        %dma_start3A_417 = arith.constant 0 : i32
        %dma_start3A_418 = tpu.memref_slice %arg10[%dma_start3A_414, %dma_start3A_416, %dma_start3A_417] : memref<4x64x128xf32, #tpu.memory_space<vmem>> -> memref<1x64x128xf32, #tpu.memory_space<vmem>>
        %dma_start3A_419 = tpu.memref_squeeze %dma_start3A_418 : memref<1x64x128xf32, #tpu.memory_space<vmem>> -> memref<64x128xf32, #tpu.memory_space<vmem>>
        %dma_start3A_420 = tpu.memref_slice %arg8[%multiple_of3A_413] : memref<10240xi32, #tpu.memory_space<vmem>> -> memref<64xi32, #tpu.memory_space<vmem>>
        %dma_start3A_421 = arith.constant 0 : i32
        %dma_start3A_422 = arith.constant 0 : i32
        %dma_start3A_423 = tpu.memref_slice %arg2[%dma_start3A_421, %dma_start3A_422] : memref<10008x128xf32, #tpu.memory_space<hbm>> -> memref<10008x128xf32, #tpu.memory_space<hbm>>
        %dma_start3A_424 = tpu.memref_slice %arg11[%dma_start3A_415] : memref<4x!tpu.dma_semaphore, #tpu.memory_space<semaphore_mem>> -> memref<1x!tpu.dma_semaphore, #tpu.memory_space<semaphore_mem>>
        %dma_start3A_425 = tpu.memref_squeeze %dma_start3A_424 : memref<1x!tpu.dma_semaphore, #tpu.memory_space<semaphore_mem>> -> memref<!tpu.dma_semaphore, #tpu.memory_space<semaphore_mem>>
        tpu.enqueue_indirect_dma source(%dma_start3A_423 : memref<10008x128xf32, #tpu.memory_space<hbm>>) target(%dma_start3A_419 : memref<64x128xf32, #tpu.memory_space<vmem>>) offsets(%dma_start3A_420 : memref<64xi32, #tpu.memory_space<vmem>>) semaphore(%dma_start3A_425 : memref<!tpu.dma_semaphore, #tpu.memory_space<semaphore_mem>>)
      } else {
      }
      %mul3A_180 = arith.constant 64 : i32
      %mul3A_181 = arith.muli %add3A_173, %mul3A_180 : i32
      %add3A_182 = arith.addi %multiple_of3A_5, %mul3A_181 : i32
      %multiple_of3A_183 = tpu.assume_multiple %add3A_182, 64 : i32
      %dma_wait3A_184 = arith.constant 0 : i32
      %dma_wait3A_185 = arith.constant 0 : i32
      %dma_wait3A_186 = arith.constant 0 : i32
      %dma_wait3A_187 = tpu.memref_slice %arg9[%dma_wait3A_184, %dma_wait3A_186] : memref<4x64xi32, #tpu.memory_space<vmem>> -> memref<1x64xi32, #tpu.memory_space<vmem>>
      %dma_wait3A_188 = tpu.memref_squeeze %dma_wait3A_187 : memref<1x64xi32, #tpu.memory_space<vmem>> -> memref<64xi32, #tpu.memory_space<vmem>>
      %dma_wait3A_189 = tpu.memref_slice %arg5[%multiple_of3A_183] : memref<327680xi32, #tpu.memory_space<hbm>> -> memref<64xi32, #tpu.memory_space<hbm>>
      %dma_wait3A_190 = tpu.memref_slice %arg12[%dma_wait3A_185] : memref<4x!tpu.dma_semaphore, #tpu.memory_space<semaphore_mem>> -> memref<1x!tpu.dma_semaphore, #tpu.memory_space<semaphore_mem>>
      %dma_wait3A_191 = tpu.memref_squeeze %dma_wait3A_190 : memref<1x!tpu.dma_semaphore, #tpu.memory_space<semaphore_mem>> -> memref<!tpu.dma_semaphore, #tpu.memory_space<semaphore_mem>>
      %dma_wait3A_192 = arith.constant 0 : i32
      %dma_wait3A_193 = tpu.memref_slice %arg9[%dma_wait3A_184, %dma_wait3A_192] : memref<4x64xi32, #tpu.memory_space<vmem>> -> memref<1x64xi32, #tpu.memory_space<vmem>>
      %dma_wait3A_194 = tpu.memref_squeeze %dma_wait3A_193 : memref<1x64xi32, #tpu.memory_space<vmem>> -> memref<64xi32, #tpu.memory_space<vmem>>
      %dma_wait3A_195 = tpu.memref_slice %arg5[%multiple_of3A_183] : memref<327680xi32, #tpu.memory_space<hbm>> -> memref<64xi32, #tpu.memory_space<hbm>>
      tpu.wait_dma2 semaphore(%dma_wait3A_191 : memref<!tpu.dma_semaphore, #tpu.memory_space<semaphore_mem>>) src(%dma_wait3A_195 : memref<64xi32, #tpu.memory_space<hbm>>) dst(%dma_wait3A_194 : memref<64xi32, #tpu.memory_space<vmem>>)
      %mul3A_196 = arith.constant 64 : i32
      %mul3A_197 = arith.muli %add3A_173, %mul3A_196 : i32
      %multiple_of3A_198 = tpu.assume_multiple %mul3A_197, 64 : i32
      %dma_wait3A_199 = arith.constant 0 : i32
      %dma_wait3A_200 = arith.constant 0 : i32
      %dma_wait3A_201 = arith.constant 0 : i32
      %dma_wait3A_202 = arith.constant 0 : i32
      %dma_wait3A_203 = tpu.memref_slice %arg10[%dma_wait3A_199, %dma_wait3A_201, %dma_wait3A_202] : memref<4x64x128xf32, #tpu.memory_space<vmem>> -> memref<1x64x128xf32, #tpu.memory_space<vmem>>
      %dma_wait3A_204 = tpu.memref_squeeze %dma_wait3A_203 : memref<1x64x128xf32, #tpu.memory_space<vmem>> -> memref<64x128xf32, #tpu.memory_space<vmem>>
      %dma_wait3A_205 = tpu.memref_slice %arg8[%multiple_of3A_198] : memref<10240xi32, #tpu.memory_space<vmem>> -> memref<64xi32, #tpu.memory_space<vmem>>
      %dma_wait3A_206 = arith.constant 0 : i32
      %dma_wait3A_207 = arith.constant 0 : i32
      %dma_wait3A_208 = tpu.memref_slice %arg2[%dma_wait3A_206, %dma_wait3A_207] : memref<10008x128xf32, #tpu.memory_space<hbm>> -> memref<10008x128xf32, #tpu.memory_space<hbm>>
      %dma_wait3A_209 = tpu.memref_slice %arg11[%dma_wait3A_200] : memref<4x!tpu.dma_semaphore, #tpu.memory_space<semaphore_mem>> -> memref<1x!tpu.dma_semaphore, #tpu.memory_space<semaphore_mem>>
      %dma_wait3A_210 = tpu.memref_squeeze %dma_wait3A_209 : memref<1x!tpu.dma_semaphore, #tpu.memory_space<semaphore_mem>> -> memref<!tpu.dma_semaphore, #tpu.memory_space<semaphore_mem>>
      tpu.wait_indirect_dma semaphore(%dma_wait3A_210 : memref<!tpu.dma_semaphore, #tpu.memory_space<semaphore_mem>>) src(%dma_wait3A_208 : memref<10008x128xf32, #tpu.memory_space<hbm>>) dst(%dma_wait3A_204 : memref<64x128xf32, #tpu.memory_space<vmem>>)
      %dma_start3A_211 = arith.constant 0 : i32
      %dma_start3A_212 = arith.constant 0 : i32
      %dma_start3A_213 = arith.constant 0 : i32
      %dma_start3A_214 = arith.constant 0 : i32
      %dma_start3A_215 = arith.constant 0 : i32
      %dma_start3A_216 = tpu.memref_slice %arg10[%dma_start3A_211, %dma_start3A_214, %dma_start3A_215] : memref<4x64x128xf32, #tpu.memory_space<vmem>> -> memref<1x64x128xf32, #tpu.memory_space<vmem>>
      %dma_start3A_217 = tpu.memref_squeeze %dma_start3A_216 : memref<1x64x128xf32, #tpu.memory_space<vmem>> -> memref<64x128xf32, #tpu.memory_space<vmem>>
      %dma_start3A_218 = arith.constant 0 : i32
      %dma_start3A_219 = tpu.memref_slice %arg9[%dma_start3A_212, %dma_start3A_218] : memref<4x64xi32, #tpu.memory_space<vmem>> -> memref<1x64xi32, #tpu.memory_space<vmem>>
      %dma_start3A_220 = tpu.memref_squeeze %dma_start3A_219 : memref<1x64xi32, #tpu.memory_space<vmem>> -> memref<64xi32, #tpu.memory_space<vmem>>
      %dma_start3A_221 = arith.constant 0 : i32
      %dma_start3A_222 = arith.constant 0 : i32
      %dma_start3A_223 = tpu.memref_slice %arg7[%dma_start3A_221, %dma_start3A_222] : memref<10000x128xf32, #tpu.memory_space<vmem_shared>> -> memref<10000x128xf32, #tpu.memory_space<vmem_shared>>
      %dma_start3A_224 = tpu.memref_slice %arg13[%dma_start3A_213] : memref<4x!tpu.dma_semaphore, #tpu.memory_space<semaphore_mem>> -> memref<1x!tpu.dma_semaphore, #tpu.memory_space<semaphore_mem>>
      %dma_start3A_225 = tpu.memref_squeeze %dma_start3A_224 : memref<1x!tpu.dma_semaphore, #tpu.memory_space<semaphore_mem>> -> memref<!tpu.dma_semaphore, #tpu.memory_space<semaphore_mem>>
      tpu.enqueue_indirect_dma source(%dma_start3A_217 : memref<64x128xf32, #tpu.memory_space<vmem>>) target(%dma_start3A_223 : memref<10000x128xf32, #tpu.memory_space<vmem_shared>>) offsets(%dma_start3A_220 : memref<64xi32, #tpu.memory_space<vmem>>) semaphore(%dma_start3A_225 : memref<!tpu.dma_semaphore, #tpu.memory_space<semaphore_mem>>) {add = true}
      %add3A_226 = arith.constant 1 : i32
      %add3A_227 = arith.addi %add3A_171, %add3A_226 : i32
      %add3A_228 = arith.constant 3 : i32
      %add3A_229 = arith.addi %add3A_227, %add3A_228 : i32
      %lt3A_230 = arith.constant 160 : i32
      %lt3A_231 = arith.cmpi slt, %add3A_229, %lt3A_230 : i32
      %convert_element_type3A_232 = arith.extui %lt3A_231 : i1 to i32
      %cond3A_233 = arith.constant 0 : i32
      %cond3A_234 = arith.cmpi ne, %convert_element_type3A_232, %cond3A_233 : i32
      scf.if %cond3A_234 {
        %ge3A = arith.constant 1 : i32
        %ge3A_391 = arith.cmpi sge, %add3A_227, %ge3A : i32
        %convert_element_type3A_392 = arith.extui %ge3A_391 : i1 to i32
        %cond3A_393 = arith.constant 0 : i32
        %cond3A_394 = arith.cmpi ne, %convert_element_type3A_392, %cond3A_393 : i32
        scf.if %cond3A_394 {
          %dma_wait3A_426 = arith.constant 0 : i32
          %dma_wait3A_427 = arith.constant 0 : i32
          %dma_wait3A_428 = arith.constant 0 : i32
          %dma_wait3A_429 = arith.constant 0 : i32
          %dma_wait3A_430 = arith.constant 0 : i32
          %dma_wait3A_431 = tpu.memref_slice %arg10[%dma_wait3A_426, %dma_wait3A_429, %dma_wait3A_430] : memref<4x64x128xf32, #tpu.memory_space<vmem>> -> memref<1x64x128xf32, #tpu.memory_space<vmem>>
          %dma_wait3A_432 = tpu.memref_squeeze %dma_wait3A_431 : memref<1x64x128xf32, #tpu.memory_space<vmem>> -> memref<64x128xf32, #tpu.memory_space<vmem>>
          %dma_wait3A_433 = arith.constant 0 : i32
          %dma_wait3A_434 = tpu.memref_slice %arg9[%dma_wait3A_427, %dma_wait3A_433] : memref<4x64xi32, #tpu.memory_space<vmem>> -> memref<1x64xi32, #tpu.memory_space<vmem>>
          %dma_wait3A_435 = tpu.memref_squeeze %dma_wait3A_434 : memref<1x64xi32, #tpu.memory_space<vmem>> -> memref<64xi32, #tpu.memory_space<vmem>>
          %dma_wait3A_436 = arith.constant 0 : i32
          %dma_wait3A_437 = arith.constant 0 : i32
          %dma_wait3A_438 = tpu.memref_slice %arg7[%dma_wait3A_436, %dma_wait3A_437] : memref<10000x128xf32, #tpu.memory_space<vmem_shared>> -> memref<10000x128xf32, #tpu.memory_space<vmem_shared>>
          %dma_wait3A_439 = tpu.memref_slice %arg13[%dma_wait3A_428] : memref<4x!tpu.dma_semaphore, #tpu.memory_space<semaphore_mem>> -> memref<1x!tpu.dma_semaphore, #tpu.memory_space<semaphore_mem>>
          %dma_wait3A_440 = tpu.memref_squeeze %dma_wait3A_439 : memref<1x!tpu.dma_semaphore, #tpu.memory_space<semaphore_mem>> -> memref<!tpu.dma_semaphore, #tpu.memory_space<semaphore_mem>>
          tpu.wait_indirect_dma semaphore(%dma_wait3A_440 : memref<!tpu.dma_semaphore, #tpu.memory_space<semaphore_mem>>) src(%dma_wait3A_432 : memref<64x128xf32, #tpu.memory_space<vmem>>) dst(%dma_wait3A_438 : memref<10000x128xf32, #tpu.memory_space<vmem_shared>>)
        } else {
        }
        %mul3A_395 = arith.constant 64 : i32
        %mul3A_396 = arith.muli %add3A_229, %mul3A_395 : i32
        %add3A_397 = arith.addi %multiple_of3A_5, %mul3A_396 : i32
        %multiple_of3A_398 = tpu.assume_multiple %add3A_397, 64 : i32
        %dma_start3A_399 = arith.constant 0 : i32
        %dma_start3A_400 = arith.constant 0 : i32
        %dma_start3A_401 = arith.constant 0 : i32
        %dma_start3A_402 = tpu.memref_slice %arg9[%dma_start3A_399, %dma_start3A_401] : memref<4x64xi32, #tpu.memory_space<vmem>> -> memref<1x64xi32, #tpu.memory_space<vmem>>
        %dma_start3A_403 = tpu.memref_squeeze %dma_start3A_402 : memref<1x64xi32, #tpu.memory_space<vmem>> -> memref<64xi32, #tpu.memory_space<vmem>>
        %dma_start3A_404 = tpu.memref_slice %arg5[%multiple_of3A_398] : memref<327680xi32, #tpu.memory_space<hbm>> -> memref<64xi32, #tpu.memory_space<hbm>>
        %dma_start3A_405 = tpu.memref_slice %arg12[%dma_start3A_400] : memref<4x!tpu.dma_semaphore, #tpu.memory_space<semaphore_mem>> -> memref<1x!tpu.dma_semaphore, #tpu.memory_space<semaphore_mem>>
        %dma_start3A_406 = tpu.memref_squeeze %dma_start3A_405 : memref<1x!tpu.dma_semaphore, #tpu.memory_space<semaphore_mem>> -> memref<!tpu.dma_semaphore, #tpu.memory_space<semaphore_mem>>
        %dma_start3A_407 = arith.constant 0 : i32
        %dma_start3A_408 = tpu.memref_slice %arg9[%dma_start3A_399, %dma_start3A_407] : memref<4x64xi32, #tpu.memory_space<vmem>> -> memref<1x64xi32, #tpu.memory_space<vmem>>
        %dma_start3A_409 = tpu.memref_squeeze %dma_start3A_408 : memref<1x64xi32, #tpu.memory_space<vmem>> -> memref<64xi32, #tpu.memory_space<vmem>>
        %dma_start3A_410 = tpu.memref_slice %arg5[%multiple_of3A_398] : memref<327680xi32, #tpu.memory_space<hbm>> -> memref<64xi32, #tpu.memory_space<hbm>>
        tpu.enqueue_dma source(%dma_start3A_410 : memref<64xi32, #tpu.memory_space<hbm>>) target(%dma_start3A_409 : memref<64xi32, #tpu.memory_space<vmem>>) target_semaphore(%dma_start3A_406 : memref<!tpu.dma_semaphore, #tpu.memory_space<semaphore_mem>>)
        %mul3A_411 = arith.constant 64 : i32
        %mul3A_412 = arith.muli %add3A_229, %mul3A_411 : i32
        %multiple_of3A_413 = tpu.assume_multiple %mul3A_412, 64 : i32
        %dma_start3A_414 = arith.constant 0 : i32
        %dma_start3A_415 = arith.constant 0 : i32
        %dma_start3A_416 = arith.constant 0 : i32
        %dma_start3A_417 = arith.constant 0 : i32
        %dma_start3A_418 = tpu.memref_slice %arg10[%dma_start3A_414, %dma_start3A_416, %dma_start3A_417] : memref<4x64x128xf32, #tpu.memory_space<vmem>> -> memref<1x64x128xf32, #tpu.memory_space<vmem>>
        %dma_start3A_419 = tpu.memref_squeeze %dma_start3A_418 : memref<1x64x128xf32, #tpu.memory_space<vmem>> -> memref<64x128xf32, #tpu.memory_space<vmem>>
        %dma_start3A_420 = tpu.memref_slice %arg8[%multiple_of3A_413] : memref<10240xi32, #tpu.memory_space<vmem>> -> memref<64xi32, #tpu.memory_space<vmem>>
        %dma_start3A_421 = arith.constant 0 : i32
        %dma_start3A_422 = arith.constant 0 : i32
        %dma_start3A_423 = tpu.memref_slice %arg2[%dma_start3A_421, %dma_start3A_422] : memref<10008x128xf32, #tpu.memory_space<hbm>> -> memref<10008x128xf32, #tpu.memory_space<hbm>>
        %dma_start3A_424 = tpu.memref_slice %arg11[%dma_start3A_415] : memref<4x!tpu.dma_semaphore, #tpu.memory_space<semaphore_mem>> -> memref<1x!tpu.dma_semaphore, #tpu.memory_space<semaphore_mem>>
        %dma_start3A_425 = tpu.memref_squeeze %dma_start3A_424 : memref<1x!tpu.dma_semaphore, #tpu.memory_space<semaphore_mem>> -> memref<!tpu.dma_semaphore, #tpu.memory_space<semaphore_mem>>
        tpu.enqueue_indirect_dma source(%dma_start3A_423 : memref<10008x128xf32, #tpu.memory_space<hbm>>) target(%dma_start3A_419 : memref<64x128xf32, #tpu.memory_space<vmem>>) offsets(%dma_start3A_420 : memref<64xi32, #tpu.memory_space<vmem>>) semaphore(%dma_start3A_425 : memref<!tpu.dma_semaphore, #tpu.memory_space<semaphore_mem>>)
      } else {
      }
      %mul3A_235 = arith.constant 64 : i32
      %mul3A_236 = arith.muli %add3A_227, %mul3A_235 : i32
      %add3A_237 = arith.addi %multiple_of3A_5, %mul3A_236 : i32
      %multiple_of3A_238 = tpu.assume_multiple %add3A_237, 64 : i32
      %dma_wait3A_239 = arith.constant 1 : i32
      %dma_wait3A_240 = arith.constant 1 : i32
      %dma_wait3A_241 = arith.constant 0 : i32
      %dma_wait3A_242 = tpu.memref_slice %arg9[%dma_wait3A_239, %dma_wait3A_241] : memref<4x64xi32, #tpu.memory_space<vmem>> -> memref<1x64xi32, #tpu.memory_space<vmem>>
      %dma_wait3A_243 = tpu.memref_squeeze %dma_wait3A_242 : memref<1x64xi32, #tpu.memory_space<vmem>> -> memref<64xi32, #tpu.memory_space<vmem>>
      %dma_wait3A_244 = tpu.memref_slice %arg5[%multiple_of3A_238] : memref<327680xi32, #tpu.memory_space<hbm>> -> memref<64xi32, #tpu.memory_space<hbm>>
      %dma_wait3A_245 = tpu.memref_slice %arg12[%dma_wait3A_240] : memref<4x!tpu.dma_semaphore, #tpu.memory_space<semaphore_mem>> -> memref<1x!tpu.dma_semaphore, #tpu.memory_space<semaphore_mem>>
      %dma_wait3A_246 = tpu.memref_squeeze %dma_wait3A_245 : memref<1x!tpu.dma_semaphore, #tpu.memory_space<semaphore_mem>> -> memref<!tpu.dma_semaphore, #tpu.memory_space<semaphore_mem>>
      %dma_wait3A_247 = arith.constant 0 : i32
      %dma_wait3A_248 = tpu.memref_slice %arg9[%dma_wait3A_239, %dma_wait3A_247] : memref<4x64xi32, #tpu.memory_space<vmem>> -> memref<1x64xi32, #tpu.memory_space<vmem>>
      %dma_wait3A_249 = tpu.memref_squeeze %dma_wait3A_248 : memref<1x64xi32, #tpu.memory_space<vmem>> -> memref<64xi32, #tpu.memory_space<vmem>>
      %dma_wait3A_250 = tpu.memref_slice %arg5[%multiple_of3A_238] : memref<327680xi32, #tpu.memory_space<hbm>> -> memref<64xi32, #tpu.memory_space<hbm>>
      tpu.wait_dma2 semaphore(%dma_wait3A_246 : memref<!tpu.dma_semaphore, #tpu.memory_space<semaphore_mem>>) src(%dma_wait3A_250 : memref<64xi32, #tpu.memory_space<hbm>>) dst(%dma_wait3A_249 : memref<64xi32, #tpu.memory_space<vmem>>)
      %mul3A_251 = arith.constant 64 : i32
      %mul3A_252 = arith.muli %add3A_227, %mul3A_251 : i32
      %multiple_of3A_253 = tpu.assume_multiple %mul3A_252, 64 : i32
      %dma_wait3A_254 = arith.constant 1 : i32
      %dma_wait3A_255 = arith.constant 1 : i32
      %dma_wait3A_256 = arith.constant 0 : i32
      %dma_wait3A_257 = arith.constant 0 : i32
      %dma_wait3A_258 = tpu.memref_slice %arg10[%dma_wait3A_254, %dma_wait3A_256, %dma_wait3A_257] : memref<4x64x128xf32, #tpu.memory_space<vmem>> -> memref<1x64x128xf32, #tpu.memory_space<vmem>>
      %dma_wait3A_259 = tpu.memref_squeeze %dma_wait3A_258 : memref<1x64x128xf32, #tpu.memory_space<vmem>> -> memref<64x128xf32, #tpu.memory_space<vmem>>
      %dma_wait3A_260 = tpu.memref_slice %arg8[%multiple_of3A_253] : memref<10240xi32, #tpu.memory_space<vmem>> -> memref<64xi32, #tpu.memory_space<vmem>>
      %dma_wait3A_261 = arith.constant 0 : i32
      %dma_wait3A_262 = arith.constant 0 : i32
      %dma_wait3A_263 = tpu.memref_slice %arg2[%dma_wait3A_261, %dma_wait3A_262] : memref<10008x128xf32, #tpu.memory_space<hbm>> -> memref<10008x128xf32, #tpu.memory_space<hbm>>
      %dma_wait3A_264 = tpu.memref_slice %arg11[%dma_wait3A_255] : memref<4x!tpu.dma_semaphore, #tpu.memory_space<semaphore_mem>> -> memref<1x!tpu.dma_semaphore, #tpu.memory_space<semaphore_mem>>
      %dma_wait3A_265 = tpu.memref_squeeze %dma_wait3A_264 : memref<1x!tpu.dma_semaphore, #tpu.memory_space<semaphore_mem>> -> memref<!tpu.dma_semaphore, #tpu.memory_space<semaphore_mem>>
      tpu.wait_indirect_dma semaphore(%dma_wait3A_265 : memref<!tpu.dma_semaphore, #tpu.memory_space<semaphore_mem>>) src(%dma_wait3A_263 : memref<10008x128xf32, #tpu.memory_space<hbm>>) dst(%dma_wait3A_259 : memref<64x128xf32, #tpu.memory_space<vmem>>)
      %dma_start3A_266 = arith.constant 1 : i32
      %dma_start3A_267 = arith.constant 1 : i32
      %dma_start3A_268 = arith.constant 1 : i32
      %dma_start3A_269 = arith.constant 0 : i32
      %dma_start3A_270 = arith.constant 0 : i32
      %dma_start3A_271 = tpu.memref_slice %arg10[%dma_start3A_266, %dma_start3A_269, %dma_start3A_270] : memref<4x64x128xf32, #tpu.memory_space<vmem>> -> memref<1x64x128xf32, #tpu.memory_space<vmem>>
      %dma_start3A_272 = tpu.memref_squeeze %dma_start3A_271 : memref<1x64x128xf32, #tpu.memory_space<vmem>> -> memref<64x128xf32, #tpu.memory_space<vmem>>
      %dma_start3A_273 = arith.constant 0 : i32
      %dma_start3A_274 = tpu.memref_slice %arg9[%dma_start3A_267, %dma_start3A_273] : memref<4x64xi32, #tpu.memory_space<vmem>> -> memref<1x64xi32, #tpu.memory_space<vmem>>
      %dma_start3A_275 = tpu.memref_squeeze %dma_start3A_274 : memref<1x64xi32, #tpu.memory_space<vmem>> -> memref<64xi32, #tpu.memory_space<vmem>>
      %dma_start3A_276 = arith.constant 0 : i32
      %dma_start3A_277 = arith.constant 0 : i32
      %dma_start3A_278 = tpu.memref_slice %arg7[%dma_start3A_276, %dma_start3A_277] : memref<10000x128xf32, #tpu.memory_space<vmem_shared>> -> memref<10000x128xf32, #tpu.memory_space<vmem_shared>>
      %dma_start3A_279 = tpu.memref_slice %arg13[%dma_start3A_268] : memref<4x!tpu.dma_semaphore, #tpu.memory_space<semaphore_mem>> -> memref<1x!tpu.dma_semaphore, #tpu.memory_space<semaphore_mem>>
      %dma_start3A_280 = tpu.memref_squeeze %dma_start3A_279 : memref<1x!tpu.dma_semaphore, #tpu.memory_space<semaphore_mem>> -> memref<!tpu.dma_semaphore, #tpu.memory_space<semaphore_mem>>
      tpu.enqueue_indirect_dma source(%dma_start3A_272 : memref<64x128xf32, #tpu.memory_space<vmem>>) target(%dma_start3A_278 : memref<10000x128xf32, #tpu.memory_space<vmem_shared>>) offsets(%dma_start3A_275 : memref<64xi32, #tpu.memory_space<vmem>>) semaphore(%dma_start3A_280 : memref<!tpu.dma_semaphore, #tpu.memory_space<semaphore_mem>>) {add = true}
      %add3A_281 = arith.constant 2 : i32
      %add3A_282 = arith.addi %add3A_171, %add3A_281 : i32
      %add3A_283 = arith.constant 3 : i32
      %add3A_284 = arith.addi %add3A_282, %add3A_283 : i32
      %lt3A_285 = arith.constant 160 : i32
      %lt3A_286 = arith.cmpi slt, %add3A_284, %lt3A_285 : i32
      %convert_element_type3A_287 = arith.extui %lt3A_286 : i1 to i32
      %cond3A_288 = arith.constant 0 : i32
      %cond3A_289 = arith.cmpi ne, %convert_element_type3A_287, %cond3A_288 : i32
      scf.if %cond3A_289 {
        %ge3A = arith.constant 1 : i32
        %ge3A_391 = arith.cmpi sge, %add3A_282, %ge3A : i32
        %convert_element_type3A_392 = arith.extui %ge3A_391 : i1 to i32
        %cond3A_393 = arith.constant 0 : i32
        %cond3A_394 = arith.cmpi ne, %convert_element_type3A_392, %cond3A_393 : i32
        scf.if %cond3A_394 {
          %dma_wait3A_426 = arith.constant 1 : i32
          %dma_wait3A_427 = arith.constant 1 : i32
          %dma_wait3A_428 = arith.constant 1 : i32
          %dma_wait3A_429 = arith.constant 0 : i32
          %dma_wait3A_430 = arith.constant 0 : i32
          %dma_wait3A_431 = tpu.memref_slice %arg10[%dma_wait3A_426, %dma_wait3A_429, %dma_wait3A_430] : memref<4x64x128xf32, #tpu.memory_space<vmem>> -> memref<1x64x128xf32, #tpu.memory_space<vmem>>
          %dma_wait3A_432 = tpu.memref_squeeze %dma_wait3A_431 : memref<1x64x128xf32, #tpu.memory_space<vmem>> -> memref<64x128xf32, #tpu.memory_space<vmem>>
          %dma_wait3A_433 = arith.constant 0 : i32
          %dma_wait3A_434 = tpu.memref_slice %arg9[%dma_wait3A_427, %dma_wait3A_433] : memref<4x64xi32, #tpu.memory_space<vmem>> -> memref<1x64xi32, #tpu.memory_space<vmem>>
          %dma_wait3A_435 = tpu.memref_squeeze %dma_wait3A_434 : memref<1x64xi32, #tpu.memory_space<vmem>> -> memref<64xi32, #tpu.memory_space<vmem>>
          %dma_wait3A_436 = arith.constant 0 : i32
          %dma_wait3A_437 = arith.constant 0 : i32
          %dma_wait3A_438 = tpu.memref_slice %arg7[%dma_wait3A_436, %dma_wait3A_437] : memref<10000x128xf32, #tpu.memory_space<vmem_shared>> -> memref<10000x128xf32, #tpu.memory_space<vmem_shared>>
          %dma_wait3A_439 = tpu.memref_slice %arg13[%dma_wait3A_428] : memref<4x!tpu.dma_semaphore, #tpu.memory_space<semaphore_mem>> -> memref<1x!tpu.dma_semaphore, #tpu.memory_space<semaphore_mem>>
          %dma_wait3A_440 = tpu.memref_squeeze %dma_wait3A_439 : memref<1x!tpu.dma_semaphore, #tpu.memory_space<semaphore_mem>> -> memref<!tpu.dma_semaphore, #tpu.memory_space<semaphore_mem>>
          tpu.wait_indirect_dma semaphore(%dma_wait3A_440 : memref<!tpu.dma_semaphore, #tpu.memory_space<semaphore_mem>>) src(%dma_wait3A_432 : memref<64x128xf32, #tpu.memory_space<vmem>>) dst(%dma_wait3A_438 : memref<10000x128xf32, #tpu.memory_space<vmem_shared>>)
        } else {
        }
        %mul3A_395 = arith.constant 64 : i32
        %mul3A_396 = arith.muli %add3A_284, %mul3A_395 : i32
        %add3A_397 = arith.addi %multiple_of3A_5, %mul3A_396 : i32
        %multiple_of3A_398 = tpu.assume_multiple %add3A_397, 64 : i32
        %dma_start3A_399 = arith.constant 1 : i32
        %dma_start3A_400 = arith.constant 1 : i32
        %dma_start3A_401 = arith.constant 0 : i32
        %dma_start3A_402 = tpu.memref_slice %arg9[%dma_start3A_399, %dma_start3A_401] : memref<4x64xi32, #tpu.memory_space<vmem>> -> memref<1x64xi32, #tpu.memory_space<vmem>>
        %dma_start3A_403 = tpu.memref_squeeze %dma_start3A_402 : memref<1x64xi32, #tpu.memory_space<vmem>> -> memref<64xi32, #tpu.memory_space<vmem>>
        %dma_start3A_404 = tpu.memref_slice %arg5[%multiple_of3A_398] : memref<327680xi32, #tpu.memory_space<hbm>> -> memref<64xi32, #tpu.memory_space<hbm>>
        %dma_start3A_405 = tpu.memref_slice %arg12[%dma_start3A_400] : memref<4x!tpu.dma_semaphore, #tpu.memory_space<semaphore_mem>> -> memref<1x!tpu.dma_semaphore, #tpu.memory_space<semaphore_mem>>
        %dma_start3A_406 = tpu.memref_squeeze %dma_start3A_405 : memref<1x!tpu.dma_semaphore, #tpu.memory_space<semaphore_mem>> -> memref<!tpu.dma_semaphore, #tpu.memory_space<semaphore_mem>>
        %dma_start3A_407 = arith.constant 0 : i32
        %dma_start3A_408 = tpu.memref_slice %arg9[%dma_start3A_399, %dma_start3A_407] : memref<4x64xi32, #tpu.memory_space<vmem>> -> memref<1x64xi32, #tpu.memory_space<vmem>>
        %dma_start3A_409 = tpu.memref_squeeze %dma_start3A_408 : memref<1x64xi32, #tpu.memory_space<vmem>> -> memref<64xi32, #tpu.memory_space<vmem>>
        %dma_start3A_410 = tpu.memref_slice %arg5[%multiple_of3A_398] : memref<327680xi32, #tpu.memory_space<hbm>> -> memref<64xi32, #tpu.memory_space<hbm>>
        tpu.enqueue_dma source(%dma_start3A_410 : memref<64xi32, #tpu.memory_space<hbm>>) target(%dma_start3A_409 : memref<64xi32, #tpu.memory_space<vmem>>) target_semaphore(%dma_start3A_406 : memref<!tpu.dma_semaphore, #tpu.memory_space<semaphore_mem>>)
        %mul3A_411 = arith.constant 64 : i32
        %mul3A_412 = arith.muli %add3A_284, %mul3A_411 : i32
        %multiple_of3A_413 = tpu.assume_multiple %mul3A_412, 64 : i32
        %dma_start3A_414 = arith.constant 1 : i32
        %dma_start3A_415 = arith.constant 1 : i32
        %dma_start3A_416 = arith.constant 0 : i32
        %dma_start3A_417 = arith.constant 0 : i32
        %dma_start3A_418 = tpu.memref_slice %arg10[%dma_start3A_414, %dma_start3A_416, %dma_start3A_417] : memref<4x64x128xf32, #tpu.memory_space<vmem>> -> memref<1x64x128xf32, #tpu.memory_space<vmem>>
        %dma_start3A_419 = tpu.memref_squeeze %dma_start3A_418 : memref<1x64x128xf32, #tpu.memory_space<vmem>> -> memref<64x128xf32, #tpu.memory_space<vmem>>
        %dma_start3A_420 = tpu.memref_slice %arg8[%multiple_of3A_413] : memref<10240xi32, #tpu.memory_space<vmem>> -> memref<64xi32, #tpu.memory_space<vmem>>
        %dma_start3A_421 = arith.constant 0 : i32
        %dma_start3A_422 = arith.constant 0 : i32
        %dma_start3A_423 = tpu.memref_slice %arg2[%dma_start3A_421, %dma_start3A_422] : memref<10008x128xf32, #tpu.memory_space<hbm>> -> memref<10008x128xf32, #tpu.memory_space<hbm>>
        %dma_start3A_424 = tpu.memref_slice %arg11[%dma_start3A_415] : memref<4x!tpu.dma_semaphore, #tpu.memory_space<semaphore_mem>> -> memref<1x!tpu.dma_semaphore, #tpu.memory_space<semaphore_mem>>
        %dma_start3A_425 = tpu.memref_squeeze %dma_start3A_424 : memref<1x!tpu.dma_semaphore, #tpu.memory_space<semaphore_mem>> -> memref<!tpu.dma_semaphore, #tpu.memory_space<semaphore_mem>>
        tpu.enqueue_indirect_dma source(%dma_start3A_423 : memref<10008x128xf32, #tpu.memory_space<hbm>>) target(%dma_start3A_419 : memref<64x128xf32, #tpu.memory_space<vmem>>) offsets(%dma_start3A_420 : memref<64xi32, #tpu.memory_space<vmem>>) semaphore(%dma_start3A_425 : memref<!tpu.dma_semaphore, #tpu.memory_space<semaphore_mem>>)
      } else {
      }
      %mul3A_290 = arith.constant 64 : i32
      %mul3A_291 = arith.muli %add3A_282, %mul3A_290 : i32
      %add3A_292 = arith.addi %multiple_of3A_5, %mul3A_291 : i32
      %multiple_of3A_293 = tpu.assume_multiple %add3A_292, 64 : i32
      %dma_wait3A_294 = arith.constant 2 : i32
      %dma_wait3A_295 = arith.constant 2 : i32
      %dma_wait3A_296 = arith.constant 0 : i32
      %dma_wait3A_297 = tpu.memref_slice %arg9[%dma_wait3A_294, %dma_wait3A_296] : memref<4x64xi32, #tpu.memory_space<vmem>> -> memref<1x64xi32, #tpu.memory_space<vmem>>
      %dma_wait3A_298 = tpu.memref_squeeze %dma_wait3A_297 : memref<1x64xi32, #tpu.memory_space<vmem>> -> memref<64xi32, #tpu.memory_space<vmem>>
      %dma_wait3A_299 = tpu.memref_slice %arg5[%multiple_of3A_293] : memref<327680xi32, #tpu.memory_space<hbm>> -> memref<64xi32, #tpu.memory_space<hbm>>
      %dma_wait3A_300 = tpu.memref_slice %arg12[%dma_wait3A_295] : memref<4x!tpu.dma_semaphore, #tpu.memory_space<semaphore_mem>> -> memref<1x!tpu.dma_semaphore, #tpu.memory_space<semaphore_mem>>
      %dma_wait3A_301 = tpu.memref_squeeze %dma_wait3A_300 : memref<1x!tpu.dma_semaphore, #tpu.memory_space<semaphore_mem>> -> memref<!tpu.dma_semaphore, #tpu.memory_space<semaphore_mem>>
      %dma_wait3A_302 = arith.constant 0 : i32
      %dma_wait3A_303 = tpu.memref_slice %arg9[%dma_wait3A_294, %dma_wait3A_302] : memref<4x64xi32, #tpu.memory_space<vmem>> -> memref<1x64xi32, #tpu.memory_space<vmem>>
      %dma_wait3A_304 = tpu.memref_squeeze %dma_wait3A_303 : memref<1x64xi32, #tpu.memory_space<vmem>> -> memref<64xi32, #tpu.memory_space<vmem>>
      %dma_wait3A_305 = tpu.memref_slice %arg5[%multiple_of3A_293] : memref<327680xi32, #tpu.memory_space<hbm>> -> memref<64xi32, #tpu.memory_space<hbm>>
      tpu.wait_dma2 semaphore(%dma_wait3A_301 : memref<!tpu.dma_semaphore, #tpu.memory_space<semaphore_mem>>) src(%dma_wait3A_305 : memref<64xi32, #tpu.memory_space<hbm>>) dst(%dma_wait3A_304 : memref<64xi32, #tpu.memory_space<vmem>>)
      %mul3A_306 = arith.constant 64 : i32
      %mul3A_307 = arith.muli %add3A_282, %mul3A_306 : i32
      %multiple_of3A_308 = tpu.assume_multiple %mul3A_307, 64 : i32
      %dma_wait3A_309 = arith.constant 2 : i32
      %dma_wait3A_310 = arith.constant 2 : i32
      %dma_wait3A_311 = arith.constant 0 : i32
      %dma_wait3A_312 = arith.constant 0 : i32
      %dma_wait3A_313 = tpu.memref_slice %arg10[%dma_wait3A_309, %dma_wait3A_311, %dma_wait3A_312] : memref<4x64x128xf32, #tpu.memory_space<vmem>> -> memref<1x64x128xf32, #tpu.memory_space<vmem>>
      %dma_wait3A_314 = tpu.memref_squeeze %dma_wait3A_313 : memref<1x64x128xf32, #tpu.memory_space<vmem>> -> memref<64x128xf32, #tpu.memory_space<vmem>>
      %dma_wait3A_315 = tpu.memref_slice %arg8[%multiple_of3A_308] : memref<10240xi32, #tpu.memory_space<vmem>> -> memref<64xi32, #tpu.memory_space<vmem>>
      %dma_wait3A_316 = arith.constant 0 : i32
      %dma_wait3A_317 = arith.constant 0 : i32
      %dma_wait3A_318 = tpu.memref_slice %arg2[%dma_wait3A_316, %dma_wait3A_317] : memref<10008x128xf32, #tpu.memory_space<hbm>> -> memref<10008x128xf32, #tpu.memory_space<hbm>>
      %dma_wait3A_319 = tpu.memref_slice %arg11[%dma_wait3A_310] : memref<4x!tpu.dma_semaphore, #tpu.memory_space<semaphore_mem>> -> memref<1x!tpu.dma_semaphore, #tpu.memory_space<semaphore_mem>>
      %dma_wait3A_320 = tpu.memref_squeeze %dma_wait3A_319 : memref<1x!tpu.dma_semaphore, #tpu.memory_space<semaphore_mem>> -> memref<!tpu.dma_semaphore, #tpu.memory_space<semaphore_mem>>
      tpu.wait_indirect_dma semaphore(%dma_wait3A_320 : memref<!tpu.dma_semaphore, #tpu.memory_space<semaphore_mem>>) src(%dma_wait3A_318 : memref<10008x128xf32, #tpu.memory_space<hbm>>) dst(%dma_wait3A_314 : memref<64x128xf32, #tpu.memory_space<vmem>>)
      %dma_start3A_321 = arith.constant 2 : i32
      %dma_start3A_322 = arith.constant 2 : i32
      %dma_start3A_323 = arith.constant 2 : i32
      %dma_start3A_324 = arith.constant 0 : i32
      %dma_start3A_325 = arith.constant 0 : i32
      %dma_start3A_326 = tpu.memref_slice %arg10[%dma_start3A_321, %dma_start3A_324, %dma_start3A_325] : memref<4x64x128xf32, #tpu.memory_space<vmem>> -> memref<1x64x128xf32, #tpu.memory_space<vmem>>
      %dma_start3A_327 = tpu.memref_squeeze %dma_start3A_326 : memref<1x64x128xf32, #tpu.memory_space<vmem>> -> memref<64x128xf32, #tpu.memory_space<vmem>>
      %dma_start3A_328 = arith.constant 0 : i32
      %dma_start3A_329 = tpu.memref_slice %arg9[%dma_start3A_322, %dma_start3A_328] : memref<4x64xi32, #tpu.memory_space<vmem>> -> memref<1x64xi32, #tpu.memory_space<vmem>>
      %dma_start3A_330 = tpu.memref_squeeze %dma_start3A_329 : memref<1x64xi32, #tpu.memory_space<vmem>> -> memref<64xi32, #tpu.memory_space<vmem>>
      %dma_start3A_331 = arith.constant 0 : i32
      %dma_start3A_332 = arith.constant 0 : i32
      %dma_start3A_333 = tpu.memref_slice %arg7[%dma_start3A_331, %dma_start3A_332] : memref<10000x128xf32, #tpu.memory_space<vmem_shared>> -> memref<10000x128xf32, #tpu.memory_space<vmem_shared>>
      %dma_start3A_334 = tpu.memref_slice %arg13[%dma_start3A_323] : memref<4x!tpu.dma_semaphore, #tpu.memory_space<semaphore_mem>> -> memref<1x!tpu.dma_semaphore, #tpu.memory_space<semaphore_mem>>
      %dma_start3A_335 = tpu.memref_squeeze %dma_start3A_334 : memref<1x!tpu.dma_semaphore, #tpu.memory_space<semaphore_mem>> -> memref<!tpu.dma_semaphore, #tpu.memory_space<semaphore_mem>>
      tpu.enqueue_indirect_dma source(%dma_start3A_327 : memref<64x128xf32, #tpu.memory_space<vmem>>) target(%dma_start3A_333 : memref<10000x128xf32, #tpu.memory_space<vmem_shared>>) offsets(%dma_start3A_330 : memref<64xi32, #tpu.memory_space<vmem>>) semaphore(%dma_start3A_335 : memref<!tpu.dma_semaphore, #tpu.memory_space<semaphore_mem>>) {add = true}
      %add3A_336 = arith.constant 3 : i32
      %add3A_337 = arith.addi %add3A_171, %add3A_336 : i32
      %add3A_338 = arith.constant 3 : i32
      %add3A_339 = arith.addi %add3A_337, %add3A_338 : i32
      %lt3A_340 = arith.constant 160 : i32
      %lt3A_341 = arith.cmpi slt, %add3A_339, %lt3A_340 : i32
      %convert_element_type3A_342 = arith.extui %lt3A_341 : i1 to i32
      %cond3A_343 = arith.constant 0 : i32
      %cond3A_344 = arith.cmpi ne, %convert_element_type3A_342, %cond3A_343 : i32
      scf.if %cond3A_344 {
        %ge3A = arith.constant 1 : i32
        %ge3A_391 = arith.cmpi sge, %add3A_337, %ge3A : i32
        %convert_element_type3A_392 = arith.extui %ge3A_391 : i1 to i32
        %cond3A_393 = arith.constant 0 : i32
        %cond3A_394 = arith.cmpi ne, %convert_element_type3A_392, %cond3A_393 : i32
        scf.if %cond3A_394 {
          %dma_wait3A_426 = arith.constant 2 : i32
          %dma_wait3A_427 = arith.constant 2 : i32
          %dma_wait3A_428 = arith.constant 2 : i32
          %dma_wait3A_429 = arith.constant 0 : i32
          %dma_wait3A_430 = arith.constant 0 : i32
          %dma_wait3A_431 = tpu.memref_slice %arg10[%dma_wait3A_426, %dma_wait3A_429, %dma_wait3A_430] : memref<4x64x128xf32, #tpu.memory_space<vmem>> -> memref<1x64x128xf32, #tpu.memory_space<vmem>>
          %dma_wait3A_432 = tpu.memref_squeeze %dma_wait3A_431 : memref<1x64x128xf32, #tpu.memory_space<vmem>> -> memref<64x128xf32, #tpu.memory_space<vmem>>
          %dma_wait3A_433 = arith.constant 0 : i32
          %dma_wait3A_434 = tpu.memref_slice %arg9[%dma_wait3A_427, %dma_wait3A_433] : memref<4x64xi32, #tpu.memory_space<vmem>> -> memref<1x64xi32, #tpu.memory_space<vmem>>
          %dma_wait3A_435 = tpu.memref_squeeze %dma_wait3A_434 : memref<1x64xi32, #tpu.memory_space<vmem>> -> memref<64xi32, #tpu.memory_space<vmem>>
          %dma_wait3A_436 = arith.constant 0 : i32
          %dma_wait3A_437 = arith.constant 0 : i32
          %dma_wait3A_438 = tpu.memref_slice %arg7[%dma_wait3A_436, %dma_wait3A_437] : memref<10000x128xf32, #tpu.memory_space<vmem_shared>> -> memref<10000x128xf32, #tpu.memory_space<vmem_shared>>
          %dma_wait3A_439 = tpu.memref_slice %arg13[%dma_wait3A_428] : memref<4x!tpu.dma_semaphore, #tpu.memory_space<semaphore_mem>> -> memref<1x!tpu.dma_semaphore, #tpu.memory_space<semaphore_mem>>
          %dma_wait3A_440 = tpu.memref_squeeze %dma_wait3A_439 : memref<1x!tpu.dma_semaphore, #tpu.memory_space<semaphore_mem>> -> memref<!tpu.dma_semaphore, #tpu.memory_space<semaphore_mem>>
          tpu.wait_indirect_dma semaphore(%dma_wait3A_440 : memref<!tpu.dma_semaphore, #tpu.memory_space<semaphore_mem>>) src(%dma_wait3A_432 : memref<64x128xf32, #tpu.memory_space<vmem>>) dst(%dma_wait3A_438 : memref<10000x128xf32, #tpu.memory_space<vmem_shared>>)
        } else {
        }
        %mul3A_395 = arith.constant 64 : i32
        %mul3A_396 = arith.muli %add3A_339, %mul3A_395 : i32
        %add3A_397 = arith.addi %multiple_of3A_5, %mul3A_396 : i32
        %multiple_of3A_398 = tpu.assume_multiple %add3A_397, 64 : i32
        %dma_start3A_399 = arith.constant 2 : i32
        %dma_start3A_400 = arith.constant 2 : i32
        %dma_start3A_401 = arith.constant 0 : i32
        %dma_start3A_402 = tpu.memref_slice %arg9[%dma_start3A_399, %dma_start3A_401] : memref<4x64xi32, #tpu.memory_space<vmem>> -> memref<1x64xi32, #tpu.memory_space<vmem>>
        %dma_start3A_403 = tpu.memref_squeeze %dma_start3A_402 : memref<1x64xi32, #tpu.memory_space<vmem>> -> memref<64xi32, #tpu.memory_space<vmem>>
        %dma_start3A_404 = tpu.memref_slice %arg5[%multiple_of3A_398] : memref<327680xi32, #tpu.memory_space<hbm>> -> memref<64xi32, #tpu.memory_space<hbm>>
        %dma_start3A_405 = tpu.memref_slice %arg12[%dma_start3A_400] : memref<4x!tpu.dma_semaphore, #tpu.memory_space<semaphore_mem>> -> memref<1x!tpu.dma_semaphore, #tpu.memory_space<semaphore_mem>>
        %dma_start3A_406 = tpu.memref_squeeze %dma_start3A_405 : memref<1x!tpu.dma_semaphore, #tpu.memory_space<semaphore_mem>> -> memref<!tpu.dma_semaphore, #tpu.memory_space<semaphore_mem>>
        %dma_start3A_407 = arith.constant 0 : i32
        %dma_start3A_408 = tpu.memref_slice %arg9[%dma_start3A_399, %dma_start3A_407] : memref<4x64xi32, #tpu.memory_space<vmem>> -> memref<1x64xi32, #tpu.memory_space<vmem>>
        %dma_start3A_409 = tpu.memref_squeeze %dma_start3A_408 : memref<1x64xi32, #tpu.memory_space<vmem>> -> memref<64xi32, #tpu.memory_space<vmem>>
        %dma_start3A_410 = tpu.memref_slice %arg5[%multiple_of3A_398] : memref<327680xi32, #tpu.memory_space<hbm>> -> memref<64xi32, #tpu.memory_space<hbm>>
        tpu.enqueue_dma source(%dma_start3A_410 : memref<64xi32, #tpu.memory_space<hbm>>) target(%dma_start3A_409 : memref<64xi32, #tpu.memory_space<vmem>>) target_semaphore(%dma_start3A_406 : memref<!tpu.dma_semaphore, #tpu.memory_space<semaphore_mem>>)
        %mul3A_411 = arith.constant 64 : i32
        %mul3A_412 = arith.muli %add3A_339, %mul3A_411 : i32
        %multiple_of3A_413 = tpu.assume_multiple %mul3A_412, 64 : i32
        %dma_start3A_414 = arith.constant 2 : i32
        %dma_start3A_415 = arith.constant 2 : i32
        %dma_start3A_416 = arith.constant 0 : i32
        %dma_start3A_417 = arith.constant 0 : i32
        %dma_start3A_418 = tpu.memref_slice %arg10[%dma_start3A_414, %dma_start3A_416, %dma_start3A_417] : memref<4x64x128xf32, #tpu.memory_space<vmem>> -> memref<1x64x128xf32, #tpu.memory_space<vmem>>
        %dma_start3A_419 = tpu.memref_squeeze %dma_start3A_418 : memref<1x64x128xf32, #tpu.memory_space<vmem>> -> memref<64x128xf32, #tpu.memory_space<vmem>>
        %dma_start3A_420 = tpu.memref_slice %arg8[%multiple_of3A_413] : memref<10240xi32, #tpu.memory_space<vmem>> -> memref<64xi32, #tpu.memory_space<vmem>>
        %dma_start3A_421 = arith.constant 0 : i32
        %dma_start3A_422 = arith.constant 0 : i32
        %dma_start3A_423 = tpu.memref_slice %arg2[%dma_start3A_421, %dma_start3A_422] : memref<10008x128xf32, #tpu.memory_space<hbm>> -> memref<10008x128xf32, #tpu.memory_space<hbm>>
        %dma_start3A_424 = tpu.memref_slice %arg11[%dma_start3A_415] : memref<4x!tpu.dma_semaphore, #tpu.memory_space<semaphore_mem>> -> memref<1x!tpu.dma_semaphore, #tpu.memory_space<semaphore_mem>>
        %dma_start3A_425 = tpu.memref_squeeze %dma_start3A_424 : memref<1x!tpu.dma_semaphore, #tpu.memory_space<semaphore_mem>> -> memref<!tpu.dma_semaphore, #tpu.memory_space<semaphore_mem>>
        tpu.enqueue_indirect_dma source(%dma_start3A_423 : memref<10008x128xf32, #tpu.memory_space<hbm>>) target(%dma_start3A_419 : memref<64x128xf32, #tpu.memory_space<vmem>>) offsets(%dma_start3A_420 : memref<64xi32, #tpu.memory_space<vmem>>) semaphore(%dma_start3A_425 : memref<!tpu.dma_semaphore, #tpu.memory_space<semaphore_mem>>)
      } else {
      }
      %mul3A_345 = arith.constant 64 : i32
      %mul3A_346 = arith.muli %add3A_337, %mul3A_345 : i32
      %add3A_347 = arith.addi %multiple_of3A_5, %mul3A_346 : i32
      %multiple_of3A_348 = tpu.assume_multiple %add3A_347, 64 : i32
      %dma_wait3A_349 = arith.constant 3 : i32
      %dma_wait3A_350 = arith.constant 3 : i32
      %dma_wait3A_351 = arith.constant 0 : i32
      %dma_wait3A_352 = tpu.memref_slice %arg9[%dma_wait3A_349, %dma_wait3A_351] : memref<4x64xi32, #tpu.memory_space<vmem>> -> memref<1x64xi32, #tpu.memory_space<vmem>>
      %dma_wait3A_353 = tpu.memref_squeeze %dma_wait3A_352 : memref<1x64xi32, #tpu.memory_space<vmem>> -> memref<64xi32, #tpu.memory_space<vmem>>
      %dma_wait3A_354 = tpu.memref_slice %arg5[%multiple_of3A_348] : memref<327680xi32, #tpu.memory_space<hbm>> -> memref<64xi32, #tpu.memory_space<hbm>>
      %dma_wait3A_355 = tpu.memref_slice %arg12[%dma_wait3A_350] : memref<4x!tpu.dma_semaphore, #tpu.memory_space<semaphore_mem>> -> memref<1x!tpu.dma_semaphore, #tpu.memory_space<semaphore_mem>>
      %dma_wait3A_356 = tpu.memref_squeeze %dma_wait3A_355 : memref<1x!tpu.dma_semaphore, #tpu.memory_space<semaphore_mem>> -> memref<!tpu.dma_semaphore, #tpu.memory_space<semaphore_mem>>
      %dma_wait3A_357 = arith.constant 0 : i32
      %dma_wait3A_358 = tpu.memref_slice %arg9[%dma_wait3A_349, %dma_wait3A_357] : memref<4x64xi32, #tpu.memory_space<vmem>> -> memref<1x64xi32, #tpu.memory_space<vmem>>
      %dma_wait3A_359 = tpu.memref_squeeze %dma_wait3A_358 : memref<1x64xi32, #tpu.memory_space<vmem>> -> memref<64xi32, #tpu.memory_space<vmem>>
      %dma_wait3A_360 = tpu.memref_slice %arg5[%multiple_of3A_348] : memref<327680xi32, #tpu.memory_space<hbm>> -> memref<64xi32, #tpu.memory_space<hbm>>
      tpu.wait_dma2 semaphore(%dma_wait3A_356 : memref<!tpu.dma_semaphore, #tpu.memory_space<semaphore_mem>>) src(%dma_wait3A_360 : memref<64xi32, #tpu.memory_space<hbm>>) dst(%dma_wait3A_359 : memref<64xi32, #tpu.memory_space<vmem>>)
      %mul3A_361 = arith.constant 64 : i32
      %mul3A_362 = arith.muli %add3A_337, %mul3A_361 : i32
      %multiple_of3A_363 = tpu.assume_multiple %mul3A_362, 64 : i32
      %dma_wait3A_364 = arith.constant 3 : i32
      %dma_wait3A_365 = arith.constant 3 : i32
      %dma_wait3A_366 = arith.constant 0 : i32
      %dma_wait3A_367 = arith.constant 0 : i32
      %dma_wait3A_368 = tpu.memref_slice %arg10[%dma_wait3A_364, %dma_wait3A_366, %dma_wait3A_367] : memref<4x64x128xf32, #tpu.memory_space<vmem>> -> memref<1x64x128xf32, #tpu.memory_space<vmem>>
      %dma_wait3A_369 = tpu.memref_squeeze %dma_wait3A_368 : memref<1x64x128xf32, #tpu.memory_space<vmem>> -> memref<64x128xf32, #tpu.memory_space<vmem>>
      %dma_wait3A_370 = tpu.memref_slice %arg8[%multiple_of3A_363] : memref<10240xi32, #tpu.memory_space<vmem>> -> memref<64xi32, #tpu.memory_space<vmem>>
      %dma_wait3A_371 = arith.constant 0 : i32
      %dma_wait3A_372 = arith.constant 0 : i32
      %dma_wait3A_373 = tpu.memref_slice %arg2[%dma_wait3A_371, %dma_wait3A_372] : memref<10008x128xf32, #tpu.memory_space<hbm>> -> memref<10008x128xf32, #tpu.memory_space<hbm>>
      %dma_wait3A_374 = tpu.memref_slice %arg11[%dma_wait3A_365] : memref<4x!tpu.dma_semaphore, #tpu.memory_space<semaphore_mem>> -> memref<1x!tpu.dma_semaphore, #tpu.memory_space<semaphore_mem>>
      %dma_wait3A_375 = tpu.memref_squeeze %dma_wait3A_374 : memref<1x!tpu.dma_semaphore, #tpu.memory_space<semaphore_mem>> -> memref<!tpu.dma_semaphore, #tpu.memory_space<semaphore_mem>>
      tpu.wait_indirect_dma semaphore(%dma_wait3A_375 : memref<!tpu.dma_semaphore, #tpu.memory_space<semaphore_mem>>) src(%dma_wait3A_373 : memref<10008x128xf32, #tpu.memory_space<hbm>>) dst(%dma_wait3A_369 : memref<64x128xf32, #tpu.memory_space<vmem>>)
      %dma_start3A_376 = arith.constant 3 : i32
      %dma_start3A_377 = arith.constant 3 : i32
      %dma_start3A_378 = arith.constant 3 : i32
      %dma_start3A_379 = arith.constant 0 : i32
      %dma_start3A_380 = arith.constant 0 : i32
      %dma_start3A_381 = tpu.memref_slice %arg10[%dma_start3A_376, %dma_start3A_379, %dma_start3A_380] : memref<4x64x128xf32, #tpu.memory_space<vmem>> -> memref<1x64x128xf32, #tpu.memory_space<vmem>>
      %dma_start3A_382 = tpu.memref_squeeze %dma_start3A_381 : memref<1x64x128xf32, #tpu.memory_space<vmem>> -> memref<64x128xf32, #tpu.memory_space<vmem>>
      %dma_start3A_383 = arith.constant 0 : i32
      %dma_start3A_384 = tpu.memref_slice %arg9[%dma_start3A_377, %dma_start3A_383] : memref<4x64xi32, #tpu.memory_space<vmem>> -> memref<1x64xi32, #tpu.memory_space<vmem>>
      %dma_start3A_385 = tpu.memref_squeeze %dma_start3A_384 : memref<1x64xi32, #tpu.memory_space<vmem>> -> memref<64xi32, #tpu.memory_space<vmem>>
      %dma_start3A_386 = arith.constant 0 : i32
      %dma_start3A_387 = arith.constant 0 : i32
      %dma_start3A_388 = tpu.memref_slice %arg7[%dma_start3A_386, %dma_start3A_387] : memref<10000x128xf32, #tpu.memory_space<vmem_shared>> -> memref<10000x128xf32, #tpu.memory_space<vmem_shared>>
      %dma_start3A_389 = tpu.memref_slice %arg13[%dma_start3A_378] : memref<4x!tpu.dma_semaphore, #tpu.memory_space<semaphore_mem>> -> memref<1x!tpu.dma_semaphore, #tpu.memory_space<semaphore_mem>>
      %dma_start3A_390 = tpu.memref_squeeze %dma_start3A_389 : memref<1x!tpu.dma_semaphore, #tpu.memory_space<semaphore_mem>> -> memref<!tpu.dma_semaphore, #tpu.memory_space<semaphore_mem>>
      tpu.enqueue_indirect_dma source(%dma_start3A_382 : memref<64x128xf32, #tpu.memory_space<vmem>>) target(%dma_start3A_388 : memref<10000x128xf32, #tpu.memory_space<vmem_shared>>) offsets(%dma_start3A_385 : memref<64xi32, #tpu.memory_space<vmem>>) semaphore(%dma_start3A_390 : memref<!tpu.dma_semaphore, #tpu.memory_space<semaphore_mem>>) {add = true}
    }
    %scan3A_101 = arith.constant 40 : i32
    %dma_wait3A = arith.constant 0 : i32
    %dma_wait3A_102 = arith.constant 0 : i32
    %dma_wait3A_103 = arith.constant 0 : i32
    %dma_wait3A_104 = arith.constant 0 : i32
    %dma_wait3A_105 = arith.constant 0 : i32
    %dma_wait3A_106 = tpu.memref_slice %arg10[%dma_wait3A, %dma_wait3A_104, %dma_wait3A_105] : memref<4x64x128xf32, #tpu.memory_space<vmem>> -> memref<1x64x128xf32, #tpu.memory_space<vmem>>
    %dma_wait3A_107 = tpu.memref_squeeze %dma_wait3A_106 : memref<1x64x128xf32, #tpu.memory_space<vmem>> -> memref<64x128xf32, #tpu.memory_space<vmem>>
    %dma_wait3A_108 = arith.constant 0 : i32
    %dma_wait3A_109 = tpu.memref_slice %arg9[%dma_wait3A_102, %dma_wait3A_108] : memref<4x64xi32, #tpu.memory_space<vmem>> -> memref<1x64xi32, #tpu.memory_space<vmem>>
    %dma_wait3A_110 = tpu.memref_squeeze %dma_wait3A_109 : memref<1x64xi32, #tpu.memory_space<vmem>> -> memref<64xi32, #tpu.memory_space<vmem>>
    %dma_wait3A_111 = arith.constant 0 : i32
    %dma_wait3A_112 = arith.constant 0 : i32
    %dma_wait3A_113 = tpu.memref_slice %arg7[%dma_wait3A_111, %dma_wait3A_112] : memref<10000x128xf32, #tpu.memory_space<vmem_shared>> -> memref<10000x128xf32, #tpu.memory_space<vmem_shared>>
    %dma_wait3A_114 = tpu.memref_slice %arg13[%dma_wait3A_103] : memref<4x!tpu.dma_semaphore, #tpu.memory_space<semaphore_mem>> -> memref<1x!tpu.dma_semaphore, #tpu.memory_space<semaphore_mem>>
    %dma_wait3A_115 = tpu.memref_squeeze %dma_wait3A_114 : memref<1x!tpu.dma_semaphore, #tpu.memory_space<semaphore_mem>> -> memref<!tpu.dma_semaphore, #tpu.memory_space<semaphore_mem>>
    tpu.wait_indirect_dma semaphore(%dma_wait3A_115 : memref<!tpu.dma_semaphore, #tpu.memory_space<semaphore_mem>>) src(%dma_wait3A_107 : memref<64x128xf32, #tpu.memory_space<vmem>>) dst(%dma_wait3A_113 : memref<10000x128xf32, #tpu.memory_space<vmem_shared>>)
    %dma_wait3A_116 = arith.constant 1 : i32
    %dma_wait3A_117 = arith.constant 1 : i32
    %dma_wait3A_118 = arith.constant 1 : i32
    %dma_wait3A_119 = arith.constant 0 : i32
    %dma_wait3A_120 = arith.constant 0 : i32
    %dma_wait3A_121 = tpu.memref_slice %arg10[%dma_wait3A_116, %dma_wait3A_119, %dma_wait3A_120] : memref<4x64x128xf32, #tpu.memory_space<vmem>> -> memref<1x64x128xf32, #tpu.memory_space<vmem>>
    %dma_wait3A_122 = tpu.memref_squeeze %dma_wait3A_121 : memref<1x64x128xf32, #tpu.memory_space<vmem>> -> memref<64x128xf32, #tpu.memory_space<vmem>>
    %dma_wait3A_123 = arith.constant 0 : i32
    %dma_wait3A_124 = tpu.memref_slice %arg9[%dma_wait3A_117, %dma_wait3A_123] : memref<4x64xi32, #tpu.memory_space<vmem>> -> memref<1x64xi32, #tpu.memory_space<vmem>>
    %dma_wait3A_125 = tpu.memref_squeeze %dma_wait3A_124 : memref<1x64xi32, #tpu.memory_space<vmem>> -> memref<64xi32, #tpu.memory_space<vmem>>
    %dma_wait3A_126 = arith.constant 0 : i32
    %dma_wait3A_127 = arith.constant 0 : i32
    %dma_wait3A_128 = tpu.memref_slice %arg7[%dma_wait3A_126, %dma_wait3A_127] : memref<10000x128xf32, #tpu.memory_space<vmem_shared>> -> memref<10000x128xf32, #tpu.memory_space<vmem_shared>>
    %dma_wait3A_129 = tpu.memref_slice %arg13[%dma_wait3A_118] : memref<4x!tpu.dma_semaphore, #tpu.memory_space<semaphore_mem>> -> memref<1x!tpu.dma_semaphore, #tpu.memory_space<semaphore_mem>>
    %dma_wait3A_130 = tpu.memref_squeeze %dma_wait3A_129 : memref<1x!tpu.dma_semaphore, #tpu.memory_space<semaphore_mem>> -> memref<!tpu.dma_semaphore, #tpu.memory_space<semaphore_mem>>
    tpu.wait_indirect_dma semaphore(%dma_wait3A_130 : memref<!tpu.dma_semaphore, #tpu.memory_space<semaphore_mem>>) src(%dma_wait3A_122 : memref<64x128xf32, #tpu.memory_space<vmem>>) dst(%dma_wait3A_128 : memref<10000x128xf32, #tpu.memory_space<vmem_shared>>)
    %dma_wait3A_131 = arith.constant 2 : i32
    %dma_wait3A_132 = arith.constant 2 : i32
    %dma_wait3A_133 = arith.constant 2 : i32
    %dma_wait3A_134 = arith.constant 0 : i32
    %dma_wait3A_135 = arith.constant 0 : i32
    %dma_wait3A_136 = tpu.memref_slice %arg10[%dma_wait3A_131, %dma_wait3A_134, %dma_wait3A_135] : memref<4x64x128xf32, #tpu.memory_space<vmem>> -> memref<1x64x128xf32, #tpu.memory_space<vmem>>
    %dma_wait3A_137 = tpu.memref_squeeze %dma_wait3A_136 : memref<1x64x128xf32, #tpu.memory_space<vmem>> -> memref<64x128xf32, #tpu.memory_space<vmem>>
    %dma_wait3A_138 = arith.constant 0 : i32
    %dma_wait3A_139 = tpu.memref_slice %arg9[%dma_wait3A_132, %dma_wait3A_138] : memref<4x64xi32, #tpu.memory_space<vmem>> -> memref<1x64xi32, #tpu.memory_space<vmem>>
    %dma_wait3A_140 = tpu.memref_squeeze %dma_wait3A_139 : memref<1x64xi32, #tpu.memory_space<vmem>> -> memref<64xi32, #tpu.memory_space<vmem>>
    %dma_wait3A_141 = arith.constant 0 : i32
    %dma_wait3A_142 = arith.constant 0 : i32
    %dma_wait3A_143 = tpu.memref_slice %arg7[%dma_wait3A_141, %dma_wait3A_142] : memref<10000x128xf32, #tpu.memory_space<vmem_shared>> -> memref<10000x128xf32, #tpu.memory_space<vmem_shared>>
    %dma_wait3A_144 = tpu.memref_slice %arg13[%dma_wait3A_133] : memref<4x!tpu.dma_semaphore, #tpu.memory_space<semaphore_mem>> -> memref<1x!tpu.dma_semaphore, #tpu.memory_space<semaphore_mem>>
    %dma_wait3A_145 = tpu.memref_squeeze %dma_wait3A_144 : memref<1x!tpu.dma_semaphore, #tpu.memory_space<semaphore_mem>> -> memref<!tpu.dma_semaphore, #tpu.memory_space<semaphore_mem>>
    tpu.wait_indirect_dma semaphore(%dma_wait3A_145 : memref<!tpu.dma_semaphore, #tpu.memory_space<semaphore_mem>>) src(%dma_wait3A_137 : memref<64x128xf32, #tpu.memory_space<vmem>>) dst(%dma_wait3A_143 : memref<10000x128xf32, #tpu.memory_space<vmem_shared>>)
    %dma_wait3A_146 = arith.constant 3 : i32
    %dma_wait3A_147 = arith.constant 3 : i32
    %dma_wait3A_148 = arith.constant 3 : i32
    %dma_wait3A_149 = arith.constant 0 : i32
    %dma_wait3A_150 = arith.constant 0 : i32
    %dma_wait3A_151 = tpu.memref_slice %arg10[%dma_wait3A_146, %dma_wait3A_149, %dma_wait3A_150] : memref<4x64x128xf32, #tpu.memory_space<vmem>> -> memref<1x64x128xf32, #tpu.memory_space<vmem>>
    %dma_wait3A_152 = tpu.memref_squeeze %dma_wait3A_151 : memref<1x64x128xf32, #tpu.memory_space<vmem>> -> memref<64x128xf32, #tpu.memory_space<vmem>>
    %dma_wait3A_153 = arith.constant 0 : i32
    %dma_wait3A_154 = tpu.memref_slice %arg9[%dma_wait3A_147, %dma_wait3A_153] : memref<4x64xi32, #tpu.memory_space<vmem>> -> memref<1x64xi32, #tpu.memory_space<vmem>>
    %dma_wait3A_155 = tpu.memref_squeeze %dma_wait3A_154 : memref<1x64xi32, #tpu.memory_space<vmem>> -> memref<64xi32, #tpu.memory_space<vmem>>
    %dma_wait3A_156 = arith.constant 0 : i32
    %dma_wait3A_157 = arith.constant 0 : i32
    %dma_wait3A_158 = tpu.memref_slice %arg7[%dma_wait3A_156, %dma_wait3A_157] : memref<10000x128xf32, #tpu.memory_space<vmem_shared>> -> memref<10000x128xf32, #tpu.memory_space<vmem_shared>>
    %dma_wait3A_159 = tpu.memref_slice %arg13[%dma_wait3A_148] : memref<4x!tpu.dma_semaphore, #tpu.memory_space<semaphore_mem>> -> memref<1x!tpu.dma_semaphore, #tpu.memory_space<semaphore_mem>>
    %dma_wait3A_160 = tpu.memref_squeeze %dma_wait3A_159 : memref<1x!tpu.dma_semaphore, #tpu.memory_space<semaphore_mem>> -> memref<!tpu.dma_semaphore, #tpu.memory_space<semaphore_mem>>
    tpu.wait_indirect_dma semaphore(%dma_wait3A_160 : memref<!tpu.dma_semaphore, #tpu.memory_space<semaphore_mem>>) src(%dma_wait3A_152 : memref<64x128xf32, #tpu.memory_space<vmem>>) dst(%dma_wait3A_158 : memref<10000x128xf32, #tpu.memory_space<vmem_shared>>)
    %barrier3A_161 = arith.constant 0 : index
    tpu.barrier barrier_id(%barrier3A_161)
    "tpu.region"() ({
      %run_scoped3A = tpu.sem_alloc : memref<!tpu.dma_semaphore, #tpu.memory_space<semaphore_mem>>
      %dma_start3A_167 = arith.constant 0 : i32
      %dma_start3A_168 = tpu.memref_slice %arg6[%arg0, %multiple_of3A, %dma_start3A_167] : memref<2x10000x128xf32, #tpu.memory_space<hbm>> -> memref<1x624x128xf32, #tpu.memory_space<hbm>>
      %dma_start3A_169 = tpu.memref_squeeze %dma_start3A_168 : memref<1x624x128xf32, #tpu.memory_space<hbm>> -> memref<624x128xf32, #tpu.memory_space<hbm>>
      %dma_start3A_170 = arith.constant 0 : i32
      %dma_start3A_171 = tpu.memref_slice %arg7[%multiple_of3A, %dma_start3A_170] : memref<10000x128xf32, #tpu.memory_space<vmem_shared>> -> memref<624x128xf32, #tpu.memory_space<vmem_shared>>
      tpu.enqueue_dma source(%dma_start3A_171 : memref<624x128xf32, #tpu.memory_space<vmem_shared>>) target(%dma_start3A_169 : memref<624x128xf32, #tpu.memory_space<hbm>>) target_semaphore(%run_scoped3A : memref<!tpu.dma_semaphore, #tpu.memory_space<semaphore_mem>>)
      %dma_wait3A_172 = arith.constant 0 : i32
      %dma_wait3A_173 = tpu.memref_slice %arg6[%arg0, %multiple_of3A, %dma_wait3A_172] : memref<2x10000x128xf32, #tpu.memory_space<hbm>> -> memref<1x624x128xf32, #tpu.memory_space<hbm>>
      %dma_wait3A_174 = tpu.memref_squeeze %dma_wait3A_173 : memref<1x624x128xf32, #tpu.memory_space<hbm>> -> memref<624x128xf32, #tpu.memory_space<hbm>>
      %dma_wait3A_175 = arith.constant 0 : i32
      %dma_wait3A_176 = tpu.memref_slice %arg7[%multiple_of3A, %dma_wait3A_175] : memref<10000x128xf32, #tpu.memory_space<vmem_shared>> -> memref<624x128xf32, #tpu.memory_space<vmem_shared>>
      tpu.wait_dma2 semaphore(%run_scoped3A : memref<!tpu.dma_semaphore, #tpu.memory_space<semaphore_mem>>) src(%dma_wait3A_176 : memref<624x128xf32, #tpu.memory_space<vmem_shared>>) dst(%dma_wait3A_174 : memref<624x128xf32, #tpu.memory_space<hbm>>)
      tpu.yield
    }) : () -> ()
    %eq3A_162 = arith.constant 15 : i32
    %eq3A_163 = arith.cmpi eq, %arg1, %eq3A_162 : i32
    %convert_element_type3A_164 = arith.extui %eq3A_163 : i1 to i32
    %cond3A_165 = arith.constant 0 : i32
    %cond3A_166 = arith.cmpi ne, %convert_element_type3A_164, %cond3A_165 : i32
    scf.if %cond3A_166 {
      "tpu.region"() ({
        %run_scoped3A = tpu.sem_alloc : memref<!tpu.dma_semaphore, #tpu.memory_space<semaphore_mem>>
        %dma_start3A_167 = arith.constant 9984 : i32
        %dma_start3A_168 = arith.constant 0 : i32
        %dma_start3A_169 = tpu.memref_slice %arg6[%arg0, %dma_start3A_167, %dma_start3A_168] : memref<2x10000x128xf32, #tpu.memory_space<hbm>> -> memref<1x16x128xf32, #tpu.memory_space<hbm>>
        %dma_start3A_170 = tpu.memref_squeeze %dma_start3A_169 : memref<1x16x128xf32, #tpu.memory_space<hbm>> -> memref<16x128xf32, #tpu.memory_space<hbm>>
        %dma_start3A_171 = arith.constant 9984 : i32
        %dma_start3A_172 = arith.constant 0 : i32
        %dma_start3A_173 = tpu.memref_slice %arg7[%dma_start3A_171, %dma_start3A_172] : memref<10000x128xf32, #tpu.memory_space<vmem_shared>> -> memref<16x128xf32, #tpu.memory_space<vmem_shared>>
        tpu.enqueue_dma source(%dma_start3A_173 : memref<16x128xf32, #tpu.memory_space<vmem_shared>>) target(%dma_start3A_170 : memref<16x128xf32, #tpu.memory_space<hbm>>) target_semaphore(%run_scoped3A : memref<!tpu.dma_semaphore, #tpu.memory_space<semaphore_mem>>)
        %dma_wait3A_174 = arith.constant 9984 : i32
        %dma_wait3A_175 = arith.constant 0 : i32
        %dma_wait3A_176 = tpu.memref_slice %arg6[%arg0, %dma_wait3A_174, %dma_wait3A_175] : memref<2x10000x128xf32, #tpu.memory_space<hbm>> -> memref<1x16x128xf32, #tpu.memory_space<hbm>>
        %dma_wait3A_177 = tpu.memref_squeeze %dma_wait3A_176 : memref<1x16x128xf32, #tpu.memory_space<hbm>> -> memref<16x128xf32, #tpu.memory_space<hbm>>
        %dma_wait3A_178 = arith.constant 9984 : i32
        %dma_wait3A_179 = arith.constant 0 : i32
        %dma_wait3A_180 = tpu.memref_slice %arg7[%dma_wait3A_178, %dma_wait3A_179] : memref<10000x128xf32, #tpu.memory_space<vmem_shared>> -> memref<16x128xf32, #tpu.memory_space<vmem_shared>>
        tpu.wait_dma2 semaphore(%run_scoped3A : memref<!tpu.dma_semaphore, #tpu.memory_space<semaphore_mem>>) src(%dma_wait3A_180 : memref<16x128xf32, #tpu.memory_space<vmem_shared>>) dst(%dma_wait3A_177 : memref<16x128xf32, #tpu.memory_space<hbm>>)
        tpu.yield
      }) : () -> ()
    } else {
    }
    return
  }
}

module attributes {stable_mosaic.version = 14 : i64} {
  func.func @_prep_body(%arg0: memref<10000x128xf32, #tpu.memory_space<vmem>>, %arg1: memref<128x128xf32, #tpu.memory_space<vmem>>, %arg2: memref<32x10000xf32, #tpu.memory_space<vmem>>, %arg3: memref<10008x128xf32, #tpu.memory_space<vmem>>) attributes {dimension_semantics = [], scalar_prefetch = 0 : i64, scratch_operands = 0 : i64, tpu.core_type = #tpu.core_type<tc>} {
    %get3A = arith.constant 0 : index
    %get3A_0 = arith.constant 0 : index
    %get3A_1 = vector.load %arg2[%get3A, %get3A_0] : memref<32x10000xf32, #tpu.memory_space<vmem>>, vector<32x10000xf32>
    %reduce_sum3A = arith.constant dense<0.000000e+00> : vector<10000xf32>
    %reduce_sum3A_2 = vector.multi_reduction <add>, %get3A_1, %reduce_sum3A [0] : vector<32x10000xf32> to vector<10000xf32>
    %add3A = arith.constant 1.000000e+00 : f32
    %add3A_3 = vector.broadcast %add3A : f32 to vector<10000xf32>
    %add3A_4 = arith.addf %reduce_sum3A_2, %add3A_3 : vector<10000xf32>
    %rsqrt3A = math.rsqrt %add3A_4 : vector<10000xf32>
    %get3A_5 = arith.constant 0 : index
    %get3A_6 = arith.constant 0 : index
    %get3A_7 = vector.load %arg0[%get3A_5, %get3A_6] : memref<10000x128xf32, #tpu.memory_space<vmem>>, vector<10000x128xf32>
    %get3A_8 = arith.constant 0 : index
    %get3A_9 = arith.constant 0 : index
    %get3A_10 = vector.load %arg1[%get3A_8, %get3A_9] : memref<128x128xf32, #tpu.memory_space<vmem>>, vector<128x128xf32>
    %dot_general3A = arith.constant dense<0.000000e+00> : vector<10000x128xf32>
    %dot_general3A_11 = tpu.matmul %get3A_7, %get3A_10, %dot_general3A {dimension_numbers = #tpu.dot_dimension_numbers<[1], [1], [0], [0], [0, 0, 1, 0], [], []>, transpose_lhs_hint = false} : vector<10000x128xf32>, vector<128x128xf32>, vector<10000x128xf32> -> vector<10000x128xf32>
    %broadcast_in_dim3A = vector.shape_cast %rsqrt3A : vector<10000xf32> to vector<10000x1xf32>
    %mul3A = vector.broadcast %broadcast_in_dim3A : vector<10000x1xf32> to vector<10000x128xf32>
    %mul3A_12 = arith.mulf %mul3A, %dot_general3A_11 : vector<10000x128xf32>
    %swap3A = arith.constant 0 : index
    %swap3A_13 = arith.constant 0 : index
    %swap3A_14 = vector.load %arg3[%swap3A, %swap3A_13] : memref<10008x128xf32, #tpu.memory_space<vmem>>, vector<10000x128xf32>
    tpu.vector_store %arg3[%swap3A, %swap3A_13], %mul3A_12 {strides = array<i32>} : memref<10008x128xf32, #tpu.memory_space<vmem>>, vector<10000x128xf32>,
    %broadcast_in_dim3A_15 = arith.constant 0.000000e+00 : f32
    %broadcast_in_dim3A_16 = vector.broadcast %broadcast_in_dim3A_15 : f32 to vector<8x128xf32>
    %swap3A_17 = arith.constant 10000 : index
    %swap3A_18 = arith.constant 0 : index
    %swap3A_19 = vector.load %arg3[%swap3A_17, %swap3A_18] : memref<10008x128xf32, #tpu.memory_space<vmem>>, vector<8x128xf32>
    tpu.vector_store %arg3[%swap3A_17, %swap3A_18], %broadcast_in_dim3A_16 {strides = array<i32>} : memref<10008x128xf32, #tpu.memory_space<vmem>>, vector<8x128xf32>,
    return
  }
}

module attributes {stable_mosaic.version = 14 : i64} {
  func.func @_comb1_body(%arg0: memref<2x10000x128xf32, #tpu.memory_space<vmem>>, %arg1: memref<32x10000xf32, #tpu.memory_space<vmem>>, %arg2: memref<10008x128xf32, #tpu.memory_space<vmem>>) attributes {dimension_semantics = [], scalar_prefetch = 0 : i64, scratch_operands = 0 : i64, tpu.core_type = #tpu.core_type<tc>} {
    %get3A = arith.constant 0 : index
    %get3A_0 = arith.constant 0 : index
    %get3A_1 = vector.load %arg1[%get3A, %get3A_0] : memref<32x10000xf32, #tpu.memory_space<vmem>>, vector<32x10000xf32>
    %reduce_sum3A = arith.constant dense<0.000000e+00> : vector<10000xf32>
    %reduce_sum3A_2 = vector.multi_reduction <add>, %get3A_1, %reduce_sum3A [0] : vector<32x10000xf32> to vector<10000xf32>
    %add3A = arith.constant 1.000000e+00 : f32
    %add3A_3 = vector.broadcast %add3A : f32 to vector<10000xf32>
    %add3A_4 = arith.addf %reduce_sum3A_2, %add3A_3 : vector<10000xf32>
    %get3A_5 = arith.constant 0 : index
    %get3A_6 = arith.constant 0 : index
    %get3A_7 = arith.constant 0 : index
    %get3A_8 = vector.load %arg0[%get3A_5, %get3A_6, %get3A_7] : memref<2x10000x128xf32, #tpu.memory_space<vmem>>, vector<1x10000x128xf32>
    %get3A_9 = vector.shape_cast %get3A_8 : vector<1x10000x128xf32> to vector<10000x128xf32>
    %get3A_10 = arith.constant 1 : index
    %get3A_11 = arith.constant 0 : index
    %get3A_12 = arith.constant 0 : index
    %get3A_13 = vector.load %arg0[%get3A_10, %get3A_11, %get3A_12] : memref<2x10000x128xf32, #tpu.memory_space<vmem>>, vector<1x10000x128xf32>
    %get3A_14 = vector.shape_cast %get3A_13 : vector<1x10000x128xf32> to vector<10000x128xf32>
    %add3A_15 = arith.addf %get3A_9, %get3A_14 : vector<10000x128xf32>
    %broadcast_in_dim3A = vector.shape_cast %add3A_4 : vector<10000xf32> to vector<10000x1xf32>
    %div3A = vector.broadcast %broadcast_in_dim3A : vector<10000x1xf32> to vector<10000x128xf32>
    %div3A_16 = arith.divf %add3A_15, %div3A : vector<10000x128xf32>
    %swap3A = arith.constant 0 : index
    %swap3A_17 = arith.constant 0 : index
    %swap3A_18 = vector.load %arg2[%swap3A, %swap3A_17] : memref<10008x128xf32, #tpu.memory_space<vmem>>, vector<10000x128xf32>
    tpu.vector_store %arg2[%swap3A, %swap3A_17], %div3A_16 {strides = array<i32>} : memref<10008x128xf32, #tpu.memory_space<vmem>>, vector<10000x128xf32>,
    %broadcast_in_dim3A_19 = arith.constant 0.000000e+00 : f32
    %broadcast_in_dim3A_20 = vector.broadcast %broadcast_in_dim3A_19 : f32 to vector<8x128xf32>
    %swap3A_21 = arith.constant 10000 : index
    %swap3A_22 = arith.constant 0 : index
    %swap3A_23 = vector.load %arg2[%swap3A_21, %swap3A_22] : memref<10008x128xf32, #tpu.memory_space<vmem>>, vector<8x128xf32>
    tpu.vector_store %arg2[%swap3A_21, %swap3A_22], %broadcast_in_dim3A_20 {strides = array<i32>} : memref<10008x128xf32, #tpu.memory_space<vmem>>, vector<8x128xf32>,
    return
  }
}

module attributes {stable_mosaic.version = 14 : i64} {
  func.func @_comb2_body(%arg0: memref<2x10000x128xf32, #tpu.memory_space<vmem>>, %arg1: memref<32x10000xf32, #tpu.memory_space<vmem>>, %arg2: memref<1x128xf32, #tpu.memory_space<vmem>>, %arg3: memref<10000x128xf32, #tpu.memory_space<vmem>>) attributes {dimension_semantics = [], scalar_prefetch = 0 : i64, scratch_operands = 0 : i64, tpu.core_type = #tpu.core_type<tc>} {
    %get3A = arith.constant 0 : index
    %get3A_0 = arith.constant 0 : index
    %get3A_1 = vector.load %arg1[%get3A, %get3A_0] : memref<32x10000xf32, #tpu.memory_space<vmem>>, vector<32x10000xf32>
    %reduce_sum3A = arith.constant dense<0.000000e+00> : vector<10000xf32>
    %reduce_sum3A_2 = vector.multi_reduction <add>, %get3A_1, %reduce_sum3A [0] : vector<32x10000xf32> to vector<10000xf32>
    %add3A = arith.constant 1.000000e+00 : f32
    %add3A_3 = vector.broadcast %add3A : f32 to vector<10000xf32>
    %add3A_4 = arith.addf %reduce_sum3A_2, %add3A_3 : vector<10000xf32>
    %rsqrt3A = math.rsqrt %add3A_4 : vector<10000xf32>
    %broadcast_in_dim3A = vector.shape_cast %rsqrt3A : vector<10000xf32> to vector<10000x1xf32>
    %get3A_5 = arith.constant 0 : index
    %get3A_6 = arith.constant 0 : index
    %get3A_7 = arith.constant 0 : index
    %get3A_8 = vector.load %arg0[%get3A_5, %get3A_6, %get3A_7] : memref<2x10000x128xf32, #tpu.memory_space<vmem>>, vector<1x10000x128xf32>
    %get3A_9 = vector.shape_cast %get3A_8 : vector<1x10000x128xf32> to vector<10000x128xf32>
    %get3A_10 = arith.constant 1 : index
    %get3A_11 = arith.constant 0 : index
    %get3A_12 = arith.constant 0 : index
    %get3A_13 = vector.load %arg0[%get3A_10, %get3A_11, %get3A_12] : memref<2x10000x128xf32, #tpu.memory_space<vmem>>, vector<1x10000x128xf32>
    %get3A_14 = vector.shape_cast %get3A_13 : vector<1x10000x128xf32> to vector<10000x128xf32>
    %add3A_15 = arith.addf %get3A_9, %get3A_14 : vector<10000x128xf32>
    %mul3A = vector.broadcast %broadcast_in_dim3A : vector<10000x1xf32> to vector<10000x128xf32>
    %mul3A_16 = arith.mulf %mul3A, %add3A_15 : vector<10000x128xf32>
    %get3A_17 = arith.constant 0 : index
    %get3A_18 = arith.constant 0 : index
    %get3A_19 = vector.load %arg2[%get3A_17, %get3A_18] : memref<1x128xf32, #tpu.memory_space<vmem>>, vector<1x128xf32>
    %add3A_20 = vector.broadcast %get3A_19 : vector<1x128xf32> to vector<10000x128xf32>
    %add3A_21 = arith.addf %mul3A_16, %add3A_20 : vector<10000x128xf32>
    %swap3A = arith.constant 0 : index
    %swap3A_22 = arith.constant 0 : index
    %swap3A_23 = vector.load %arg3[%swap3A, %swap3A_22] : memref<10000x128xf32, #tpu.memory_space<vmem>>, vector<10000x128xf32>
    tpu.vector_store %arg3[%swap3A, %swap3A_22], %add3A_21 {strides = array<i32>} : memref<10000x128xf32, #tpu.memory_space<vmem>>, vector<10000x128xf32>,
    return
  }
}

</mosaic_0001>

<sc_bundles>
// kernel: kernel.11.cloned.1.call-start
scs
__scs_entry_jumppad:
0x0: {  	(pc) =	sbr.rel $0x88, $3  }
0x1: {  	(tag) =	ssettag $0x0;
	lr =	simm.s32 $0x1  }
0x2: {  	[smem:$0x3F9D] =	sst lr;
	_ =	strace $0xD0000000  }
0x3: {  	_ = 	snop  }
0x4: {  	_ = 	snop  }
0x5: {  	_ = 	snop  }
0x6: {  	_ = 	snop  }
0x7: {  	_ = 	snop  }
__scs_overlays_trampoline_lowered:
0x8: {  	[smem:$0x3FAC] =	sst s0  }
0x9: {  	[smem:$0x3FAD] =	sst s1  }
0xa: {  	[smem:$0x3FAE] =	sst s2  }
0xb: {  	[smem:$0x3FAF] =	sst s3  }
0xc: {  	[smem:$0x3FB0] =	sst s4  }
0xd: {  	[smem:$0x3FB1] =	sst s5  }
0xe: {  	[smem:$0x3FB2] =	sst s6  }
0xf: {  	[smem:$0x3FB3] =	sst s7  }
0x10: {  	[smem:$0x3FB4] =	sst s8  }
0x11: {  	[smem:$0x3FB5] =	sst s9;
	s0 =	simm.s32 @!p0 $0x0  }
0x12: {  	s1 =	sld [smem:$0x3F9B];
	s0 =	simm.s32 @p0 $0x1  }
0x13: {  	[smem:$0x3FB6] =	sst s0;
	s0 =	simm.s32 @!p1 $0x0  }
0x14: {  	s2 =	sld [smem:$0x3F9A];
	s0 =	simm.s32 @p1 $0x1  }
0x15: {  	[smem:$0x3FB7] =	sst s0;
	s0 =	simm.s32 @!p2 $0x0  }
0x16: {  	s3 =	sld [smem:$0x3FDB];
	s0 =	simm.s32 @p2 $0x1  }
0x17: {  	s4 =	simm.s32 $0x1BF5;
	[smem:$0x3FB9] =	sst s0  }
0x18: {  	s0 =	sld [smem:$0x3F9C];
	_ =	swait.ge [sflag:s4], $0x0  }
0x19: {  	s7 =	sld [smem:$0x3F9D]  }
0x1a: {  	s8 =	sadd.s32 $0xFFFFE003, lr  }
0x1b: {  	s9 =	sadd.s32 $0xFFFFFEF7, lr;
	s5 =	simm.s32 $0xFFFFFFFF;
	p2 =	slt.u32 s8, $0xFFFFF086  }
0x1c: {  	p1 =	slt.u32 s9, $0xF7A;
	s5 =	simm.s32 @!p2 $0x0  }
0x1d: {  	s5 =	simm.s32 @p1 $0x1;
	p0 =	seq.s32 s7, s2  }
0x1e: {  	s7 =	smul.u32 @!p0 $0xF7A, s2;
	p2 =	seq.s32 @!p0 s5, $0x0  }
0x1f: {  	s9 =	smul.u32 $0xF7A, s1;
	s8 =	simm.s32 @!p0 $0x1BF5;
	p2 =	por !p2, p0  }
0x20: {  	[sflag:s8] =	ssyncset.s32 @!p0 $0xFFFFF086;
	s6 =	sadd.s32 @!p0 s3, s7;
	s7 =	simm.s32 @!p0 $0x108  }
0x21: {  	s3 =	sadd.s32 s3, s9;
	s6 =	sadd.s32 @!p0 $0x88, s6;
	s7 =	simm.s32 @p2 $0x1082  }
0x22: {  	[simem:s7], [sflag:s8] =	dma.local @!p0 [hbm:s6], $0xF7A  }
0x23: {  	s9 =	sor.u32 $0xD0000000, s2;
	s6 =	simm.s32 $0x108;
	_ =	swait.ge @!p0 [sflag:s8], $0x0  }
0x24: {  	s3 =	sadd.s32 $0x88, s3;
	s6 =	simm.s32 @!p1 $0x1082;
	[sflag:s4] =	ssyncset.s32 $0xFFFFF086  }
0x25: {  	[simem:s6], [sflag:s4] =	dma.local [hbm:s3], $0xF7A  }
0x26: {  	[smem:$0x3F9D] =	sst s1;
	(tag) =	ssettag s2;
	_ =	strace s9  }
0x27: {  	s1 =	sld [smem:$0x3FAD]  }
0x28: {  	s2 =	sld [smem:$0x3FAE]  }
0x29: {  	s4 =	sld [smem:$0x3FB0]  }
0x2a: {  	p0 =	seq.s32 s5, $0x0;
	s5 =	sld [smem:$0x3FB1]  }
0x2b: {  	s6 =	sld [smem:$0x3FB2]  }
0x2c: {  	s7 =	sld [smem:$0x3FB3]  }
0x2d: {  	s3 =	simm.s32 $0x108;
	s8 =	sld [smem:$0x3FB4]  }
0x2e: {  	s3 =	simm.s32 @!p0 $0x1082;
	s9 =	sld [smem:$0x3FB5]  }
0x2f: {  	lr =	sadd.s32 s0, s3;
	s0 =	sld [smem:$0x3FAC]  }
0x30: {  	s3 =	sld [smem:$0x3FAF]  }
0x31: {  	[smem:$0x3FB8] =	sst s10  }
0x32: {  	s10 =	sld [smem:$0x3FB6];
	_ =	sdelay $0x3  }
0x33: {  	p0 =	seq.s32 s10, $0x1;
	s10 =	sld [smem:$0x3FB8];
	_ =	sdelay $0x3  }
0x34: {  	[smem:$0x3FB8] =	sst s10  }
0x35: {  	s10 =	sld [smem:$0x3FB7];
	_ =	sdelay $0x3  }
0x36: {  	p1 =	seq.s32 s10, $0x1;
	s10 =	sld [smem:$0x3FB8];
	_ =	sdelay $0x3  }
0x37: {  	[smem:$0x3FB8] =	sst s10  }
0x38: {  	s10 =	sld [smem:$0x3FB9]  }
0x39: {  	_ = 	snop;
	(pc) =	sbr.ind lr, $3  }
0x3a: {  	_ = 	snop  }
0x3b: {  	_ = 	snop  }
0x3c: {  	p2 =	seq.s32 s10, $0x1;
	s10 =	sld [smem:$0x3FB8]  }
0x3d: {  	_ =	shalt  }
0x3e: {  	_ =	shalt  }
0x3f: {  	_ =	shalt  }
0x40: {  	_ =	shalt  }
0x41: {  	_ =	shalt  }
0x42: {  	_ =	shalt  }
0x43: {  	_ =	shalt  }
0x44: {  	_ =	shalt  }
0x45: {  	_ =	shalt  }
0x46: {  	_ =	shalt  }
0x47: {  	_ =	shalt  }
0x48: {  	_ =	shalt  }
0x49: {  	_ =	shalt  }
0x4a: {  	_ =	shalt  }
0x4b: {  	_ =	shalt  }
0x4c: {  	_ =	shalt  }
0x4d: {  	_ =	shalt  }
0x4e: {  	_ =	shalt  }
0x4f: {  	_ =	shalt  }
0x50: {  	_ =	shalt  }
0x51: {  	_ =	shalt  }
0x52: {  	_ =	shalt  }
0x53: {  	_ =	shalt  }
0x54: {  	_ =	shalt  }
0x55: {  	_ =	shalt  }
0x56: {  	_ =	shalt  }
0x57: {  	_ =	shalt  }
0x58: {  	_ =	shalt  }
0x59: {  	_ =	shalt  }
0x5a: {  	_ =	shalt  }
0x5b: {  	_ =	shalt  }
0x5c: {  	_ =	shalt  }
0x5d: {  	_ =	shalt  }
0x5e: {  	_ =	shalt  }
0x5f: {  	_ =	shalt  }
0x60: {  	_ =	shalt  }
0x61: {  	_ =	shalt  }
0x62: {  	_ =	shalt  }
0x63: {  	_ =	shalt  }
0x64: {  	_ =	shalt  }
0x65: {  	_ =	shalt  }
0x66: {  	_ =	shalt  }
0x67: {  	_ =	shalt  }
0x68: {  	_ =	shalt  }
0x69: {  	_ =	shalt  }
0x6a: {  	_ =	shalt  }
0x6b: {  	_ =	shalt  }
0x6c: {  	_ =	shalt  }
0x6d: {  	_ =	shalt  }
0x6e: {  	_ =	shalt  }
0x6f: {  	_ =	shalt  }
0x70: {  	_ =	shalt  }
0x71: {  	_ =	shalt  }
0x72: {  	_ =	shalt  }
0x73: {  	_ =	shalt  }
0x74: {  	_ =	shalt  }
0x75: {  	_ =	shalt  }
0x76: {  	_ =	shalt  }
0x77: {  	_ =	shalt  }
0x78: {  	_ =	shalt  }
0x79: {  	_ =	shalt  }
0x7a: {  	_ =	shalt  }
0x7b: {  	_ =	shalt  }
0x7c: {  	_ =	shalt  }
0x7d: {  	_ =	shalt  }
0x7e: {  	_ =	shalt  }
0x7f: {  	_ =	shalt  }
0x80: {  	_ =	shalt  }
0x81: {  	_ =	shalt  }
0x82: {  	_ =	shalt  }
0x83: {  	_ =	shalt  }
0x84: {  	_ =	shalt  }
0x85: {  	_ =	shalt  }
0x86: {  	_ =	shalt  }
0x87: {  	_ =	shalt  }
.Lfunc_end0:
.L_simem_size_0:
called_computation.1_lowered:
.L_overlay_start_0:
0x88: {  	s2 =	sld [smem:$0x3FD9]  }
0x89: {  	s3 =	sld [smem:$0x3FFE];
	_ =	sdelay $0x1  }
0x8a: {  	s1 =	srdreg.scid  }
0x8b: {  	s0 =	sand.u32 $0x1, s1  }
0x8c: {  	s17 =	sshll.u32 s0, $0xA;
	s2 =	sadd.s32 s3, s2  }
0x8d: {  	s2 =	sadd.s32 s2, s17  }
0x8e: {  	[smem:$0x3FC4] =	sst s2  }
0x8f: {  	_ = 	snop  }
0x90: {  	s2 =	sld [smem:$0x3FD0];
	(tm) =	ssettm $0x1  }
0x91: {  	s18 =	sld [smem:$0x3FFB];
	_ =	sdelay $0x3  }
0x92: {  	_ =	strace s18  }
0x93: {  	s3 =	sld [smem:$0x3FFC];
	_ =	sdelay $0x3  }
0x94: {  	_ =	strace s3  }
0x95: {  	s3 =	sld [smem:$0x3FFD];
	_ =	sdelay $0x3  }
0x96: {  	_ =	strace s3  }
0x97: {  	_ =	strace $0x8FFFFFFF  }
0x98: {  	s19 =	sld [smem:$0x3FDB];
	_ =	sdelay $0x1  }
0x99: {  	s4 =	simm.s32 $_scs_section_size  }
0x9a: {  	s5 =	simm.s32 $_size__tile_overlayer_lowered;
	s6 =	simm.s32 $_tile_overlayer_lowered  }
0x9b: {  	s22 =	simm.s32 $0x1BFF;
	s21 =	sshll.u32 s6, $0x1;
	s3 =	sadd.s32 s4, s19  }
0x9c: {  	s7 =	simm.s32 $0x0;
	s20 =	sshll.u32 s5, $0x1;
	s5 =	sadd.s32 s21, s3  }
0x9d: {  	[timem:s7], [sflag:s22] =	dma.local [hbm:s5], s20  }
0x9e: {  	_ =	swait.ge [sflag:s22], s20  }
0x9f: {  	s4 =	ssub.s32 $0x0, s20;
	[sflag:s22] =	ssyncset.done $0x0  }
0xa0: {  	[sflag:s22] =	ssyncadd.s32 s4;
	_ =	sdelay $0x1  }
0xa1: {  	s23 =	simm.s32 $0x1B8B  }
0xa2: {  	_ =	swait.ge [sflag:s23], $0x1  }
0xa3: {  	[sflag:s23] =	ssyncset.done $0x0  }
0xa4: {  	s25 =	simm.s32 $0x1B8E;
	s24 =	sld [smem:$0x3FFE];
	[sflag:s23] =	ssyncadd.s32 $0xFFFFFFFF  }
0xa5: {  	s26 =	simm.s32 $execute0_lowered;
	[smem:$0x3FD2] =	sst s25  }
0xa6: {  	s5 =	sshll.u32 s26, $0x1;
	_ =	strace $0x80000049;
	[dreg:$0x1] =	wrdreg $0xFFFFFFFF  }
0xa7: {  	s28 =	simm.s32 $_size_execute0_lowered;
	s3 =	sadd.s32 s3, s5;
	[dreg:$0x0] =	wrdreg $0x0  }
0xa8: {  	s5 =	sshll.u32 s28, $0x1;
	[dreg:$0x2] =	wrdreg s3  }
0xa9: {  	[dreg:$0x3] =	wrdreg s5  }
0xaa: {  	[dreg:$0x4] =	wrdreg $0xC0  }
0xab: {  	_ =	task [dreg:s7], $0x5FFFF  }
0xac: {  	[dreg:$0x1] =	wrdreg $0xFFFFFFFF  }
0xad: {  	[dreg:$0x0] =	wrdreg $0x60  }
0xae: {  	[dreg:$0x2] =	wrdreg s24  }
0xaf: {  	[dreg:$0x3] =	wrdreg s2  }
0xb0: {  	[dreg:$0x4] =	wrdreg $0x0  }
0xb1: {  	[dreg:$0x5] =	wrdreg $0x9  }
0xb2: {  	_ =	task.clear_ibuf [dreg:s7], $0x6FFFF;
	_ =	strace $0x90000049  }
0xb3: {  	s29 =	simm.s32 $0x9;
	_ =	strace $0x8000004B  }
0xb4: {  	_ =	swait.ge [sflag:s29], $0x1  }
0xb5: {  	[sflag:s29] =	ssyncadd.s32 $0xFFFFFFFF  }
0xb6: {  	_ =	strace $0x9000004B  }
0xb7: {  	_ =	sfence  }
0xb8: {  	s30 =	sld [smem:$0x0];
	_ =	sdelay $0x2  }
0xb9: {  	s31 =	sshll.u32 s1, $0xD;
	s1 =	sshrl.u32 s1, $0x2  }
0xba: {  	s3 =	sand.u32 $0x4000, s31;
	s1 =	sadd.s32 s1, s30  }
0xbb: {  	s0 =	sor.u32 s3, s0;
	s1 =	sshll.u32 s1, $0x11  }
0xbc: {  	s0 =	sor.u32 s1, s0  }
0xbd: {  	s0 =	sadd.s32 $0x8F2B, s0  }
0xbe: {  	[sflag:s0] =	ssyncadd.remote.s32 $0x1  }
0xbf: {  	_ =	sfence.sel $0xFFFF  }
0xc0: {  	[dreg:$0x0] =	wrdreg $0xFFFFFFFF;
	(pc) =	sbr.abs _section_cstart, $3  }
0xc1: {  	[dreg:$0x1] =	wrdreg $0xFFFFFFFF  }
0xc2: {  	_ =	task.clear_ibuf [dreg:s7], $0x2FFFF;
	_ =	strace $0x9FFFFFFF  }
0xc3: {  	(tm) =	ssettm $0x7FFFFFFF  }
tec
execute0_lowered:
.L_overlay_start_1:
0x0: {  	(tag) =	ssettag $0x1  }
0x1: {  	s0 =	srdreg.scid;
	s1 =	rddreg [dreg:$0x0]  }
0x2: {  	s14 =	rddreg [dreg:$0x1];
	s13 =	stileid.u32  }
0x3: {  	s3 =	rddreg [dreg:$0x2];
	s4 =	simm.s32 $0x0;
	s30 =	simm.s32 $0x16180  }
0x4: {  	s28 =	simm.s32 $0x7;
	s29 =	simm.s32 $0x3;
	s7 =	smul.u32 $0x4E000, s13  }
0x5: {  	s31 =	simm.s32 $0x8;
	s0 =	sand.u32 $0x1, s0;
	s10 =	smul.u32 $0x2700, s13  }
0x6: {  	[smem:$0x7FF] =	sst s4;
	s5 =	sadd.s32 $0x1FA00, s1;
	s23 =	smul.u32 $0x13800, s13  }
0x7: {  	s8 =	sadd.s32 $0x15A00, s1;
	s26 =	smul.u32 $0x2800, s13;
	s16 =	sadd.s32 $0x138000, s3  }
0x8: {  	p1 =	seq.s32 s13, $0xF;
	p2 =	sne.s32 s13, $0xF;
	s2 =	sshll.u32 s0, $0x4  }
0x9: {  	_ =	strace $0x8000004A;
	s9 =	ssub.s32 $0x2, s0;
	s12 =	smul.u32 $0x138800, s0  }
0xa: {  	s25 =	smul.u32 $0x28000, s0;
	[dreg:$0xa] =	wrdreg s16;
	p0 =	sne.s32 s0, $0x0  }
0xb: {  	s0 =	simm.s32 $0x4;
	s2 =	sor.u32 s13, s2;
	s11 =	sshrl.u32 s9, $0x1  }
0xc: {  	s7 =	sshrl.u32 s7, $0x2;
	s15 =	sadd.s32 s14, s10;
	s17 =	sadd.s32 s5, s10  }
0xd: {  	s13 =	simm.s32 $0x5;
	s14 =	simm.s32 $0x0;
	[dreg:$0x9] =	wrdreg s15  }
0xe: {  	s2 =	smul.u32 $0x2800, s2;
	s7 =	sadd.s32 s7, s3;
	[dreg:$0xb] =	wrdreg s17  }
0xf: {  	s9 =	ssub.s32 s9, s11;
	s18 =	sshrl.u32 s12, $0x3;
	[dreg:$0x8] =	wrdreg s7  }
0x10: {  	s21 =	smax.u32 s9, $0x1;
	s9 =	simm.s32 $0xD;
	s2 =	sshrl.u32 s2, $0x3  }
0x11: {  	[dreg:$0xe] =	wrdreg s21;
	s6 =	sadd.s32 s2, s1;
	s22 =	sadd.s32 s8, s2  }
0x12: {  	s1 =	sadd.s32 $0x46C00, s1;
	s6 =	sadd.s32 $0xBA00, s6;
	[dreg:$0x4] =	wrdreg s22  }
0x13: {  	s2 =	sadd.s32 s23, s12;
	s24 =	sadd.s32 $0x8, s22;
	[dreg:$0x5] =	wrdreg s6  }
0x14: {  	s11 =	sadd.s32 $0x10, s22;
	s2 =	sshrl.u32 s2, $0x3;
	[dreg:$0x6] =	wrdreg s24  }
0x15: {  	[dreg:$0x7] =	wrdreg s11;
	s6 =	sadd.s32 s26, s25;
	s2 =	sadd.s32 s1, s2  }
0x16: {  	s1 =	sadd.s32 s1, s18;
	s11 =	simm.s32 $0x1C280;
	s19 =	sor.u32 $0x100, s6  }
0x17: {  	[dreg:$0xc] =	wrdreg s2;
	s1 =	sadd.s32 $0x27000, s1;
	s23 =	sor.u32 $0x140, s6  }
0x18: {  	s24 =	sor.u32 $0xC0, s6;
	s6 =	sor.u32 $0x180, s6;
	s20 =	sshrl.u32 s19, $0x3  }
0x19: {  	[dreg:$0xd] =	wrdreg s1;
	s1 =	sshrl.u32 s23, $0x3;
	s22 =	sadd.s32 s20, s8  }
0x1a: {  	s2 =	sshrl.u32 s24, $0x3;
	s1 =	sadd.s32 s1, s8;
	[dreg:$0xf] =	wrdreg s22  }
0x1b: {  	s6 =	sshrl.u32 s6, $0x3;
	s25 =	sadd.s32 s2, s8;
	[dreg:$0x10] =	wrdreg s1  }
0x1c: {  	s23 =	simm.s32 $0x16080;
	s26 =	sadd.s32 s6, s8;
	[dreg:$0x11] =	wrdreg s25  }
0x1d: {  	s24 =	simm.s32 $0x40;
	s2 =	simm.s32 $0x16200;
	[dreg:$0x12] =	wrdreg s26  }
0x1e: {  	s25 =	simm.s32 $0x16280;
	s1 =	simm.s32 $0x1A280;
	s26 =	simm.s32 $0x1  }
.LBB2_1:
0x1f: {  	s6 =	rddreg [dreg:$0x5];
	s7 =	simm.s32 $0x13880  }
0x20: {  	[tilespmem:s7], [sflag:$0xD] =	stream.linear.gather [hbm4b:s6+s4], $0x2800, $0x38;
	[tilespmem:$0x1E280] =	vst v63  }
0x21: {  	_ =	swait.ge [sflag:s9], $0x2800  }
0x22: {  	[sflag:s9] =	ssyncset.done $0x0  }
0x23: {  	s12 =	rddreg [dreg:$0x4];
	[sflag:s9] =	ssyncadd.s32 $0xFFFFD800  }
0x24: {  	[tilespmem:s23], [sflag:$0x5] =	stream.linear.gather [hbm4b:s12+s4], $0x40, $0x38;
	[tilespmem:$0x1E280] =	vst v63  }
0x25: {  	_ = 	snop  }
0x26: {  	[tilespmem:s25], [sflag:$0x1] =	stream.indirect.gather [hbm4b:s5+s24], $0x80, s7, s24, $0xb8;
	[tilespmem:$0x1E280] =	vst v63  }
0x27: {  	s16 =	simm.s32 $0x16100;
	s17 =	simm.s32 $0x138C0;
	s15 =	rddreg [dreg:$0x6]  }
0x28: {  	[tilespmem:s16], [sflag:$0x6] =	stream.linear.gather [hbm4b:s15+s4], $0x40, $0x38;
	[tilespmem:$0x1E280] =	vst v63  }
0x29: {  	s18 =	simm.s32 $0x18280;
	s21 =	stileid.u32;
	s22 =	rddreg [dreg:$0x8]  }
0x2a: {  	[tilespmem:s18], [sflag:$0x2] =	stream.indirect.gather [hbm4b:s5+s24], $0x80, s17, s24, $0xb8;
	[tilespmem:$0x1E280] =	vst v63  }
.Ltmp0:
0x2b: {  	s19 =	rddreg [dreg:$0x7];
	s8 =	sshrl.u32 s22, $0x3;
	(pc) =	sbr.rel @p0 .LBB2_3-.Ltmp0, $4  }
0x2c: {  	[dreg:$0x14] =	wrdreg s8;
	s7 =	sshll.u32 s21, $0x6  }
0x2d: {  	[tilespmem:s30], [sflag:$0x7] =	stream.linear.gather [hbm4b:s19+s4], $0x40, $0x38;
	[tilespmem:$0x1E280] =	vst v63  }
0x2e: {  	s20 =	simm.s32 $0x13900;
	s6 =	sor.u32 $0x1C0D, s7;
	[dreg:$0x13] =	wrdreg s7  }
0x2f: {  	[tilespmem:s1], [sflag:$0x3] =	stream.indirect.gather [hbm4b:s5+s24], $0x80, s20, s24, $0xb8;
	[tilespmem:$0x1E280] =	vst v63  }
0x30: {  	s6 =	sor.u32 $0x1C0D, s7;
	s22 =	rddreg [dreg:$0xb]  }
0x31: {  	[spmem:s8], [sflag:s6] =	dma.local [hbm:s22], $0x2700  }
.Ltmp1:
0x32: {  	_ = 	snop;
	(pc) =	sbr.rel @p1 .LBB2_4-.Ltmp1, $4  }
.Ltmp2:
0x33: {  	_ = 	snop;
	(pc) =	sbr.rel @!p1 .LBB2_5-.Ltmp2, $4  }
0x34: {  	_ =	swait.ge [sflag:s9], $0x2700  }
0x35: {  	[sflag:s9] =	ssyncset.done $0x0  }
0x36: {  	s7 =	smov.u32 s5;
	[sflag:s9] =	ssyncadd.s32 $0xFFFFD900  }
0x37: {  	_ = 	snop  }
.LBB2_3:
0x38: {  	s7 =	rddreg [dreg:$0x9]  }
0x39: {  	[spmem:s8], [sflag:s6] =	dma.local [hbm:s7], $0x2700  }
.Ltmp3:
0x3a: {  	_ = 	snop;
	(pc) =	sbr.rel @p2 .LBB2_5-.Ltmp3, $4  }
0x3b: {  	_ =	swait.ge [sflag:s9], $0x2700  }
0x3c: {  	[sflag:s9] =	ssyncset.done $0x0  }
0x3d: {  	[sflag:s9] =	ssyncadd.s32 $0xFFFFD900  }
0x3e: {  	s7 =	rddreg [dreg:$0x1]  }
.LBB2_4:
0x3f: {  	s8 =	rddreg [dreg:$0xa]  }
0x40: {  	s7 =	sadd.s32 $0x27000, s7;
	s8 =	sshrl.u32 s8, $0x3  }
0x41: {  	[spmem:s8], [sflag:s6] =	dma.local [hbm:s7], $0x100  }
0x42: {  	_ =	swait.ge [sflag:s9], $0x100  }
0x43: {  	[sflag:s9] =	ssyncset.done $0x0  }
0x44: {  	[sflag:s9] =	ssyncadd.s32 $0xFFFFFF00  }
.LBB2_5:
0x45: {  	p3 =	por $0x1, $0x1  }
0x46: {  	p3 =	por p3, p3  }
0x47: {  	[bflag:$0x0] =	sbarrier.arrive $0xFFFF;
	s6 =	simm.s32 @!p3 $0xC  }
0x48: {  	_ =	swait.ge @!p3 [sflag:s6], $0x2000  }
0x49: {  	[sflag:s6] =	ssyncset.done @!p3 $0x0  }
0x4a: {  	s17 =	rddreg [dreg:$0x11];
	[sflag:s6] =	ssyncadd.s32 @!p3 $0xFFFFE000  }
0x4b: {  	[tilespmem:s2], [sflag:$0x8] =	stream.linear.gather [hbm4b:s17+s4], $0x40, $0x38;
	[tilespmem:$0x1E280] =	vst v63  }
0x4c: {  	s22 =	simm.s32 $0x13940  }
0x4d: {  	[tilespmem:s11], [sflag:$0x4] =	stream.indirect.gather [hbm4b:s5+s24], $0x80, s22, s24, $0xb8;
	[tilespmem:$0x1E280] =	vst v63  }
0x4e: {  	_ =	swait.ge [sflag:s13], $0x40  }
0x4f: {  	[sflag:s13] =	ssyncset.done $0x0  }
0x50: {  	[sflag:s13] =	ssyncadd.s32 $0xFFFFFFC0  }
0x51: {  	_ =	swait.ge [sflag:s26], $0x2000  }
0x52: {  	p3 =	por $0x0, $0x0;
	[sflag:s26] =	ssyncset.done $0x0  }
0x53: {  	s6 =	simm.s32 @p3 $0x6;
	[sflag:s26] =	ssyncadd.s32 $0xFFFFE000  }
0x54: {  	[spmem:s3] =	stream.indirect.scatter.add.f32 [tilespmem:s25], [sflag:$0x9], $0x80, s23, s24, $0xb8;
	[tilespmem:$0x1E280] =	vst v63  }
0x55: {  	_ =	swait.ge @p3 [sflag:s6], $0x40  }
0x56: {  	[sflag:s6] =	ssyncset.done @p3 $0x0  }
0x57: {  	s7 =	simm.s32 @p3 $0x2;
	[sflag:s6] =	ssyncadd.s32 @p3 $0xFFFFFFC0  }
0x58: {  	_ =	swait.ge @p3 [sflag:s7], $0x2000  }
0x59: {  	s8 =	simm.s32 @p3 $0x40;
	s9 =	simm.s32 @p3 $0x16100;
	[sflag:s7] =	ssyncset.done @p3 $0x0  }
0x5a: {  	s6 =	simm.s32 @p3 $0x18280;
	[sflag:s7] =	ssyncadd.s32 @p3 $0xFFFFE000;
	s7 =	simm.s32 @!p3 $0x9  }
0x5b: {  	[spmem:s3] =	stream.indirect.scatter.add.f32 @p3 [tilespmem:s6], [sflag:$0xA], $0x80, s9, s8, $0xb8;
	[tilespmem:$0x1E280] =	vst v63  }
0x5c: {  	_ =	swait.ge @!p3 [sflag:s7], $0x2000  }
0x5d: {  	s10 =	simm.s32 @!p3 $0x6;
	s8 =	simm.s32 @!p3 $0x0;
	[sflag:s7] =	ssyncset.done @!p3 $0x0  }
0x5e: {  	s9 =	simm.s32 @!p3 $0x16080;
	s15 =	rddreg [dreg:$0xf];
	[sflag:s7] =	ssyncadd.s32 @!p3 $0xFFFFE000  }
0x5f: {  	[tilespmem:s9], [sflag:$0x5] =	stream.linear.gather @!p3 [hbm4b:s15+s8], $0x40, $0x38;
	[tilespmem:$0x1E280] =	vst v63  }
0x60: {  	s6 =	simm.s32 @!p3 $0x13980;
	s7 =	simm.s32 @!p3 $0x40;
	s9 =	simm.s32 @!p3 $0x16280  }
0x61: {  	[tilespmem:s9], [sflag:$0x1] =	stream.indirect.gather @!p3 [hbm4b:s5+s7], $0x80, s6, s7, $0xb8;
	[tilespmem:$0x1E280] =	vst v63  }
0x62: {  	_ =	swait.ge @!p3 [sflag:s10], $0x40  }
0x63: {  	[sflag:s10] =	ssyncset.done @!p3 $0x0  }
0x64: {  	s6 =	simm.s32 @!p3 $0x2;
	[sflag:s10] =	ssyncadd.s32 @!p3 $0xFFFFFFC0  }
0x65: {  	_ =	swait.ge @!p3 [sflag:s6], $0x2000  }
0x66: {  	s9 =	simm.s32 @!p3 $0x16100;
	[sflag:s6] =	ssyncset.done @!p3 $0x0  }
0x67: {  	s10 =	simm.s32 @!p3 $0x18280;
	[sflag:s6] =	ssyncadd.s32 @!p3 $0xFFFFE000;
	s6 =	simm.s32 @!p3 $0xA  }
0x68: {  	[spmem:s3] =	stream.indirect.scatter.add.f32 @!p3 [tilespmem:s10], [sflag:$0xA], $0x80, s9, s7, $0xb8;
	[tilespmem:$0x1E280] =	vst v63  }
0x69: {  	_ =	swait.ge @!p3 [sflag:s6], $0x2000  }
0x6a: {  	[sflag:s6] =	ssyncset.done @!p3 $0x0  }
0x6b: {  	s16 =	rddreg [dreg:$0x10];
	[sflag:s6] =	ssyncadd.s32 @!p3 $0xFFFFE000  }
0x6c: {  	[tilespmem:s9], [sflag:$0x6] =	stream.linear.gather @!p3 [hbm4b:s16+s8], $0x40, $0x38;
	[tilespmem:$0x1E280] =	vst v63  }
0x6d: {  	s6 =	simm.s32 @!p3 $0x139C0  }
0x6e: {  	[tilespmem:s10], [sflag:$0x2] =	stream.indirect.gather @!p3 [hbm4b:s5+s7], $0x80, s6, s7, $0xb8;
	[tilespmem:$0x1E280] =	vst v63  }
0x6f: {  	_ =	swait.ge [sflag:s28], $0x40  }
0x70: {  	[sflag:s28] =	ssyncset.done $0x0  }
0x71: {  	[sflag:s28] =	ssyncadd.s32 $0xFFFFFFC0  }
0x72: {  	_ =	swait.ge [sflag:s29], $0x2000  }
0x73: {  	[sflag:s29] =	ssyncset.done $0x0  }
0x74: {  	s6 =	simm.s32 @!p3 $0xB;
	[sflag:s29] =	ssyncadd.s32 $0xFFFFE000  }
0x75: {  	[spmem:s3] =	stream.indirect.scatter.add.f32 [tilespmem:s1], [sflag:$0xB], $0x80, s30, s24, $0xb8;
	[tilespmem:$0x1E280] =	vst v63  }
0x76: {  	_ =	swait.ge @!p3 [sflag:s6], $0x2000  }
0x77: {  	[sflag:s6] =	ssyncset.done @!p3 $0x0  }
0x78: {  	s9 =	simm.s32 @!p3 $0x16180;
	s10 =	rddreg [dreg:$0x12];
	[sflag:s6] =	ssyncadd.s32 @!p3 $0xFFFFE000  }
0x79: {  	[tilespmem:s9], [sflag:$0x7] =	stream.linear.gather @!p3 [hbm4b:s10+s8], $0x40, $0x38;
	[tilespmem:$0x1E280] =	vst v63  }
0x7a: {  	s6 =	simm.s32 @!p3 $0x13A00;
	s8 =	simm.s32 @!p3 $0x1A280  }
0x7b: {  	[tilespmem:s8], [sflag:$0x3] =	stream.indirect.gather @!p3 [hbm4b:s5+s7], $0x80, s6, s7, $0xb8;
	[tilespmem:$0x1E280] =	vst v63  }
0x7c: {  	s12 =	simm.s32 $0x400;
	_ =	swait.ge [sflag:s31], $0x40  }
0x7d: {  	p6 =	por $0x0, $0x0;
	s21 =	sadd.s32 $0x20, s10;
	[sflag:s31] =	ssyncset.done $0x0  }
0x7e: {  	s9 =	simm.s32 $0x800;
	p3 =	por p6, p6;
	[sflag:s31] =	ssyncadd.s32 $0xFFFFFFC0  }
0x7f: {  	s6 =	sadd.s32 $0x20, s16;
	s8 =	sadd.s32 $0x20, s17;
	_ =	swait.ge [sflag:s0], $0x2000  }
0x80: {  	s7 =	sadd.s32 $0x20, s15;
	s10 =	simm.s32 @!p3 $0xC;
	[sflag:s0] =	ssyncset.done $0x0  }
.LBB2_6:
0x81: {  	p5 =	seq.s32 s9, $0x0  }
0x82: {  	[sflag:s0] =	ssyncadd.s32 $0xFFFFE000;
	s17 =	smov.u32 s9;
	s9 =	sadd.s32 $0x400, s9  }
0x83: {  	[spmem:s3] =	stream.indirect.scatter.add.f32 [tilespmem:s11], [sflag:$0xC], $0x80, s2, s24, $0xb8;
	[tilespmem:$0x1E280] =	vst v63  }
0x84: {  	p4 =	sne.s32 s9, $0xA000;
	_ =	swait.ge @!p3 [sflag:s10], $0x2000  }
0x85: {  	[sflag:s10] =	ssyncset.done @!p3 $0x0  }
0x86: {  	[sflag:s10] =	ssyncadd.s32 @!p3 $0xFFFFE000;
	s10 =	sshra.s32 s12, $0x2;
	p3 =	por p5, p5  }
0x87: {  	[tilespmem:s2], [sflag:$0x8] =	stream.linear.gather [hbm4b:s8+s4], $0x40, $0x38;
	[tilespmem:$0x1E280] =	vst v63  }
0x88: {  	s10 =	sadd.s32 $0x13940, s10  }
0x89: {  	[tilespmem:s11], [sflag:$0x4] =	stream.indirect.gather [hbm4b:s5+s24], $0x80, s10, s24, $0xb8;
	[tilespmem:$0x1E280] =	vst v63  }
0x8a: {  	_ =	swait.ge [sflag:s13], $0x40  }
0x8b: {  	[sflag:s13] =	ssyncset.done $0x0  }
0x8c: {  	[sflag:s13] =	ssyncadd.s32 $0xFFFFFFC0  }
0x8d: {  	_ =	swait.ge [sflag:s26], $0x2000  }
0x8e: {  	[sflag:s26] =	ssyncset.done $0x0  }
0x8f: {  	p5 =	seq.s32 s12, $0x9C00;
	[sflag:s26] =	ssyncadd.s32 $0xFFFFE000  }
0x90: {  	[spmem:s3] =	stream.indirect.scatter.add.f32 [tilespmem:s25], [sflag:$0x9], $0x80, s23, s24, $0xb8;
	[tilespmem:$0x1E280] =	vst v63  }
0x91: {  	s18 =	simm.s32 @p5 $0x6;
	s10 =	sshra.s32 @!p5 s12, $0x2;
	s12 =	smov.u32 s17  }
0x92: {  	s20 =	sadd.s32 @!p5 $0x13980, s10;
	s19 =	sadd.s32 @!p5 $0x139C0, s10;
	_ =	swait.ge @p5 [sflag:s18], $0x40  }
0x93: {  	s17 =	simm.s32 @p5 $0x2;
	s10 =	sadd.s32 @!p5 $0x13A00, s10;
	[sflag:s18] =	ssyncset.done @p5 $0x0  }
0x94: {  	[sflag:s18] =	ssyncadd.s32 @p5 $0xFFFFFFC0  }
0x95: {  	s18 =	simm.s32 @p5 $0x18280;
	_ =	swait.ge @p5 [sflag:s17], $0x2000  }
0x96: {  	s16 =	simm.s32 @p5 $0x40;
	s15 =	simm.s32 @p5 $0x16100;
	[sflag:s17] =	ssyncset.done @p5 $0x0  }
0x97: {  	s22 =	simm.s32 @!p5 $0x9;
	[sflag:s17] =	ssyncadd.s32 @p5 $0xFFFFE000  }
0x98: {  	[spmem:s3] =	stream.indirect.scatter.add.f32 @p5 [tilespmem:s18], [sflag:$0xA], $0x80, s15, s16, $0xb8;
	[tilespmem:$0x1E280] =	vst v63  }
0x99: {  	_ =	swait.ge @!p5 [sflag:s22], $0x2000  }
0x9a: {  	s17 =	simm.s32 @!p5 $0x0;
	s15 =	simm.s32 @!p5 $0x16080;
	[sflag:s22] =	ssyncset.done @!p5 $0x0  }
0x9b: {  	s18 =	simm.s32 @!p5 $0x40;
	s16 =	simm.s32 @!p5 $0x16280;
	[sflag:s22] =	ssyncadd.s32 @!p5 $0xFFFFE000  }
0x9c: {  	[tilespmem:s15], [sflag:$0x5] =	stream.linear.gather @!p5 [hbm4b:s7+s17], $0x40, $0x38;
	[tilespmem:$0x1E280] =	vst v63  }
0x9d: {  	s15 =	simm.s32 @!p5 $0x6  }
0x9e: {  	[tilespmem:s16], [sflag:$0x1] =	stream.indirect.gather @!p5 [hbm4b:s5+s18], $0x80, s20, s18, $0xb8;
	[tilespmem:$0x1E280] =	vst v63  }
0x9f: {  	_ =	swait.ge @!p5 [sflag:s15], $0x40  }
0xa0: {  	s16 =	simm.s32 @!p5 $0x2;
	[sflag:s15] =	ssyncset.done @!p5 $0x0  }
0xa1: {  	[sflag:s15] =	ssyncadd.s32 @!p5 $0xFFFFFFC0  }
0xa2: {  	_ =	swait.ge @!p5 [sflag:s16], $0x2000  }
0xa3: {  	s20 =	simm.s32 @!p5 $0x18280;
	s15 =	simm.s32 @!p5 $0x16100;
	[sflag:s16] =	ssyncset.done @!p5 $0x0  }
0xa4: {  	[sflag:s16] =	ssyncadd.s32 @!p5 $0xFFFFE000;
	s16 =	simm.s32 @!p5 $0xA  }
0xa5: {  	[spmem:s3] =	stream.indirect.scatter.add.f32 @!p5 [tilespmem:s20], [sflag:$0xA], $0x80, s15, s18, $0xb8;
	[tilespmem:$0x1E280] =	vst v63  }
0xa6: {  	_ =	swait.ge @!p5 [sflag:s16], $0x2000  }
0xa7: {  	[sflag:s16] =	ssyncset.done @!p5 $0x0  }
0xa8: {  	[sflag:s16] =	ssyncadd.s32 @!p5 $0xFFFFE000  }
0xa9: {  	[tilespmem:s15], [sflag:$0x6] =	stream.linear.gather @!p5 [hbm4b:s6+s17], $0x40, $0x38;
	[tilespmem:$0x1E280] =	vst v63  }
0xaa: {  	_ = 	snop  }
0xab: {  	[tilespmem:s20], [sflag:$0x2] =	stream.indirect.gather @!p5 [hbm4b:s5+s18], $0x80, s19, s18, $0xb8;
	[tilespmem:$0x1E280] =	vst v63  }
0xac: {  	_ =	swait.ge [sflag:s28], $0x40  }
0xad: {  	[sflag:s28] =	ssyncset.done $0x0  }
0xae: {  	[sflag:s28] =	ssyncadd.s32 $0xFFFFFFC0  }
0xaf: {  	_ =	swait.ge [sflag:s29], $0x2000  }
0xb0: {  	[sflag:s29] =	ssyncset.done $0x0  }
0xb1: {  	s15 =	simm.s32 @!p5 $0xB;
	[sflag:s29] =	ssyncadd.s32 $0xFFFFE000  }
0xb2: {  	[spmem:s3] =	stream.indirect.scatter.add.f32 [tilespmem:s1], [sflag:$0xB], $0x80, s30, s24, $0xb8;
	[tilespmem:$0x1E280] =	vst v63  }
0xb3: {  	_ =	swait.ge @!p5 [sflag:s15], $0x2000  }
0xb4: {  	s16 =	simm.s32 @!p5 $0x16180;
	[sflag:s15] =	ssyncset.done @!p5 $0x0  }
0xb5: {  	[sflag:s15] =	ssyncadd.s32 @!p5 $0xFFFFE000;
	s15 =	simm.s32 @!p5 $0x1A280  }
0xb6: {  	[tilespmem:s16], [sflag:$0x7] =	stream.linear.gather @!p5 [hbm4b:s21+s17], $0x40, $0x38;
	[tilespmem:$0x1E280] =	vst v63  }
0xb7: {  	_ = 	snop  }
0xb8: {  	[tilespmem:s15], [sflag:$0x3] =	stream.indirect.gather @!p5 [hbm4b:s5+s18], $0x80, s10, s18, $0xb8;
	[tilespmem:$0x1E280] =	vst v63  }
.Ltmp4:
0xb9: {  	_ =	swait.ge [sflag:s31], $0x40;
	(pc) =	sbr.rel @p4 .LBB2_6-.Ltmp4, $4  }
0xba: {  	[sflag:s31] =	ssyncset.done $0x0  }
0xbb: {  	s21 =	sadd.s32 $0x20, s21;
	[sflag:s31] =	ssyncadd.s32 $0xFFFFFFC0  }
0xbc: {  	s8 =	sadd.s32 $0x20, s8;
	s6 =	sadd.s32 $0x20, s6;
	_ =	swait.ge [sflag:s0], $0x2000  }
0xbd: {  	s7 =	sadd.s32 $0x20, s7;
	s10 =	simm.s32 @!p3 $0xC;
	[sflag:s0] =	ssyncset.done $0x0  }
0xbe: {  	[sflag:s0] =	ssyncadd.s32 $0xFFFFE000  }
0xbf: {  	[spmem:s3] =	stream.indirect.scatter.add.f32 [tilespmem:s11], [sflag:$0xC], $0x80, s2, s24, $0xb8;
	[tilespmem:$0x1E280] =	vst v63  }
0xc0: {  	_ =	swait.ge @!p3 [sflag:s10], $0x2000  }
0xc1: {  	[sflag:s10] =	ssyncset.done @!p3 $0x0  }
0xc2: {  	s9 =	sshra.s32 s12, $0x2;
	[sflag:s10] =	ssyncadd.s32 @!p3 $0xFFFFE000  }
0xc3: {  	[tilespmem:s2], [sflag:$0x8] =	stream.linear.gather [hbm4b:s8+s4], $0x40, $0x38;
	[tilespmem:$0x1E280] =	vst v63  }
0xc4: {  	s10 =	sadd.s32 $0x13940, s9  }
0xc5: {  	[tilespmem:s11], [sflag:$0x4] =	stream.indirect.gather [hbm4b:s5+s24], $0x80, s10, s24, $0xb8;
	[tilespmem:$0x1E280] =	vst v63  }
0xc6: {  	_ =	swait.ge [sflag:s13], $0x40  }
0xc7: {  	[sflag:s13] =	ssyncset.done $0x0  }
0xc8: {  	[sflag:s13] =	ssyncadd.s32 $0xFFFFFFC0  }
0xc9: {  	_ =	swait.ge [sflag:s26], $0x2000  }
0xca: {  	p3 =	seq.s32 s12, $0x9C00;
	[sflag:s26] =	ssyncset.done $0x0  }
0xcb: {  	s8 =	simm.s32 @p3 $0x6;
	[sflag:s26] =	ssyncadd.s32 $0xFFFFE000  }
0xcc: {  	[spmem:s3] =	stream.indirect.scatter.add.f32 [tilespmem:s25], [sflag:$0x9], $0x80, s23, s24, $0xb8;
	[tilespmem:$0x1E280] =	vst v63  }
0xcd: {  	_ =	swait.ge @p3 [sflag:s8], $0x40  }
0xce: {  	[sflag:s8] =	ssyncset.done @p3 $0x0  }
0xcf: {  	s9 =	simm.s32 @p3 $0x2;
	[sflag:s8] =	ssyncadd.s32 @p3 $0xFFFFFFC0  }
0xd0: {  	_ =	swait.ge @p3 [sflag:s9], $0x2000  }
0xd1: {  	s15 =	simm.s32 @p3 $0x16100;
	s10 =	simm.s32 @p3 $0x40;
	[sflag:s9] =	ssyncset.done @p3 $0x0  }
0xd2: {  	s8 =	simm.s32 @p3 $0x18280;
	[sflag:s9] =	ssyncadd.s32 @p3 $0xFFFFE000;
	s9 =	simm.s32 @!p3 $0x9  }
0xd3: {  	[spmem:s3] =	stream.indirect.scatter.add.f32 @p3 [tilespmem:s8], [sflag:$0xA], $0x80, s15, s10, $0xb8;
	[tilespmem:$0x1E280] =	vst v63  }
0xd4: {  	_ =	swait.ge @!p3 [sflag:s9], $0x2000  }
0xd5: {  	s8 =	sshra.s32 @!p3 s12, $0x2;
	s12 =	simm.s32 @!p3 $0x0;
	[sflag:s9] =	ssyncset.done @!p3 $0x0  }
0xd6: {  	s15 =	simm.s32 @!p3 $0x16080;
	s10 =	sadd.s32 @!p3 $0x13980, s8;
	[sflag:s9] =	ssyncadd.s32 @!p3 $0xFFFFE000  }
0xd7: {  	[tilespmem:s15], [sflag:$0x5] =	stream.linear.gather @!p3 [hbm4b:s7+s12], $0x40, $0x38;
	[tilespmem:$0x1E280] =	vst v63  }
0xd8: {  	s9 =	simm.s32 @!p3 $0x16280;
	s7 =	simm.s32 @!p3 $0x40;
	s15 =	simm.s32 @!p3 $0x6  }
0xd9: {  	[tilespmem:s9], [sflag:$0x1] =	stream.indirect.gather @!p3 [hbm4b:s5+s7], $0x80, s10, s7, $0xb8;
	[tilespmem:$0x1E280] =	vst v63  }
0xda: {  	_ =	swait.ge @!p3 [sflag:s15], $0x40  }
0xdb: {  	[sflag:s15] =	ssyncset.done @!p3 $0x0  }
0xdc: {  	s9 =	simm.s32 @!p3 $0x2;
	[sflag:s15] =	ssyncadd.s32 @!p3 $0xFFFFFFC0  }
0xdd: {  	_ =	swait.ge @!p3 [sflag:s9], $0x2000  }
0xde: {  	s10 =	simm.s32 @!p3 $0x16100;
	[sflag:s9] =	ssyncset.done @!p3 $0x0  }
0xdf: {  	s15 =	simm.s32 @!p3 $0x18280;
	[sflag:s9] =	ssyncadd.s32 @!p3 $0xFFFFE000;
	s9 =	simm.s32 @!p3 $0xA  }
0xe0: {  	[spmem:s3] =	stream.indirect.scatter.add.f32 @!p3 [tilespmem:s15], [sflag:$0xA], $0x80, s10, s7, $0xb8;
	[tilespmem:$0x1E280] =	vst v63  }
0xe1: {  	_ =	swait.ge @!p3 [sflag:s9], $0x2000  }
0xe2: {  	[sflag:s9] =	ssyncset.done @!p3 $0x0  }
0xe3: {  	[sflag:s9] =	ssyncadd.s32 @!p3 $0xFFFFE000  }
0xe4: {  	[tilespmem:s10], [sflag:$0x6] =	stream.linear.gather @!p3 [hbm4b:s6+s12], $0x40, $0x38;
	[tilespmem:$0x1E280] =	vst v63  }
0xe5: {  	s6 =	sadd.s32 @!p3 $0x139C0, s8  }
0xe6: {  	[tilespmem:s15], [sflag:$0x2] =	stream.indirect.gather @!p3 [hbm4b:s5+s7], $0x80, s6, s7, $0xb8;
	[tilespmem:$0x1E280] =	vst v63  }
0xe7: {  	_ =	swait.ge [sflag:s28], $0x40  }
0xe8: {  	[sflag:s28] =	ssyncset.done $0x0  }
0xe9: {  	[sflag:s28] =	ssyncadd.s32 $0xFFFFFFC0  }
0xea: {  	_ =	swait.ge [sflag:s29], $0x2000  }
0xeb: {  	[sflag:s29] =	ssyncset.done $0x0  }
0xec: {  	s6 =	simm.s32 @!p3 $0xB;
	[sflag:s29] =	ssyncadd.s32 $0xFFFFE000  }
0xed: {  	[spmem:s3] =	stream.indirect.scatter.add.f32 [tilespmem:s1], [sflag:$0xB], $0x80, s30, s24, $0xb8;
	[tilespmem:$0x1E280] =	vst v63  }
0xee: {  	_ =	swait.ge @!p3 [sflag:s6], $0x2000  }
0xef: {  	[sflag:s6] =	ssyncset.done @!p3 $0x0  }
0xf0: {  	[sflag:s6] =	ssyncadd.s32 @!p3 $0xFFFFE000;
	s6 =	simm.s32 @!p3 $0x16180  }
0xf1: {  	[tilespmem:s6], [sflag:$0x7] =	stream.linear.gather @!p3 [hbm4b:s21+s12], $0x40, $0x38;
	[tilespmem:$0x1E280] =	vst v63  }
0xf2: {  	s6 =	sadd.s32 @!p3 $0x13A00, s8;
	s8 =	simm.s32 @!p3 $0x1A280  }
0xf3: {  	[tilespmem:s8], [sflag:$0x3] =	stream.indirect.gather @!p3 [hbm4b:s5+s7], $0x80, s6, s7, $0xb8;
	[tilespmem:$0x1E280] =	vst v63  }
0xf4: {  	_ =	swait.ge [sflag:s31], $0x40  }
0xf5: {  	[sflag:s31] =	ssyncset.done $0x0  }
0xf6: {  	[sflag:s31] =	ssyncadd.s32 $0xFFFFFFC0  }
0xf7: {  	_ =	swait.ge [sflag:s0], $0x2000  }
0xf8: {  	[sflag:s0] =	ssyncset.done $0x0  }
0xf9: {  	s15 =	simm.s32 $0x9;
	[sflag:s0] =	ssyncadd.s32 $0xFFFFE000  }
0xfa: {  	[spmem:s3] =	stream.indirect.scatter.add.f32 [tilespmem:s11], [sflag:$0xC], $0x80, s2, s24, $0xb8;
	[tilespmem:$0x1E280] =	vst v63  }
0xfb: {  	_ =	swait.ge [sflag:s15], $0x2000  }
0xfc: {  	[sflag:s15] =	ssyncset.done $0x0  }
0xfd: {  	s16 =	simm.s32 $0xA;
	[sflag:s15] =	ssyncadd.s32 $0xFFFFE000  }
0xfe: {  	_ =	swait.ge [sflag:s16], $0x2000  }
0xff: {  	[sflag:s16] =	ssyncset.done $0x0  }
0x100: {  	s17 =	simm.s32 $0xB;
	[sflag:s16] =	ssyncadd.s32 $0xFFFFE000  }
0x101: {  	_ =	swait.ge [sflag:s17], $0x2000  }
0x102: {  	[sflag:s17] =	ssyncset.done $0x0  }
0x103: {  	s18 =	simm.s32 $0xC;
	[sflag:s17] =	ssyncadd.s32 $0xFFFFE000  }
0x104: {  	_ =	swait.ge [sflag:s18], $0x2000  }
0x105: {  	[sflag:s18] =	ssyncset.done $0x0  }
0x106: {  	[sflag:s18] =	ssyncadd.s32 $0xFFFFE000  }
0x107: {  	[bflag:$0x0] =	sbarrier.arrive $0xFFFF  }
0x108: {  	s19 =	rddreg [dreg:$0x13]  }
0x109: {  	s20 =	rddreg [dreg:$0xc]  }
0x10a: {  	s9 =	simm.s32 $0xD;
	s21 =	rddreg [dreg:$0x14];
	s6 =	sor.u32 $0x1C0D, s19  }
0x10b: {  	[hbm:s20], [sflag:s6] =	dma.local [spmem:s21], $0x2700  }
0x10c: {  	_ =	swait.ge [sflag:s9], $0x2700  }
0x10d: {  	[sflag:s9] =	ssyncset.done $0x0;
	s7 =	rddreg [dreg:$0xa]  }
0x10e: {  	s8 =	rddreg [dreg:$0xd];
	[sflag:s9] =	ssyncadd.s32 $0xFFFFD900;
	s7 =	sshrl.u32 @!p2 s7, $0x3  }
0x10f: {  	[hbm:s8], [sflag:s6] =	dma.local @!p2 [spmem:s7], $0x100  }
0x110: {  	s6 =	simm.s32 @!p2 $0xD  }
0x111: {  	_ =	swait.ge @!p2 [sflag:s6], $0x100  }
0x112: {  	s14 =	sadd.s32 $0x1, s14;
	s22 =	rddreg [dreg:$0xe]  }
0x113: {  	p3 =	sne.s32 s14, s22  }
.Ltmp5:
0x114: {  	_ = 	snop;
	(pc) =	sbr.rel @p3 .LBB2_1-.Ltmp5, $3  }
0x115: {  	_ =	sdelay $0x1  }
0x116: {  	[sflag:s6] =	ssyncset.done @!p2 $0x0  }
0x117: {  	[sflag:s6] =	ssyncadd.s32 @!p2 $0xFFFFFF00  }
0x118: {  	_ =	sfence.sel $0x180000  }
0x119: {  	[bflag:$0x0] =	sbarrier.arrive $0xFFFF  }
0x11a: {  	_ =	strace $0x9000004A  }
0x11b: {  	s0 =	stileid.u32;
	[bflag:$0x2] =	sbarrier.arrive $0xFFFF  }
0x11c: {  	p0 =	sne.s32 s0, $0x0;
	s0 =	rddreg [dreg:$0x3]  }
0x11d: {  	s0 =	sadd.s32 @!p0 $0x100000, s0  }
0x11e: {  	[sflag:s0] =	ssyncadd.tile.s32 @!p0 $0x1;
	_ =	shalt  }
.Lfunc_end2:
_tile_overlayer_lowered:
.L_overlay_start_2:
0x11f: {  	(tag) =	ssettag $0x2  }
0x120: {  	s0 =	rddreg [dreg:$0x0];
	s2 =	stileid.u32  }
0x121: {  	s1 =	rddreg [dreg:$0x1];
	p0 =	sne.s32 s2, $0x0  }
0x122: {  	s3 =	rddreg [dreg:$0x2];
	[bflag:$0x3] =	sbarrier.arrive $0xFFFF;
	s2 =	simm.s32 @!p0 $0x1C0D  }
0x123: {  	[timem:s3], [sflag:s2] =	dma.local @!p0 [hbm:s0], s1  }
0x124: {  	s0 =	simm.s32 @!p0 $0xD  }
0x125: {  	_ =	swait.ge @!p0 [sflag:s0], s1  }
0x126: {  	s1 =	ssub.s32 @!p0 $0x0, s1;
	[sflag:s0] =	ssyncset.done @!p0 $0x0  }
0x127: {  	[sflag:s0] =	ssyncadd.s32 @!p0 s1  }
0x128: {  	[bflag:$0x3] =	sbarrier.arrive $0xFFFF  }
0x129: {  	_ =	shalt  }

// kernel: kernel.14.cloned.1.call-start
scs
__scs_entry_jumppad:
0x0: {  	(pc) =	sbr.rel $0x88, $3  }
0x1: {  	(tag) =	ssettag $0x0;
	lr =	simm.s32 $0x1  }
0x2: {  	[smem:$0x3F9D] =	sst lr;
	_ =	strace $0xD0000000  }
0x3: {  	_ = 	snop  }
0x4: {  	_ = 	snop  }
0x5: {  	_ = 	snop  }
0x6: {  	_ = 	snop  }
0x7: {  	_ = 	snop  }
__scs_overlays_trampoline_lowered:
0x8: {  	[smem:$0x3FAC] =	sst s0  }
0x9: {  	[smem:$0x3FAD] =	sst s1  }
0xa: {  	[smem:$0x3FAE] =	sst s2  }
0xb: {  	[smem:$0x3FAF] =	sst s3  }
0xc: {  	[smem:$0x3FB0] =	sst s4  }
0xd: {  	[smem:$0x3FB1] =	sst s5  }
0xe: {  	[smem:$0x3FB2] =	sst s6  }
0xf: {  	[smem:$0x3FB3] =	sst s7  }
0x10: {  	[smem:$0x3FB4] =	sst s8  }
0x11: {  	[smem:$0x3FB5] =	sst s9;
	s0 =	simm.s32 @!p0 $0x0  }
0x12: {  	s1 =	sld [smem:$0x3F9B];
	s0 =	simm.s32 @p0 $0x1  }
0x13: {  	[smem:$0x3FB6] =	sst s0;
	s0 =	simm.s32 @!p1 $0x0  }
0x14: {  	s2 =	sld [smem:$0x3F9A];
	s0 =	simm.s32 @p1 $0x1  }
0x15: {  	[smem:$0x3FB7] =	sst s0;
	s0 =	simm.s32 @!p2 $0x0  }
0x16: {  	s3 =	sld [smem:$0x3FDB];
	s0 =	simm.s32 @p2 $0x1  }
0x17: {  	s4 =	simm.s32 $0x1BF5;
	[smem:$0x3FB9] =	sst s0  }
0x18: {  	s0 =	sld [smem:$0x3F9C];
	_ =	swait.ge [sflag:s4], $0x0  }
0x19: {  	s7 =	sld [smem:$0x3F9D]  }
0x1a: {  	s8 =	sadd.s32 $0xFFFFE003, lr  }
0x1b: {  	s9 =	sadd.s32 $0xFFFFFEF7, lr;
	s5 =	simm.s32 $0xFFFFFFFF;
	p2 =	slt.u32 s8, $0xFFFFF086  }
0x1c: {  	p1 =	slt.u32 s9, $0xF7A;
	s5 =	simm.s32 @!p2 $0x0  }
0x1d: {  	s5 =	simm.s32 @p1 $0x1;
	p0 =	seq.s32 s7, s2  }
0x1e: {  	s7 =	smul.u32 @!p0 $0xF7A, s2;
	p2 =	seq.s32 @!p0 s5, $0x0  }
0x1f: {  	s9 =	smul.u32 $0xF7A, s1;
	s8 =	simm.s32 @!p0 $0x1BF5;
	p2 =	por !p2, p0  }
0x20: {  	[sflag:s8] =	ssyncset.s32 @!p0 $0xFFFFF086;
	s6 =	sadd.s32 @!p0 s3, s7;
	s7 =	simm.s32 @!p0 $0x108  }
0x21: {  	s3 =	sadd.s32 s3, s9;
	s6 =	sadd.s32 @!p0 $0x88, s6;
	s7 =	simm.s32 @p2 $0x1082  }
0x22: {  	[simem:s7], [sflag:s8] =	dma.local @!p0 [hbm:s6], $0xF7A  }
0x23: {  	s9 =	sor.u32 $0xD0000000, s2;
	s6 =	simm.s32 $0x108;
	_ =	swait.ge @!p0 [sflag:s8], $0x0  }
0x24: {  	s3 =	sadd.s32 $0x88, s3;
	s6 =	simm.s32 @!p1 $0x1082;
	[sflag:s4] =	ssyncset.s32 $0xFFFFF086  }
0x25: {  	[simem:s6], [sflag:s4] =	dma.local [hbm:s3], $0xF7A  }
0x26: {  	[smem:$0x3F9D] =	sst s1;
	(tag) =	ssettag s2;
	_ =	strace s9  }
0x27: {  	s1 =	sld [smem:$0x3FAD]  }
0x28: {  	s2 =	sld [smem:$0x3FAE]  }
0x29: {  	s4 =	sld [smem:$0x3FB0]  }
0x2a: {  	p0 =	seq.s32 s5, $0x0;
	s5 =	sld [smem:$0x3FB1]  }
0x2b: {  	s6 =	sld [smem:$0x3FB2]  }
0x2c: {  	s7 =	sld [smem:$0x3FB3]  }
0x2d: {  	s3 =	simm.s32 $0x108;
	s8 =	sld [smem:$0x3FB4]  }
0x2e: {  	s3 =	simm.s32 @!p0 $0x1082;
	s9 =	sld [smem:$0x3FB5]  }
0x2f: {  	lr =	sadd.s32 s0, s3;
	s0 =	sld [smem:$0x3FAC]  }
0x30: {  	s3 =	sld [smem:$0x3FAF]  }
0x31: {  	[smem:$0x3FB8] =	sst s10  }
0x32: {  	s10 =	sld [smem:$0x3FB6];
	_ =	sdelay $0x3  }
0x33: {  	p0 =	seq.s32 s10, $0x1;
	s10 =	sld [smem:$0x3FB8];
	_ =	sdelay $0x3  }
0x34: {  	[smem:$0x3FB8] =	sst s10  }
0x35: {  	s10 =	sld [smem:$0x3FB7];
	_ =	sdelay $0x3  }
0x36: {  	p1 =	seq.s32 s10, $0x1;
	s10 =	sld [smem:$0x3FB8];
	_ =	sdelay $0x3  }
0x37: {  	[smem:$0x3FB8] =	sst s10  }
0x38: {  	s10 =	sld [smem:$0x3FB9]  }
0x39: {  	_ = 	snop;
	(pc) =	sbr.ind lr, $3  }
0x3a: {  	_ = 	snop  }
0x3b: {  	_ = 	snop  }
0x3c: {  	p2 =	seq.s32 s10, $0x1;
	s10 =	sld [smem:$0x3FB8]  }
0x3d: {  	_ =	shalt  }
0x3e: {  	_ =	shalt  }
0x3f: {  	_ =	shalt  }
0x40: {  	_ =	shalt  }
0x41: {  	_ =	shalt  }
0x42: {  	_ =	shalt  }
0x43: {  	_ =	shalt  }
0x44: {  	_ =	shalt  }
0x45: {  	_ =	shalt  }
0x46: {  	_ =	shalt  }
0x47: {  	_ =	shalt  }
0x48: {  	_ =	shalt  }
0x49: {  	_ =	shalt  }
0x4a: {  	_ =	shalt  }
0x4b: {  	_ =	shalt  }
0x4c: {  	_ =	shalt  }
0x4d: {  	_ =	shalt  }
0x4e: {  	_ =	shalt  }
0x4f: {  	_ =	shalt  }
0x50: {  	_ =	shalt  }
0x51: {  	_ =	shalt  }
0x52: {  	_ =	shalt  }
0x53: {  	_ =	shalt  }
0x54: {  	_ =	shalt  }
0x55: {  	_ =	shalt  }
0x56: {  	_ =	shalt  }
0x57: {  	_ =	shalt  }
0x58: {  	_ =	shalt  }
0x59: {  	_ =	shalt  }
0x5a: {  	_ =	shalt  }
0x5b: {  	_ =	shalt  }
0x5c: {  	_ =	shalt  }
0x5d: {  	_ =	shalt  }
0x5e: {  	_ =	shalt  }
0x5f: {  	_ =	shalt  }
0x60: {  	_ =	shalt  }
0x61: {  	_ =	shalt  }
0x62: {  	_ =	shalt  }
0x63: {  	_ =	shalt  }
0x64: {  	_ =	shalt  }
0x65: {  	_ =	shalt  }
0x66: {  	_ =	shalt  }
0x67: {  	_ =	shalt  }
0x68: {  	_ =	shalt  }
0x69: {  	_ =	shalt  }
0x6a: {  	_ =	shalt  }
0x6b: {  	_ =	shalt  }
0x6c: {  	_ =	shalt  }
0x6d: {  	_ =	shalt  }
0x6e: {  	_ =	shalt  }
0x6f: {  	_ =	shalt  }
0x70: {  	_ =	shalt  }
0x71: {  	_ =	shalt  }
0x72: {  	_ =	shalt  }
0x73: {  	_ =	shalt  }
0x74: {  	_ =	shalt  }
0x75: {  	_ =	shalt  }
0x76: {  	_ =	shalt  }
0x77: {  	_ =	shalt  }
0x78: {  	_ =	shalt  }
0x79: {  	_ =	shalt  }
0x7a: {  	_ =	shalt  }
0x7b: {  	_ =	shalt  }
0x7c: {  	_ =	shalt  }
0x7d: {  	_ =	shalt  }
0x7e: {  	_ =	shalt  }
0x7f: {  	_ =	shalt  }
0x80: {  	_ =	shalt  }
0x81: {  	_ =	shalt  }
0x82: {  	_ =	shalt  }
0x83: {  	_ =	shalt  }
0x84: {  	_ =	shalt  }
0x85: {  	_ =	shalt  }
0x86: {  	_ =	shalt  }
0x87: {  	_ =	shalt  }
.Lfunc_end0:
.L_simem_size_0:
called_computation.2_lowered:
.L_overlay_start_0:
0x88: {  	s2 =	sld [smem:$0x3FD9]  }
0x89: {  	s3 =	sld [smem:$0x3FFE];
	_ =	sdelay $0x1  }
0x8a: {  	s1 =	srdreg.scid  }
0x8b: {  	s0 =	sand.u32 $0x1, s1  }
0x8c: {  	s17 =	sshll.u32 s0, $0xA;
	s2 =	sadd.s32 s3, s2  }
0x8d: {  	s2 =	sadd.s32 s2, s17  }
0x8e: {  	[smem:$0x3FC4] =	sst s2  }
0x8f: {  	_ = 	snop  }
0x90: {  	s2 =	sld [smem:$0x3FD0];
	(tm) =	ssettm $0x1  }
0x91: {  	s18 =	sld [smem:$0x3FFB];
	_ =	sdelay $0x3  }
0x92: {  	_ =	strace s18  }
0x93: {  	s3 =	sld [smem:$0x3FFC];
	_ =	sdelay $0x3  }
0x94: {  	_ =	strace s3  }
0x95: {  	s3 =	sld [smem:$0x3FFD];
	_ =	sdelay $0x3  }
0x96: {  	_ =	strace s3  }
0x97: {  	_ =	strace $0x8FFFFFFF  }
0x98: {  	s19 =	sld [smem:$0x3FDB];
	_ =	sdelay $0x1  }
0x99: {  	s4 =	simm.s32 $_scs_section_size  }
0x9a: {  	s5 =	simm.s32 $_size__tile_overlayer_lowered;
	s6 =	simm.s32 $_tile_overlayer_lowered  }
0x9b: {  	s22 =	simm.s32 $0x1BFF;
	s21 =	sshll.u32 s6, $0x1;
	s3 =	sadd.s32 s4, s19  }
0x9c: {  	s7 =	simm.s32 $0x0;
	s20 =	sshll.u32 s5, $0x1;
	s5 =	sadd.s32 s21, s3  }
0x9d: {  	[timem:s7], [sflag:s22] =	dma.local [hbm:s5], s20  }
0x9e: {  	_ =	swait.ge [sflag:s22], s20  }
0x9f: {  	s4 =	ssub.s32 $0x0, s20;
	[sflag:s22] =	ssyncset.done $0x0  }
0xa0: {  	[sflag:s22] =	ssyncadd.s32 s4;
	_ =	sdelay $0x1  }
0xa1: {  	s23 =	simm.s32 $0x1B8B  }
0xa2: {  	_ =	swait.ge [sflag:s23], $0x1  }
0xa3: {  	[sflag:s23] =	ssyncset.done $0x0  }
0xa4: {  	s25 =	simm.s32 $0x1B8E;
	s24 =	sld [smem:$0x3FFE];
	[sflag:s23] =	ssyncadd.s32 $0xFFFFFFFF  }
0xa5: {  	s26 =	simm.s32 $execute0_lowered;
	[smem:$0x3FD2] =	sst s25  }
0xa6: {  	s5 =	sshll.u32 s26, $0x1;
	_ =	strace $0x8000004C;
	[dreg:$0x1] =	wrdreg $0xFFFFFFFF  }
0xa7: {  	s28 =	simm.s32 $_size_execute0_lowered;
	s3 =	sadd.s32 s3, s5;
	[dreg:$0x0] =	wrdreg $0x0  }
0xa8: {  	s5 =	sshll.u32 s28, $0x1;
	[dreg:$0x2] =	wrdreg s3  }
0xa9: {  	[dreg:$0x3] =	wrdreg s5  }
0xaa: {  	[dreg:$0x4] =	wrdreg $0xC0  }
0xab: {  	_ =	task [dreg:s7], $0x5FFFF  }
0xac: {  	[dreg:$0x1] =	wrdreg $0xFFFFFFFF  }
0xad: {  	[dreg:$0x0] =	wrdreg $0x60  }
0xae: {  	[dreg:$0x2] =	wrdreg s24  }
0xaf: {  	[dreg:$0x3] =	wrdreg s2  }
0xb0: {  	[dreg:$0x4] =	wrdreg $0x0  }
0xb1: {  	[dreg:$0x5] =	wrdreg $0x9  }
0xb2: {  	_ =	task.clear_ibuf [dreg:s7], $0x6FFFF;
	_ =	strace $0x9000004C  }
0xb3: {  	s29 =	simm.s32 $0x9;
	_ =	strace $0x8000004E  }
0xb4: {  	_ =	swait.ge [sflag:s29], $0x1  }
0xb5: {  	[sflag:s29] =	ssyncadd.s32 $0xFFFFFFFF  }
0xb6: {  	_ =	strace $0x9000004E  }
0xb7: {  	_ =	sfence  }
0xb8: {  	s30 =	sld [smem:$0x0];
	_ =	sdelay $0x2  }
0xb9: {  	s31 =	sshll.u32 s1, $0xD;
	s1 =	sshrl.u32 s1, $0x2  }
0xba: {  	s3 =	sand.u32 $0x4000, s31;
	s1 =	sadd.s32 s1, s30  }
0xbb: {  	s0 =	sor.u32 s3, s0;
	s1 =	sshll.u32 s1, $0x11  }
0xbc: {  	s0 =	sor.u32 s1, s0  }
0xbd: {  	s0 =	sadd.s32 $0x8F2B, s0  }
0xbe: {  	[sflag:s0] =	ssyncadd.remote.s32 $0x1  }
0xbf: {  	_ =	sfence.sel $0xFFFF  }
0xc0: {  	[dreg:$0x0] =	wrdreg $0xFFFFFFFF;
	(pc) =	sbr.abs _section_cstart, $3  }
0xc1: {  	[dreg:$0x1] =	wrdreg $0xFFFFFFFF  }
0xc2: {  	_ =	task.clear_ibuf [dreg:s7], $0x2FFFF;
	_ =	strace $0x9FFFFFFF  }
0xc3: {  	(tm) =	ssettm $0x7FFFFFFF  }
tec
execute0_lowered:
.L_overlay_start_1:
0x0: {  	(tag) =	ssettag $0x1  }
0x1: {  	s0 =	srdreg.scid;
	s1 =	rddreg [dreg:$0x0]  }
0x2: {  	s14 =	rddreg [dreg:$0x1];
	s13 =	stileid.u32  }
0x3: {  	s3 =	rddreg [dreg:$0x2];
	s4 =	simm.s32 $0x0;
	s30 =	simm.s32 $0x16180  }
0x4: {  	s28 =	simm.s32 $0x7;
	s29 =	simm.s32 $0x3;
	s7 =	smul.u32 $0x4E000, s13  }
0x5: {  	s31 =	simm.s32 $0x8;
	s0 =	sand.u32 $0x1, s0;
	s10 =	smul.u32 $0x2700, s13  }
0x6: {  	[smem:$0x7FF] =	sst s4;
	s5 =	sadd.s32 $0x1FA00, s1;
	s23 =	smul.u32 $0x13800, s13  }
0x7: {  	s8 =	sadd.s32 $0x15A00, s1;
	s26 =	smul.u32 $0x2800, s13;
	s16 =	sadd.s32 $0x138000, s3  }
0x8: {  	p1 =	seq.s32 s13, $0xF;
	p2 =	sne.s32 s13, $0xF;
	s2 =	sshll.u32 s0, $0x4  }
0x9: {  	_ =	strace $0x8000004D;
	s9 =	ssub.s32 $0x2, s0;
	s12 =	smul.u32 $0x138800, s0  }
0xa: {  	s25 =	smul.u32 $0x28000, s0;
	[dreg:$0xa] =	wrdreg s16;
	p0 =	sne.s32 s0, $0x0  }
0xb: {  	s0 =	simm.s32 $0x4;
	s2 =	sor.u32 s13, s2;
	s11 =	sshrl.u32 s9, $0x1  }
0xc: {  	s7 =	sshrl.u32 s7, $0x2;
	s15 =	sadd.s32 s14, s10;
	s17 =	sadd.s32 s5, s10  }
0xd: {  	s13 =	simm.s32 $0x5;
	s14 =	simm.s32 $0x0;
	[dreg:$0x9] =	wrdreg s15  }
0xe: {  	s2 =	smul.u32 $0x2800, s2;
	s7 =	sadd.s32 s7, s3;
	[dreg:$0xb] =	wrdreg s17  }
0xf: {  	s9 =	ssub.s32 s9, s11;
	s18 =	sshrl.u32 s12, $0x3;
	[dreg:$0x8] =	wrdreg s7  }
0x10: {  	s21 =	smax.u32 s9, $0x1;
	s9 =	simm.s32 $0xD;
	s2 =	sshrl.u32 s2, $0x3  }
0x11: {  	[dreg:$0xe] =	wrdreg s21;
	s6 =	sadd.s32 s2, s1;
	s22 =	sadd.s32 s8, s2  }
0x12: {  	s1 =	sadd.s32 $0x46C00, s1;
	s6 =	sadd.s32 $0xBA00, s6;
	[dreg:$0x4] =	wrdreg s22  }
0x13: {  	s2 =	sadd.s32 s23, s12;
	s24 =	sadd.s32 $0x8, s22;
	[dreg:$0x5] =	wrdreg s6  }
0x14: {  	s11 =	sadd.s32 $0x10, s22;
	s2 =	sshrl.u32 s2, $0x3;
	[dreg:$0x6] =	wrdreg s24  }
0x15: {  	[dreg:$0x7] =	wrdreg s11;
	s6 =	sadd.s32 s26, s25;
	s2 =	sadd.s32 s1, s2  }
0x16: {  	s1 =	sadd.s32 s1, s18;
	s11 =	simm.s32 $0x1C280;
	s19 =	sor.u32 $0x100, s6  }
0x17: {  	[dreg:$0xc] =	wrdreg s2;
	s1 =	sadd.s32 $0x27000, s1;
	s23 =	sor.u32 $0x140, s6  }
0x18: {  	s24 =	sor.u32 $0xC0, s6;
	s6 =	sor.u32 $0x180, s6;
	s20 =	sshrl.u32 s19, $0x3  }
0x19: {  	[dreg:$0xd] =	wrdreg s1;
	s1 =	sshrl.u32 s23, $0x3;
	s22 =	sadd.s32 s20, s8  }
0x1a: {  	s2 =	sshrl.u32 s24, $0x3;
	s1 =	sadd.s32 s1, s8;
	[dreg:$0xf] =	wrdreg s22  }
0x1b: {  	s6 =	sshrl.u32 s6, $0x3;
	s25 =	sadd.s32 s2, s8;
	[dreg:$0x10] =	wrdreg s1  }
0x1c: {  	s23 =	simm.s32 $0x16080;
	s26 =	sadd.s32 s6, s8;
	[dreg:$0x11] =	wrdreg s25  }
0x1d: {  	s24 =	simm.s32 $0x40;
	s2 =	simm.s32 $0x16200;
	[dreg:$0x12] =	wrdreg s26  }
0x1e: {  	s25 =	simm.s32 $0x16280;
	s1 =	simm.s32 $0x1A280;
	s26 =	simm.s32 $0x1  }
.LBB2_1:
0x1f: {  	s6 =	rddreg [dreg:$0x5];
	s7 =	simm.s32 $0x13880  }
0x20: {  	[tilespmem:s7], [sflag:$0xD] =	stream.linear.gather [hbm4b:s6+s4], $0x2800, $0x38;
	[tilespmem:$0x1E280] =	vst v63  }
0x21: {  	_ =	swait.ge [sflag:s9], $0x2800  }
0x22: {  	[sflag:s9] =	ssyncset.done $0x0  }
0x23: {  	s12 =	rddreg [dreg:$0x4];
	[sflag:s9] =	ssyncadd.s32 $0xFFFFD800  }
0x24: {  	[tilespmem:s23], [sflag:$0x5] =	stream.linear.gather [hbm4b:s12+s4], $0x40, $0x38;
	[tilespmem:$0x1E280] =	vst v63  }
0x25: {  	_ = 	snop  }
0x26: {  	[tilespmem:s25], [sflag:$0x1] =	stream.indirect.gather [hbm4b:s5+s24], $0x80, s7, s24, $0xb8;
	[tilespmem:$0x1E280] =	vst v63  }
0x27: {  	s16 =	simm.s32 $0x16100;
	s17 =	simm.s32 $0x138C0;
	s15 =	rddreg [dreg:$0x6]  }
0x28: {  	[tilespmem:s16], [sflag:$0x6] =	stream.linear.gather [hbm4b:s15+s4], $0x40, $0x38;
	[tilespmem:$0x1E280] =	vst v63  }
0x29: {  	s18 =	simm.s32 $0x18280;
	s21 =	stileid.u32;
	s22 =	rddreg [dreg:$0x8]  }
0x2a: {  	[tilespmem:s18], [sflag:$0x2] =	stream.indirect.gather [hbm4b:s5+s24], $0x80, s17, s24, $0xb8;
	[tilespmem:$0x1E280] =	vst v63  }
.Ltmp0:
0x2b: {  	s19 =	rddreg [dreg:$0x7];
	s8 =	sshrl.u32 s22, $0x3;
	(pc) =	sbr.rel @p0 .LBB2_3-.Ltmp0, $4  }
0x2c: {  	[dreg:$0x14] =	wrdreg s8;
	s7 =	sshll.u32 s21, $0x6  }
0x2d: {  	[tilespmem:s30], [sflag:$0x7] =	stream.linear.gather [hbm4b:s19+s4], $0x40, $0x38;
	[tilespmem:$0x1E280] =	vst v63  }
0x2e: {  	s20 =	simm.s32 $0x13900;
	s6 =	sor.u32 $0x1C0D, s7;
	[dreg:$0x13] =	wrdreg s7  }
0x2f: {  	[tilespmem:s1], [sflag:$0x3] =	stream.indirect.gather [hbm4b:s5+s24], $0x80, s20, s24, $0xb8;
	[tilespmem:$0x1E280] =	vst v63  }
0x30: {  	s6 =	sor.u32 $0x1C0D, s7;
	s22 =	rddreg [dreg:$0xb]  }
0x31: {  	[spmem:s8], [sflag:s6] =	dma.local [hbm:s22], $0x2700  }
.Ltmp1:
0x32: {  	_ = 	snop;
	(pc) =	sbr.rel @p1 .LBB2_4-.Ltmp1, $4  }
.Ltmp2:
0x33: {  	_ = 	snop;
	(pc) =	sbr.rel @!p1 .LBB2_5-.Ltmp2, $4  }
0x34: {  	_ =	swait.ge [sflag:s9], $0x2700  }
0x35: {  	[sflag:s9] =	ssyncset.done $0x0  }
0x36: {  	s7 =	smov.u32 s5;
	[sflag:s9] =	ssyncadd.s32 $0xFFFFD900  }
0x37: {  	_ = 	snop  }
.LBB2_3:
0x38: {  	s7 =	rddreg [dreg:$0x9]  }
0x39: {  	[spmem:s8], [sflag:s6] =	dma.local [hbm:s7], $0x2700  }
.Ltmp3:
0x3a: {  	_ = 	snop;
	(pc) =	sbr.rel @p2 .LBB2_5-.Ltmp3, $4  }
0x3b: {  	_ =	swait.ge [sflag:s9], $0x2700  }
0x3c: {  	[sflag:s9] =	ssyncset.done $0x0  }
0x3d: {  	[sflag:s9] =	ssyncadd.s32 $0xFFFFD900  }
0x3e: {  	s7 =	rddreg [dreg:$0x1]  }
.LBB2_4:
0x3f: {  	s8 =	rddreg [dreg:$0xa]  }
0x40: {  	s7 =	sadd.s32 $0x27000, s7;
	s8 =	sshrl.u32 s8, $0x3  }
0x41: {  	[spmem:s8], [sflag:s6] =	dma.local [hbm:s7], $0x100  }
0x42: {  	_ =	swait.ge [sflag:s9], $0x100  }
0x43: {  	[sflag:s9] =	ssyncset.done $0x0  }
0x44: {  	[sflag:s9] =	ssyncadd.s32 $0xFFFFFF00  }
.LBB2_5:
0x45: {  	p3 =	por $0x1, $0x1  }
0x46: {  	p3 =	por p3, p3  }
0x47: {  	[bflag:$0x0] =	sbarrier.arrive $0xFFFF;
	s6 =	simm.s32 @!p3 $0xC  }
0x48: {  	_ =	swait.ge @!p3 [sflag:s6], $0x2000  }
0x49: {  	[sflag:s6] =	ssyncset.done @!p3 $0x0  }
0x4a: {  	s17 =	rddreg [dreg:$0x11];
	[sflag:s6] =	ssyncadd.s32 @!p3 $0xFFFFE000  }
0x4b: {  	[tilespmem:s2], [sflag:$0x8] =	stream.linear.gather [hbm4b:s17+s4], $0x40, $0x38;
	[tilespmem:$0x1E280] =	vst v63  }
0x4c: {  	s22 =	simm.s32 $0x13940  }
0x4d: {  	[tilespmem:s11], [sflag:$0x4] =	stream.indirect.gather [hbm4b:s5+s24], $0x80, s22, s24, $0xb8;
	[tilespmem:$0x1E280] =	vst v63  }
0x4e: {  	_ =	swait.ge [sflag:s13], $0x40  }
0x4f: {  	[sflag:s13] =	ssyncset.done $0x0  }
0x50: {  	[sflag:s13] =	ssyncadd.s32 $0xFFFFFFC0  }
0x51: {  	_ =	swait.ge [sflag:s26], $0x2000  }
0x52: {  	p3 =	por $0x0, $0x0;
	[sflag:s26] =	ssyncset.done $0x0  }
0x53: {  	s6 =	simm.s32 @p3 $0x6;
	[sflag:s26] =	ssyncadd.s32 $0xFFFFE000  }
0x54: {  	[spmem:s3] =	stream.indirect.scatter.add.f32 [tilespmem:s25], [sflag:$0x9], $0x80, s23, s24, $0xb8;
	[tilespmem:$0x1E280] =	vst v63  }
0x55: {  	_ =	swait.ge @p3 [sflag:s6], $0x40  }
0x56: {  	[sflag:s6] =	ssyncset.done @p3 $0x0  }
0x57: {  	s7 =	simm.s32 @p3 $0x2;
	[sflag:s6] =	ssyncadd.s32 @p3 $0xFFFFFFC0  }
0x58: {  	_ =	swait.ge @p3 [sflag:s7], $0x2000  }
0x59: {  	s8 =	simm.s32 @p3 $0x40;
	s9 =	simm.s32 @p3 $0x16100;
	[sflag:s7] =	ssyncset.done @p3 $0x0  }
0x5a: {  	s6 =	simm.s32 @p3 $0x18280;
	[sflag:s7] =	ssyncadd.s32 @p3 $0xFFFFE000;
	s7 =	simm.s32 @!p3 $0x9  }
0x5b: {  	[spmem:s3] =	stream.indirect.scatter.add.f32 @p3 [tilespmem:s6], [sflag:$0xA], $0x80, s9, s8, $0xb8;
	[tilespmem:$0x1E280] =	vst v63  }
0x5c: {  	_ =	swait.ge @!p3 [sflag:s7], $0x2000  }
0x5d: {  	s10 =	simm.s32 @!p3 $0x6;
	s8 =	simm.s32 @!p3 $0x0;
	[sflag:s7] =	ssyncset.done @!p3 $0x0  }
0x5e: {  	s9 =	simm.s32 @!p3 $0x16080;
	s15 =	rddreg [dreg:$0xf];
	[sflag:s7] =	ssyncadd.s32 @!p3 $0xFFFFE000  }
0x5f: {  	[tilespmem:s9], [sflag:$0x5] =	stream.linear.gather @!p3 [hbm4b:s15+s8], $0x40, $0x38;
	[tilespmem:$0x1E280] =	vst v63  }
0x60: {  	s6 =	simm.s32 @!p3 $0x13980;
	s7 =	simm.s32 @!p3 $0x40;
	s9 =	simm.s32 @!p3 $0x16280  }
0x61: {  	[tilespmem:s9], [sflag:$0x1] =	stream.indirect.gather @!p3 [hbm4b:s5+s7], $0x80, s6, s7, $0xb8;
	[tilespmem:$0x1E280] =	vst v63  }
0x62: {  	_ =	swait.ge @!p3 [sflag:s10], $0x40  }
0x63: {  	[sflag:s10] =	ssyncset.done @!p3 $0x0  }
0x64: {  	s6 =	simm.s32 @!p3 $0x2;
	[sflag:s10] =	ssyncadd.s32 @!p3 $0xFFFFFFC0  }
0x65: {  	_ =	swait.ge @!p3 [sflag:s6], $0x2000  }
0x66: {  	s9 =	simm.s32 @!p3 $0x16100;
	[sflag:s6] =	ssyncset.done @!p3 $0x0  }
0x67: {  	s10 =	simm.s32 @!p3 $0x18280;
	[sflag:s6] =	ssyncadd.s32 @!p3 $0xFFFFE000;
	s6 =	simm.s32 @!p3 $0xA  }
0x68: {  	[spmem:s3] =	stream.indirect.scatter.add.f32 @!p3 [tilespmem:s10], [sflag:$0xA], $0x80, s9, s7, $0xb8;
	[tilespmem:$0x1E280] =	vst v63  }
0x69: {  	_ =	swait.ge @!p3 [sflag:s6], $0x2000  }
0x6a: {  	[sflag:s6] =	ssyncset.done @!p3 $0x0  }
0x6b: {  	s16 =	rddreg [dreg:$0x10];
	[sflag:s6] =	ssyncadd.s32 @!p3 $0xFFFFE000  }
0x6c: {  	[tilespmem:s9], [sflag:$0x6] =	stream.linear.gather @!p3 [hbm4b:s16+s8], $0x40, $0x38;
	[tilespmem:$0x1E280] =	vst v63  }
0x6d: {  	s6 =	simm.s32 @!p3 $0x139C0  }
0x6e: {  	[tilespmem:s10], [sflag:$0x2] =	stream.indirect.gather @!p3 [hbm4b:s5+s7], $0x80, s6, s7, $0xb8;
	[tilespmem:$0x1E280] =	vst v63  }
0x6f: {  	_ =	swait.ge [sflag:s28], $0x40  }
0x70: {  	[sflag:s28] =	ssyncset.done $0x0  }
0x71: {  	[sflag:s28] =	ssyncadd.s32 $0xFFFFFFC0  }
0x72: {  	_ =	swait.ge [sflag:s29], $0x2000  }
0x73: {  	[sflag:s29] =	ssyncset.done $0x0  }
0x74: {  	s6 =	simm.s32 @!p3 $0xB;
	[sflag:s29] =	ssyncadd.s32 $0xFFFFE000  }
0x75: {  	[spmem:s3] =	stream.indirect.scatter.add.f32 [tilespmem:s1], [sflag:$0xB], $0x80, s30, s24, $0xb8;
	[tilespmem:$0x1E280] =	vst v63  }
0x76: {  	_ =	swait.ge @!p3 [sflag:s6], $0x2000  }
0x77: {  	[sflag:s6] =	ssyncset.done @!p3 $0x0  }
0x78: {  	s9 =	simm.s32 @!p3 $0x16180;
	s10 =	rddreg [dreg:$0x12];
	[sflag:s6] =	ssyncadd.s32 @!p3 $0xFFFFE000  }
0x79: {  	[tilespmem:s9], [sflag:$0x7] =	stream.linear.gather @!p3 [hbm4b:s10+s8], $0x40, $0x38;
	[tilespmem:$0x1E280] =	vst v63  }
0x7a: {  	s6 =	simm.s32 @!p3 $0x13A00;
	s8 =	simm.s32 @!p3 $0x1A280  }
0x7b: {  	[tilespmem:s8], [sflag:$0x3] =	stream.indirect.gather @!p3 [hbm4b:s5+s7], $0x80, s6, s7, $0xb8;
	[tilespmem:$0x1E280] =	vst v63  }
0x7c: {  	s12 =	simm.s32 $0x400;
	_ =	swait.ge [sflag:s31], $0x40  }
0x7d: {  	p6 =	por $0x0, $0x0;
	s21 =	sadd.s32 $0x20, s10;
	[sflag:s31] =	ssyncset.done $0x0  }
0x7e: {  	s9 =	simm.s32 $0x800;
	p3 =	por p6, p6;
	[sflag:s31] =	ssyncadd.s32 $0xFFFFFFC0  }
0x7f: {  	s6 =	sadd.s32 $0x20, s16;
	s8 =	sadd.s32 $0x20, s17;
	_ =	swait.ge [sflag:s0], $0x2000  }
0x80: {  	s7 =	sadd.s32 $0x20, s15;
	s10 =	simm.s32 @!p3 $0xC;
	[sflag:s0] =	ssyncset.done $0x0  }
.LBB2_6:
0x81: {  	p5 =	seq.s32 s9, $0x0  }
0x82: {  	[sflag:s0] =	ssyncadd.s32 $0xFFFFE000;
	s17 =	smov.u32 s9;
	s9 =	sadd.s32 $0x400, s9  }
0x83: {  	[spmem:s3] =	stream.indirect.scatter.add.f32 [tilespmem:s11], [sflag:$0xC], $0x80, s2, s24, $0xb8;
	[tilespmem:$0x1E280] =	vst v63  }
0x84: {  	p4 =	sne.s32 s9, $0xA000;
	_ =	swait.ge @!p3 [sflag:s10], $0x2000  }
0x85: {  	[sflag:s10] =	ssyncset.done @!p3 $0x0  }
0x86: {  	[sflag:s10] =	ssyncadd.s32 @!p3 $0xFFFFE000;
	s10 =	sshra.s32 s12, $0x2;
	p3 =	por p5, p5  }
0x87: {  	[tilespmem:s2], [sflag:$0x8] =	stream.linear.gather [hbm4b:s8+s4], $0x40, $0x38;
	[tilespmem:$0x1E280] =	vst v63  }
0x88: {  	s10 =	sadd.s32 $0x13940, s10  }
0x89: {  	[tilespmem:s11], [sflag:$0x4] =	stream.indirect.gather [hbm4b:s5+s24], $0x80, s10, s24, $0xb8;
	[tilespmem:$0x1E280] =	vst v63  }
0x8a: {  	_ =	swait.ge [sflag:s13], $0x40  }
0x8b: {  	[sflag:s13] =	ssyncset.done $0x0  }
0x8c: {  	[sflag:s13] =	ssyncadd.s32 $0xFFFFFFC0  }
0x8d: {  	_ =	swait.ge [sflag:s26], $0x2000  }
0x8e: {  	[sflag:s26] =	ssyncset.done $0x0  }
0x8f: {  	p5 =	seq.s32 s12, $0x9C00;
	[sflag:s26] =	ssyncadd.s32 $0xFFFFE000  }
0x90: {  	[spmem:s3] =	stream.indirect.scatter.add.f32 [tilespmem:s25], [sflag:$0x9], $0x80, s23, s24, $0xb8;
	[tilespmem:$0x1E280] =	vst v63  }
0x91: {  	s18 =	simm.s32 @p5 $0x6;
	s10 =	sshra.s32 @!p5 s12, $0x2;
	s12 =	smov.u32 s17  }
0x92: {  	s20 =	sadd.s32 @!p5 $0x13980, s10;
	s19 =	sadd.s32 @!p5 $0x139C0, s10;
	_ =	swait.ge @p5 [sflag:s18], $0x40  }
0x93: {  	s17 =	simm.s32 @p5 $0x2;
	s10 =	sadd.s32 @!p5 $0x13A00, s10;
	[sflag:s18] =	ssyncset.done @p5 $0x0  }
0x94: {  	[sflag:s18] =	ssyncadd.s32 @p5 $0xFFFFFFC0  }
0x95: {  	s18 =	simm.s32 @p5 $0x18280;
	_ =	swait.ge @p5 [sflag:s17], $0x2000  }
0x96: {  	s16 =	simm.s32 @p5 $0x40;
	s15 =	simm.s32 @p5 $0x16100;
	[sflag:s17] =	ssyncset.done @p5 $0x0  }
0x97: {  	s22 =	simm.s32 @!p5 $0x9;
	[sflag:s17] =	ssyncadd.s32 @p5 $0xFFFFE000  }
0x98: {  	[spmem:s3] =	stream.indirect.scatter.add.f32 @p5 [tilespmem:s18], [sflag:$0xA], $0x80, s15, s16, $0xb8;
	[tilespmem:$0x1E280] =	vst v63  }
0x99: {  	_ =	swait.ge @!p5 [sflag:s22], $0x2000  }
0x9a: {  	s17 =	simm.s32 @!p5 $0x0;
	s15 =	simm.s32 @!p5 $0x16080;
	[sflag:s22] =	ssyncset.done @!p5 $0x0  }
0x9b: {  	s18 =	simm.s32 @!p5 $0x40;
	s16 =	simm.s32 @!p5 $0x16280;
	[sflag:s22] =	ssyncadd.s32 @!p5 $0xFFFFE000  }
0x9c: {  	[tilespmem:s15], [sflag:$0x5] =	stream.linear.gather @!p5 [hbm4b:s7+s17], $0x40, $0x38;
	[tilespmem:$0x1E280] =	vst v63  }
0x9d: {  	s15 =	simm.s32 @!p5 $0x6  }
0x9e: {  	[tilespmem:s16], [sflag:$0x1] =	stream.indirect.gather @!p5 [hbm4b:s5+s18], $0x80, s20, s18, $0xb8;
	[tilespmem:$0x1E280] =	vst v63  }
0x9f: {  	_ =	swait.ge @!p5 [sflag:s15], $0x40  }
0xa0: {  	s16 =	simm.s32 @!p5 $0x2;
	[sflag:s15] =	ssyncset.done @!p5 $0x0  }
0xa1: {  	[sflag:s15] =	ssyncadd.s32 @!p5 $0xFFFFFFC0  }
0xa2: {  	_ =	swait.ge @!p5 [sflag:s16], $0x2000  }
0xa3: {  	s20 =	simm.s32 @!p5 $0x18280;
	s15 =	simm.s32 @!p5 $0x16100;
	[sflag:s16] =	ssyncset.done @!p5 $0x0  }
0xa4: {  	[sflag:s16] =	ssyncadd.s32 @!p5 $0xFFFFE000;
	s16 =	simm.s32 @!p5 $0xA  }
0xa5: {  	[spmem:s3] =	stream.indirect.scatter.add.f32 @!p5 [tilespmem:s20], [sflag:$0xA], $0x80, s15, s18, $0xb8;
	[tilespmem:$0x1E280] =	vst v63  }
0xa6: {  	_ =	swait.ge @!p5 [sflag:s16], $0x2000  }
0xa7: {  	[sflag:s16] =	ssyncset.done @!p5 $0x0  }
0xa8: {  	[sflag:s16] =	ssyncadd.s32 @!p5 $0xFFFFE000  }
0xa9: {  	[tilespmem:s15], [sflag:$0x6] =	stream.linear.gather @!p5 [hbm4b:s6+s17], $0x40, $0x38;
	[tilespmem:$0x1E280] =	vst v63  }
0xaa: {  	_ = 	snop  }
0xab: {  	[tilespmem:s20], [sflag:$0x2] =	stream.indirect.gather @!p5 [hbm4b:s5+s18], $0x80, s19, s18, $0xb8;
	[tilespmem:$0x1E280] =	vst v63  }
0xac: {  	_ =	swait.ge [sflag:s28], $0x40  }
0xad: {  	[sflag:s28] =	ssyncset.done $0x0  }
0xae: {  	[sflag:s28] =	ssyncadd.s32 $0xFFFFFFC0  }
0xaf: {  	_ =	swait.ge [sflag:s29], $0x2000  }
0xb0: {  	[sflag:s29] =	ssyncset.done $0x0  }
0xb1: {  	s15 =	simm.s32 @!p5 $0xB;
	[sflag:s29] =	ssyncadd.s32 $0xFFFFE000  }
0xb2: {  	[spmem:s3] =	stream.indirect.scatter.add.f32 [tilespmem:s1], [sflag:$0xB], $0x80, s30, s24, $0xb8;
	[tilespmem:$0x1E280] =	vst v63  }
0xb3: {  	_ =	swait.ge @!p5 [sflag:s15], $0x2000  }
0xb4: {  	s16 =	simm.s32 @!p5 $0x16180;
	[sflag:s15] =	ssyncset.done @!p5 $0x0  }
0xb5: {  	[sflag:s15] =	ssyncadd.s32 @!p5 $0xFFFFE000;
	s15 =	simm.s32 @!p5 $0x1A280  }
0xb6: {  	[tilespmem:s16], [sflag:$0x7] =	stream.linear.gather @!p5 [hbm4b:s21+s17], $0x40, $0x38;
	[tilespmem:$0x1E280] =	vst v63  }
0xb7: {  	_ = 	snop  }
0xb8: {  	[tilespmem:s15], [sflag:$0x3] =	stream.indirect.gather @!p5 [hbm4b:s5+s18], $0x80, s10, s18, $0xb8;
	[tilespmem:$0x1E280] =	vst v63  }
.Ltmp4:
0xb9: {  	_ =	swait.ge [sflag:s31], $0x40;
	(pc) =	sbr.rel @p4 .LBB2_6-.Ltmp4, $4  }
0xba: {  	[sflag:s31] =	ssyncset.done $0x0  }
0xbb: {  	s21 =	sadd.s32 $0x20, s21;
	[sflag:s31] =	ssyncadd.s32 $0xFFFFFFC0  }
0xbc: {  	s8 =	sadd.s32 $0x20, s8;
	s6 =	sadd.s32 $0x20, s6;
	_ =	swait.ge [sflag:s0], $0x2000  }
0xbd: {  	s7 =	sadd.s32 $0x20, s7;
	s10 =	simm.s32 @!p3 $0xC;
	[sflag:s0] =	ssyncset.done $0x0  }
0xbe: {  	[sflag:s0] =	ssyncadd.s32 $0xFFFFE000  }
0xbf: {  	[spmem:s3] =	stream.indirect.scatter.add.f32 [tilespmem:s11], [sflag:$0xC], $0x80, s2, s24, $0xb8;
	[tilespmem:$0x1E280] =	vst v63  }
0xc0: {  	_ =	swait.ge @!p3 [sflag:s10], $0x2000  }
0xc1: {  	[sflag:s10] =	ssyncset.done @!p3 $0x0  }
0xc2: {  	s9 =	sshra.s32 s12, $0x2;
	[sflag:s10] =	ssyncadd.s32 @!p3 $0xFFFFE000  }
0xc3: {  	[tilespmem:s2], [sflag:$0x8] =	stream.linear.gather [hbm4b:s8+s4], $0x40, $0x38;
	[tilespmem:$0x1E280] =	vst v63  }
0xc4: {  	s10 =	sadd.s32 $0x13940, s9  }
0xc5: {  	[tilespmem:s11], [sflag:$0x4] =	stream.indirect.gather [hbm4b:s5+s24], $0x80, s10, s24, $0xb8;
	[tilespmem:$0x1E280] =	vst v63  }
0xc6: {  	_ =	swait.ge [sflag:s13], $0x40  }
0xc7: {  	[sflag:s13] =	ssyncset.done $0x0  }
0xc8: {  	[sflag:s13] =	ssyncadd.s32 $0xFFFFFFC0  }
0xc9: {  	_ =	swait.ge [sflag:s26], $0x2000  }
0xca: {  	p3 =	seq.s32 s12, $0x9C00;
	[sflag:s26] =	ssyncset.done $0x0  }
0xcb: {  	s8 =	simm.s32 @p3 $0x6;
	[sflag:s26] =	ssyncadd.s32 $0xFFFFE000  }
0xcc: {  	[spmem:s3] =	stream.indirect.scatter.add.f32 [tilespmem:s25], [sflag:$0x9], $0x80, s23, s24, $0xb8;
	[tilespmem:$0x1E280] =	vst v63  }
0xcd: {  	_ =	swait.ge @p3 [sflag:s8], $0x40  }
0xce: {  	[sflag:s8] =	ssyncset.done @p3 $0x0  }
0xcf: {  	s9 =	simm.s32 @p3 $0x2;
	[sflag:s8] =	ssyncadd.s32 @p3 $0xFFFFFFC0  }
0xd0: {  	_ =	swait.ge @p3 [sflag:s9], $0x2000  }
0xd1: {  	s15 =	simm.s32 @p3 $0x16100;
	s10 =	simm.s32 @p3 $0x40;
	[sflag:s9] =	ssyncset.done @p3 $0x0  }
0xd2: {  	s8 =	simm.s32 @p3 $0x18280;
	[sflag:s9] =	ssyncadd.s32 @p3 $0xFFFFE000;
	s9 =	simm.s32 @!p3 $0x9  }
0xd3: {  	[spmem:s3] =	stream.indirect.scatter.add.f32 @p3 [tilespmem:s8], [sflag:$0xA], $0x80, s15, s10, $0xb8;
	[tilespmem:$0x1E280] =	vst v63  }
0xd4: {  	_ =	swait.ge @!p3 [sflag:s9], $0x2000  }
0xd5: {  	s8 =	sshra.s32 @!p3 s12, $0x2;
	s12 =	simm.s32 @!p3 $0x0;
	[sflag:s9] =	ssyncset.done @!p3 $0x0  }
0xd6: {  	s15 =	simm.s32 @!p3 $0x16080;
	s10 =	sadd.s32 @!p3 $0x13980, s8;
	[sflag:s9] =	ssyncadd.s32 @!p3 $0xFFFFE000  }
0xd7: {  	[tilespmem:s15], [sflag:$0x5] =	stream.linear.gather @!p3 [hbm4b:s7+s12], $0x40, $0x38;
	[tilespmem:$0x1E280] =	vst v63  }
0xd8: {  	s9 =	simm.s32 @!p3 $0x16280;
	s7 =	simm.s32 @!p3 $0x40;
	s15 =	simm.s32 @!p3 $0x6  }
0xd9: {  	[tilespmem:s9], [sflag:$0x1] =	stream.indirect.gather @!p3 [hbm4b:s5+s7], $0x80, s10, s7, $0xb8;
	[tilespmem:$0x1E280] =	vst v63  }
0xda: {  	_ =	swait.ge @!p3 [sflag:s15], $0x40  }
0xdb: {  	[sflag:s15] =	ssyncset.done @!p3 $0x0  }
0xdc: {  	s9 =	simm.s32 @!p3 $0x2;
	[sflag:s15] =	ssyncadd.s32 @!p3 $0xFFFFFFC0  }
0xdd: {  	_ =	swait.ge @!p3 [sflag:s9], $0x2000  }
0xde: {  	s10 =	simm.s32 @!p3 $0x16100;
	[sflag:s9] =	ssyncset.done @!p3 $0x0  }
0xdf: {  	s15 =	simm.s32 @!p3 $0x18280;
	[sflag:s9] =	ssyncadd.s32 @!p3 $0xFFFFE000;
	s9 =	simm.s32 @!p3 $0xA  }
0xe0: {  	[spmem:s3] =	stream.indirect.scatter.add.f32 @!p3 [tilespmem:s15], [sflag:$0xA], $0x80, s10, s7, $0xb8;
	[tilespmem:$0x1E280] =	vst v63  }
0xe1: {  	_ =	swait.ge @!p3 [sflag:s9], $0x2000  }
0xe2: {  	[sflag:s9] =	ssyncset.done @!p3 $0x0  }
0xe3: {  	[sflag:s9] =	ssyncadd.s32 @!p3 $0xFFFFE000  }
0xe4: {  	[tilespmem:s10], [sflag:$0x6] =	stream.linear.gather @!p3 [hbm4b:s6+s12], $0x40, $0x38;
	[tilespmem:$0x1E280] =	vst v63  }
0xe5: {  	s6 =	sadd.s32 @!p3 $0x139C0, s8  }
0xe6: {  	[tilespmem:s15], [sflag:$0x2] =	stream.indirect.gather @!p3 [hbm4b:s5+s7], $0x80, s6, s7, $0xb8;
	[tilespmem:$0x1E280] =	vst v63  }
0xe7: {  	_ =	swait.ge [sflag:s28], $0x40  }
0xe8: {  	[sflag:s28] =	ssyncset.done $0x0  }
0xe9: {  	[sflag:s28] =	ssyncadd.s32 $0xFFFFFFC0  }
0xea: {  	_ =	swait.ge [sflag:s29], $0x2000  }
0xeb: {  	[sflag:s29] =	ssyncset.done $0x0  }
0xec: {  	s6 =	simm.s32 @!p3 $0xB;
	[sflag:s29] =	ssyncadd.s32 $0xFFFFE000  }
0xed: {  	[spmem:s3] =	stream.indirect.scatter.add.f32 [tilespmem:s1], [sflag:$0xB], $0x80, s30, s24, $0xb8;
	[tilespmem:$0x1E280] =	vst v63  }
0xee: {  	_ =	swait.ge @!p3 [sflag:s6], $0x2000  }
0xef: {  	[sflag:s6] =	ssyncset.done @!p3 $0x0  }
0xf0: {  	[sflag:s6] =	ssyncadd.s32 @!p3 $0xFFFFE000;
	s6 =	simm.s32 @!p3 $0x16180  }
0xf1: {  	[tilespmem:s6], [sflag:$0x7] =	stream.linear.gather @!p3 [hbm4b:s21+s12], $0x40, $0x38;
	[tilespmem:$0x1E280] =	vst v63  }
0xf2: {  	s6 =	sadd.s32 @!p3 $0x13A00, s8;
	s8 =	simm.s32 @!p3 $0x1A280  }
0xf3: {  	[tilespmem:s8], [sflag:$0x3] =	stream.indirect.gather @!p3 [hbm4b:s5+s7], $0x80, s6, s7, $0xb8;
	[tilespmem:$0x1E280] =	vst v63  }
0xf4: {  	_ =	swait.ge [sflag:s31], $0x40  }
0xf5: {  	[sflag:s31] =	ssyncset.done $0x0  }
0xf6: {  	[sflag:s31] =	ssyncadd.s32 $0xFFFFFFC0  }
0xf7: {  	_ =	swait.ge [sflag:s0], $0x2000  }
0xf8: {  	[sflag:s0] =	ssyncset.done $0x0  }
0xf9: {  	s15 =	simm.s32 $0x9;
	[sflag:s0] =	ssyncadd.s32 $0xFFFFE000  }
0xfa: {  	[spmem:s3] =	stream.indirect.scatter.add.f32 [tilespmem:s11], [sflag:$0xC], $0x80, s2, s24, $0xb8;
	[tilespmem:$0x1E280] =	vst v63  }
0xfb: {  	_ =	swait.ge [sflag:s15], $0x2000  }
0xfc: {  	[sflag:s15] =	ssyncset.done $0x0  }
0xfd: {  	s16 =	simm.s32 $0xA;
	[sflag:s15] =	ssyncadd.s32 $0xFFFFE000  }
0xfe: {  	_ =	swait.ge [sflag:s16], $0x2000  }
0xff: {  	[sflag:s16] =	ssyncset.done $0x0  }
0x100: {  	s17 =	simm.s32 $0xB;
	[sflag:s16] =	ssyncadd.s32 $0xFFFFE000  }
0x101: {  	_ =	swait.ge [sflag:s17], $0x2000  }
0x102: {  	[sflag:s17] =	ssyncset.done $0x0  }
0x103: {  	s18 =	simm.s32 $0xC;
	[sflag:s17] =	ssyncadd.s32 $0xFFFFE000  }
0x104: {  	_ =	swait.ge [sflag:s18], $0x2000  }
0x105: {  	[sflag:s18] =	ssyncset.done $0x0  }
0x106: {  	[sflag:s18] =	ssyncadd.s32 $0xFFFFE000  }
0x107: {  	[bflag:$0x0] =	sbarrier.arrive $0xFFFF  }
0x108: {  	s19 =	rddreg [dreg:$0x13]  }
0x109: {  	s20 =	rddreg [dreg:$0xc]  }
0x10a: {  	s9 =	simm.s32 $0xD;
	s21 =	rddreg [dreg:$0x14];
	s6 =	sor.u32 $0x1C0D, s19  }
0x10b: {  	[hbm:s20], [sflag:s6] =	dma.local [spmem:s21], $0x2700  }
0x10c: {  	_ =	swait.ge [sflag:s9], $0x2700  }
0x10d: {  	[sflag:s9] =	ssyncset.done $0x0;
	s7 =	rddreg [dreg:$0xa]  }
0x10e: {  	s8 =	rddreg [dreg:$0xd];
	[sflag:s9] =	ssyncadd.s32 $0xFFFFD900;
	s7 =	sshrl.u32 @!p2 s7, $0x3  }
0x10f: {  	[hbm:s8], [sflag:s6] =	dma.local @!p2 [spmem:s7], $0x100  }
0x110: {  	s6 =	simm.s32 @!p2 $0xD  }
0x111: {  	_ =	swait.ge @!p2 [sflag:s6], $0x100  }
0x112: {  	s14 =	sadd.s32 $0x1, s14;
	s22 =	rddreg [dreg:$0xe]  }
0x113: {  	p3 =	sne.s32 s14, s22  }
.Ltmp5:
0x114: {  	_ = 	snop;
	(pc) =	sbr.rel @p3 .LBB2_1-.Ltmp5, $3  }
0x115: {  	_ =	sdelay $0x1  }
0x116: {  	[sflag:s6] =	ssyncset.done @!p2 $0x0  }
0x117: {  	[sflag:s6] =	ssyncadd.s32 @!p2 $0xFFFFFF00  }
0x118: {  	_ =	sfence.sel $0x180000  }
0x119: {  	[bflag:$0x0] =	sbarrier.arrive $0xFFFF  }
0x11a: {  	_ =	strace $0x9000004D  }
0x11b: {  	s0 =	stileid.u32;
	[bflag:$0x2] =	sbarrier.arrive $0xFFFF  }
0x11c: {  	p0 =	sne.s32 s0, $0x0;
	s0 =	rddreg [dreg:$0x3]  }
0x11d: {  	s0 =	sadd.s32 @!p0 $0x100000, s0  }
0x11e: {  	[sflag:s0] =	ssyncadd.tile.s32 @!p0 $0x1;
	_ =	shalt  }
.Lfunc_end2:
_tile_overlayer_lowered:
.L_overlay_start_2:
0x11f: {  	(tag) =	ssettag $0x2  }
0x120: {  	s0 =	rddreg [dreg:$0x0];
	s2 =	stileid.u32  }
0x121: {  	s1 =	rddreg [dreg:$0x1];
	p0 =	sne.s32 s2, $0x0  }
0x122: {  	s3 =	rddreg [dreg:$0x2];
	[bflag:$0x3] =	sbarrier.arrive $0xFFFF;
	s2 =	simm.s32 @!p0 $0x1C0D  }
0x123: {  	[timem:s3], [sflag:s2] =	dma.local @!p0 [hbm:s0], s1  }
0x124: {  	s0 =	simm.s32 @!p0 $0xD  }
0x125: {  	_ =	swait.ge @!p0 [sflag:s0], s1  }
0x126: {  	s1 =	ssub.s32 @!p0 $0x0, s1;
	[sflag:s0] =	ssyncset.done @!p0 $0x0  }
0x127: {  	[sflag:s0] =	ssyncadd.s32 @!p0 s1  }
0x128: {  	[bflag:$0x3] =	sbarrier.arrive $0xFFFF  }
0x129: {  	_ =	shalt  }

// kernel: kernel.8.cloned.1.call-start
scs
__scs_entry_jumppad:
0x0: {  	(pc) =	sbr.rel $0x88, $3  }
0x1: {  	(tag) =	ssettag $0x0;
	lr =	simm.s32 $0x1  }
0x2: {  	[smem:$0x3F9D] =	sst lr;
	_ =	strace $0xD0000000  }
0x3: {  	_ = 	snop  }
0x4: {  	_ = 	snop  }
0x5: {  	_ = 	snop  }
0x6: {  	_ = 	snop  }
0x7: {  	_ = 	snop  }
__scs_overlays_trampoline_lowered:
0x8: {  	[smem:$0x3FAC] =	sst s0  }
0x9: {  	[smem:$0x3FAD] =	sst s1  }
0xa: {  	[smem:$0x3FAE] =	sst s2  }
0xb: {  	[smem:$0x3FAF] =	sst s3  }
0xc: {  	[smem:$0x3FB0] =	sst s4  }
0xd: {  	[smem:$0x3FB1] =	sst s5  }
0xe: {  	[smem:$0x3FB2] =	sst s6  }
0xf: {  	[smem:$0x3FB3] =	sst s7  }
0x10: {  	[smem:$0x3FB4] =	sst s8  }
0x11: {  	[smem:$0x3FB5] =	sst s9;
	s0 =	simm.s32 @!p0 $0x0  }
0x12: {  	s1 =	sld [smem:$0x3F9B];
	s0 =	simm.s32 @p0 $0x1  }
0x13: {  	[smem:$0x3FB6] =	sst s0;
	s0 =	simm.s32 @!p1 $0x0  }
0x14: {  	s2 =	sld [smem:$0x3F9A];
	s0 =	simm.s32 @p1 $0x1  }
0x15: {  	[smem:$0x3FB7] =	sst s0;
	s0 =	simm.s32 @!p2 $0x0  }
0x16: {  	s3 =	sld [smem:$0x3FDB];
	s0 =	simm.s32 @p2 $0x1  }
0x17: {  	s4 =	simm.s32 $0x1BF5;
	[smem:$0x3FB9] =	sst s0  }
0x18: {  	s0 =	sld [smem:$0x3F9C];
	_ =	swait.ge [sflag:s4], $0x0  }
0x19: {  	s7 =	sld [smem:$0x3F9D]  }
0x1a: {  	s8 =	sadd.s32 $0xFFFFE003, lr  }
0x1b: {  	s9 =	sadd.s32 $0xFFFFFEF7, lr;
	s5 =	simm.s32 $0xFFFFFFFF;
	p2 =	slt.u32 s8, $0xFFFFF086  }
0x1c: {  	p1 =	slt.u32 s9, $0xF7A;
	s5 =	simm.s32 @!p2 $0x0  }
0x1d: {  	s5 =	simm.s32 @p1 $0x1;
	p0 =	seq.s32 s7, s2  }
0x1e: {  	s7 =	smul.u32 @!p0 $0xF7A, s2;
	p2 =	seq.s32 @!p0 s5, $0x0  }
0x1f: {  	s9 =	smul.u32 $0xF7A, s1;
	s8 =	simm.s32 @!p0 $0x1BF5;
	p2 =	por !p2, p0  }
0x20: {  	[sflag:s8] =	ssyncset.s32 @!p0 $0xFFFFF086;
	s6 =	sadd.s32 @!p0 s3, s7;
	s7 =	simm.s32 @!p0 $0x108  }
0x21: {  	s3 =	sadd.s32 s3, s9;
	s6 =	sadd.s32 @!p0 $0x88, s6;
	s7 =	simm.s32 @p2 $0x1082  }
0x22: {  	[simem:s7], [sflag:s8] =	dma.local @!p0 [hbm:s6], $0xF7A  }
0x23: {  	s9 =	sor.u32 $0xD0000000, s2;
	s6 =	simm.s32 $0x108;
	_ =	swait.ge @!p0 [sflag:s8], $0x0  }
0x24: {  	s3 =	sadd.s32 $0x88, s3;
	s6 =	simm.s32 @!p1 $0x1082;
	[sflag:s4] =	ssyncset.s32 $0xFFFFF086  }
0x25: {  	[simem:s6], [sflag:s4] =	dma.local [hbm:s3], $0xF7A  }
0x26: {  	[smem:$0x3F9D] =	sst s1;
	(tag) =	ssettag s2;
	_ =	strace s9  }
0x27: {  	s1 =	sld [smem:$0x3FAD]  }
0x28: {  	s2 =	sld [smem:$0x3FAE]  }
0x29: {  	s4 =	sld [smem:$0x3FB0]  }
0x2a: {  	p0 =	seq.s32 s5, $0x0;
	s5 =	sld [smem:$0x3FB1]  }
0x2b: {  	s6 =	sld [smem:$0x3FB2]  }
0x2c: {  	s7 =	sld [smem:$0x3FB3]  }
0x2d: {  	s3 =	simm.s32 $0x108;
	s8 =	sld [smem:$0x3FB4]  }
0x2e: {  	s3 =	simm.s32 @!p0 $0x1082;
	s9 =	sld [smem:$0x3FB5]  }
0x2f: {  	lr =	sadd.s32 s0, s3;
	s0 =	sld [smem:$0x3FAC]  }
0x30: {  	s3 =	sld [smem:$0x3FAF]  }
0x31: {  	[smem:$0x3FB8] =	sst s10  }
0x32: {  	s10 =	sld [smem:$0x3FB6];
	_ =	sdelay $0x3  }
0x33: {  	p0 =	seq.s32 s10, $0x1;
	s10 =	sld [smem:$0x3FB8];
	_ =	sdelay $0x3  }
0x34: {  	[smem:$0x3FB8] =	sst s10  }
0x35: {  	s10 =	sld [smem:$0x3FB7];
	_ =	sdelay $0x3  }
0x36: {  	p1 =	seq.s32 s10, $0x1;
	s10 =	sld [smem:$0x3FB8];
	_ =	sdelay $0x3  }
0x37: {  	[smem:$0x3FB8] =	sst s10  }
0x38: {  	s10 =	sld [smem:$0x3FB9]  }
0x39: {  	_ = 	snop;
	(pc) =	sbr.ind lr, $3  }
0x3a: {  	_ = 	snop  }
0x3b: {  	_ = 	snop  }
0x3c: {  	p2 =	seq.s32 s10, $0x1;
	s10 =	sld [smem:$0x3FB8]  }
0x3d: {  	_ =	shalt  }
0x3e: {  	_ =	shalt  }
0x3f: {  	_ =	shalt  }
0x40: {  	_ =	shalt  }
0x41: {  	_ =	shalt  }
0x42: {  	_ =	shalt  }
0x43: {  	_ =	shalt  }
0x44: {  	_ =	shalt  }
0x45: {  	_ =	shalt  }
0x46: {  	_ =	shalt  }
0x47: {  	_ =	shalt  }
0x48: {  	_ =	shalt  }
0x49: {  	_ =	shalt  }
0x4a: {  	_ =	shalt  }
0x4b: {  	_ =	shalt  }
0x4c: {  	_ =	shalt  }
0x4d: {  	_ =	shalt  }
0x4e: {  	_ =	shalt  }
0x4f: {  	_ =	shalt  }
0x50: {  	_ =	shalt  }
0x51: {  	_ =	shalt  }
0x52: {  	_ =	shalt  }
0x53: {  	_ =	shalt  }
0x54: {  	_ =	shalt  }
0x55: {  	_ =	shalt  }
0x56: {  	_ =	shalt  }
0x57: {  	_ =	shalt  }
0x58: {  	_ =	shalt  }
0x59: {  	_ =	shalt  }
0x5a: {  	_ =	shalt  }
0x5b: {  	_ =	shalt  }
0x5c: {  	_ =	shalt  }
0x5d: {  	_ =	shalt  }
0x5e: {  	_ =	shalt  }
0x5f: {  	_ =	shalt  }
0x60: {  	_ =	shalt  }
0x61: {  	_ =	shalt  }
0x62: {  	_ =	shalt  }
0x63: {  	_ =	shalt  }
0x64: {  	_ =	shalt  }
0x65: {  	_ =	shalt  }
0x66: {  	_ =	shalt  }
0x67: {  	_ =	shalt  }
0x68: {  	_ =	shalt  }
0x69: {  	_ =	shalt  }
0x6a: {  	_ =	shalt  }
0x6b: {  	_ =	shalt  }
0x6c: {  	_ =	shalt  }
0x6d: {  	_ =	shalt  }
0x6e: {  	_ =	shalt  }
0x6f: {  	_ =	shalt  }
0x70: {  	_ =	shalt  }
0x71: {  	_ =	shalt  }
0x72: {  	_ =	shalt  }
0x73: {  	_ =	shalt  }
0x74: {  	_ =	shalt  }
0x75: {  	_ =	shalt  }
0x76: {  	_ =	shalt  }
0x77: {  	_ =	shalt  }
0x78: {  	_ =	shalt  }
0x79: {  	_ =	shalt  }
0x7a: {  	_ =	shalt  }
0x7b: {  	_ =	shalt  }
0x7c: {  	_ =	shalt  }
0x7d: {  	_ =	shalt  }
0x7e: {  	_ =	shalt  }
0x7f: {  	_ =	shalt  }
0x80: {  	_ =	shalt  }
0x81: {  	_ =	shalt  }
0x82: {  	_ =	shalt  }
0x83: {  	_ =	shalt  }
0x84: {  	_ =	shalt  }
0x85: {  	_ =	shalt  }
0x86: {  	_ =	shalt  }
0x87: {  	_ =	shalt  }
.Lfunc_end0:
.L_simem_size_0:
called_computation_lowered:
.L_overlay_start_0:
0x88: {  	s2 =	sld [smem:$0x3FD9]  }
0x89: {  	s3 =	sld [smem:$0x3FFE];
	_ =	sdelay $0x1  }
0x8a: {  	s1 =	srdreg.scid  }
0x8b: {  	s0 =	sand.u32 $0x1, s1  }
0x8c: {  	s17 =	sshll.u32 s0, $0xA;
	s2 =	sadd.s32 s3, s2  }
0x8d: {  	s2 =	sadd.s32 s2, s17  }
0x8e: {  	[smem:$0x3FC4] =	sst s2  }
0x8f: {  	_ = 	snop  }
0x90: {  	s2 =	sld [smem:$0x3FD0];
	(tm) =	ssettm $0x1  }
0x91: {  	s18 =	sld [smem:$0x3FFB];
	_ =	sdelay $0x3  }
0x92: {  	_ =	strace s18  }
0x93: {  	s3 =	sld [smem:$0x3FFC];
	_ =	sdelay $0x3  }
0x94: {  	_ =	strace s3  }
0x95: {  	s3 =	sld [smem:$0x3FFD];
	_ =	sdelay $0x3  }
0x96: {  	_ =	strace s3  }
0x97: {  	_ =	strace $0x8FFFFFFF  }
0x98: {  	s19 =	sld [smem:$0x3FDB];
	_ =	sdelay $0x1  }
0x99: {  	s4 =	simm.s32 $_scs_section_size  }
0x9a: {  	s5 =	simm.s32 $_size__tile_overlayer_lowered;
	s6 =	simm.s32 $_tile_overlayer_lowered  }
0x9b: {  	s22 =	simm.s32 $0x1BFF;
	s21 =	sshll.u32 s6, $0x1;
	s3 =	sadd.s32 s4, s19  }
0x9c: {  	s7 =	simm.s32 $0x0;
	s20 =	sshll.u32 s5, $0x1;
	s5 =	sadd.s32 s21, s3  }
0x9d: {  	[timem:s7], [sflag:s22] =	dma.local [hbm:s5], s20  }
0x9e: {  	_ =	swait.ge [sflag:s22], s20  }
0x9f: {  	s4 =	ssub.s32 $0x0, s20;
	[sflag:s22] =	ssyncset.done $0x0  }
0xa0: {  	[sflag:s22] =	ssyncadd.s32 s4;
	_ =	sdelay $0x1  }
0xa1: {  	s23 =	simm.s32 $0x1B8B  }
0xa2: {  	_ =	swait.ge [sflag:s23], $0x1  }
0xa3: {  	[sflag:s23] =	ssyncset.done $0x0  }
0xa4: {  	s25 =	simm.s32 $0x1B8E;
	s24 =	sld [smem:$0x3FFE];
	[sflag:s23] =	ssyncadd.s32 $0xFFFFFFFF  }
0xa5: {  	s26 =	simm.s32 $execute0_lowered;
	[smem:$0x3FD2] =	sst s25  }
0xa6: {  	s5 =	sshll.u32 s26, $0x1;
	_ =	strace $0x80000046;
	[dreg:$0x1] =	wrdreg $0xFFFFFFFF  }
0xa7: {  	s28 =	simm.s32 $_size_execute0_lowered;
	s3 =	sadd.s32 s3, s5;
	[dreg:$0x0] =	wrdreg $0x0  }
0xa8: {  	s5 =	sshll.u32 s28, $0x1;
	[dreg:$0x2] =	wrdreg s3  }
0xa9: {  	[dreg:$0x3] =	wrdreg s5  }
0xaa: {  	[dreg:$0x4] =	wrdreg $0xC0  }
0xab: {  	_ =	task [dreg:s7], $0x5FFFF  }
0xac: {  	[dreg:$0x1] =	wrdreg $0xFFFFFFFF  }
0xad: {  	[dreg:$0x0] =	wrdreg $0x60  }
0xae: {  	[dreg:$0x2] =	wrdreg s2  }
0xaf: {  	[dreg:$0x3] =	wrdreg s24  }
0xb0: {  	[dreg:$0x4] =	wrdreg $0x9  }
0xb1: {  	_ =	task.clear_ibuf [dreg:s7], $0x5FFFF;
	_ =	strace $0x90000046  }
0xb2: {  	s29 =	simm.s32 $0x9;
	_ =	strace $0x80000048  }
0xb3: {  	_ =	swait.ge [sflag:s29], $0x1  }
0xb4: {  	[sflag:s29] =	ssyncadd.s32 $0xFFFFFFFF  }
0xb5: {  	_ =	strace $0x90000048  }
0xb6: {  	_ =	sfence  }
0xb7: {  	s30 =	sld [smem:$0x0];
	_ =	sdelay $0x2  }
0xb8: {  	s31 =	sshll.u32 s1, $0xD;
	s1 =	sshrl.u32 s1, $0x2  }
0xb9: {  	s3 =	sand.u32 $0x4000, s31;
	s1 =	sadd.s32 s1, s30  }
0xba: {  	s0 =	sor.u32 s3, s0;
	s1 =	sshll.u32 s1, $0x11  }
0xbb: {  	s0 =	sor.u32 s1, s0  }
0xbc: {  	s0 =	sadd.s32 $0x8F2B, s0  }
0xbd: {  	[sflag:s0] =	ssyncadd.remote.s32 $0x1  }
0xbe: {  	_ =	sfence.sel $0xFFFF  }
0xbf: {  	[dreg:$0x0] =	wrdreg $0xFFFFFFFF;
	(pc) =	sbr.abs _section_cstart, $3  }
0xc0: {  	[dreg:$0x1] =	wrdreg $0xFFFFFFFF  }
0xc1: {  	_ =	task.clear_ibuf [dreg:s7], $0x2FFFF;
	_ =	strace $0x9FFFFFFF  }
0xc2: {  	(tm) =	ssettm $0x7FFFFFFF  }
0xc3: {  	_ =	shalt  }
tec
execute0_lowered:
.L_overlay_start_1:
0x0: {  	(tag) =	ssettag $0x1  }
0x1: {  	s0 =	srdreg.scid  }
0x2: {  	s3 =	sand.u32 $0x1, s0  }
0x3: {  	s4 =	rddreg [dreg:$0x0];
	s0 =	stileid.u32;
	s1 =	sshll.u32 s3, $0x4  }
0x4: {  	s6 =	rddreg [dreg:$0x1];
	s2 =	simm.s32 $0x0;
	s1 =	sor.u32 s0, s1  }
0x5: {  	s8 =	simm.s32 $0x1;
	s9 =	simm.s32 $0x2780;
	s1 =	sshrl.u32 s1, $0x3  }
0x6: {  	s10 =	simm.s32 $0x0;
	s30 =	sshll.u32 s0, $0x7;
	s5 =	smul.u32 $0x13C00, s1  }
0x7: {  	[smem:$0x7FF] =	sst s2;
	s3 =	ssub.s32 $0x2, s3;
	s7 =	sand.u32 $0x380, s30  }
0x8: {  	s31 =	sshrl.u32 s3, $0x1;
	s1 =	rddreg [dreg:$0x2];
	s5 =	sor.u32 s7, s5  }
0x9: {  	_ =	strace $0x80000047;
	s7 =	ssub.s32 s3, s31;
	s5 =	sshrl.u32 s5, $0x3  }
0xa: {  	s6 =	sadd.s32 s5, s6;
	s3 =	sadd.s32 s4, s5;
	s5 =	smax.u32 s7, $0x1  }
0xb: {  	v0 =	vimm.f32 $0.0e+00;
	v1 =	vimm.f32 $1.000000000e+00;
	s7 =	simm.s32 $0x400;
	s4 =	sadd.s32 $0x1C00, s6;
	s6 =	simm.s32 $0x80  }
.LBB2_1:
0xc: {  	[tilespmem:s2], [sflag:$0x1] =	stream.strided.gather [hbm4b:s3+s6], $0x2780, s7, s6, $0x38;
	[tilespmem:$0x4F00] =	vst v63  }
0xd: {  	_ =	swait.ge [sflag:s8], $0x2780  }
0xe: {  	[sflag:s8] =	ssyncset.done $0x0  }
0xf: {  	s11 =	simm.s32 $0x0;
	[sflag:s8] =	ssyncadd.s32 $0xFFFFD880  }
.LBB2_2:
0x10: {  	p0 =	sne.s32 s11, $0x9C00  }
.Ltmp0:
0x11: {  	_ = 	snop;
	(pc) =	sbr.rel @p0 .LBB2_2-.Ltmp0, $3  }
0x12: {  	_ =	sdelay $0x1  }
0x13: {  	s12 =	sshra.s32 s11, $0x2  }
0x14: {  	s11 =	sadd.s32 $0x40, s11;
	[tilespmem:s12+$0x2780] =	vst v0  }
0x15: {  	s12 =	simm.s32 $0x0;
	s11 =	simm.s32 $0x40  }
.LBB2_4:
0x16: {  	p0 =	sne.s32 s11, $0x9C00;
	v2 =	vld [tilespmem:s12+$0x0];
	_ =	sdelay $0x3  }
.Ltmp1:
0x17: {  	(pc) =	sbr.rel @p0 .LBB2_4-.Ltmp1, $2  }
0x18: {  	_ =	sdelay $0x2  }
0x19: {  	s12 =	sshra.s32 s11, $0x2;
	s11 =	sadd.s32 $0x40, s11;
	[tilespmem:v2+s9+$0x0] =	vst.idx.add.f32.msk $0xffff, v1  }
0x1a: {  	v2 =	vld [tilespmem:s12+$0x0];
	_ =	sdelay $0x5  }
0x1b: {  	s10 =	sadd.s32 $0x1, s10  }
0x1c: {  	p0 =	sne.s32 s10, s5  }
.Ltmp2:
0x1d: {  	[tilespmem:v2+s9+$0x0] =	vst.idx.add.f32.msk $0xffff, v1;
	(pc) =	sbr.rel @p0 .LBB2_1-.Ltmp2, $4  }
0x1e: {  	[hbm4b:s4+s6] =	stream.strided.scatter [tilespmem:s9], [sflag:$0x1], $0x2780, s7, s6, $0x38;
	[tilespmem:$0x4F00] =	vst v63  }
0x1f: {  	_ =	swait.ge [sflag:s8], $0x2780  }
0x20: {  	[sflag:s8] =	ssyncset.done $0x0  }
0x21: {  	[sflag:s8] =	ssyncadd.s32 $0xFFFFD880  }
0x22: {  	_ =	sfence.sel $0x180000  }
0x23: {  	[bflag:$0x0] =	sbarrier.arrive $0xFFFF  }
0x24: {  	p0 =	sne.s32 s0, $0x0;
	_ =	strace $0x90000047  }
0x25: {  	s0 =	sadd.s32 @!p0 $0x100000, s1;
	[bflag:$0x2] =	sbarrier.arrive $0xFFFF  }
0x26: {  	[sflag:s0] =	ssyncadd.tile.s32 @!p0 $0x1;
	_ =	shalt  }
.Lfunc_end2:
_tile_overlayer_lowered:
.L_overlay_start_2:
0x27: {  	(tag) =	ssettag $0x2  }
0x28: {  	s0 =	rddreg [dreg:$0x0];
	s2 =	stileid.u32  }
0x29: {  	s1 =	rddreg [dreg:$0x1];
	p0 =	sne.s32 s2, $0x0  }
0x2a: {  	s3 =	rddreg [dreg:$0x2];
	[bflag:$0x3] =	sbarrier.arrive $0xFFFF;
	s2 =	simm.s32 @!p0 $0x1C01  }
0x2b: {  	[timem:s3], [sflag:s2] =	dma.local @!p0 [hbm:s0], s1  }
0x2c: {  	s0 =	simm.s32 @!p0 $0x1  }
0x2d: {  	_ =	swait.ge @!p0 [sflag:s0], s1  }
0x2e: {  	s1 =	ssub.s32 @!p0 $0x0, s1;
	[sflag:s0] =	ssyncset.done @!p0 $0x0  }
0x2f: {  	[sflag:s0] =	ssyncadd.s32 @!p0 s1  }
0x30: {  	[bflag:$0x3] =	sbarrier.arrive $0xFFFF  }
0x31: {  	_ =	shalt  }

</sc_bundles>
